<compile_context>
chip_gen: v7x
topology: tpu7x:2x2x1
jax: 0.10.2.dev20260603
libtpu: 0.0.44.dev20260713+nightly
codegen_flags: <defaults>
</compile_context>

<pallas_src>
import functools

import jax
import jax.numpy as jnp
from jax import lax
from jax.experimental import pallas as pl
from jax.experimental.pallas import tpu as pltpu
from jax.experimental.pallas import tpu_sc as plsc

VOCAB = 100001
DIM = 64
BATCH = 16384
NF = 4
OUT_W = DIM + NF
PITCH = 128

NC = 2
NS = 16
NW = NC * NS
B_PER_W = BATCH // NW
L = 16
CHUNK = 128
N_CHUNKS = B_PER_W // CHUNK
FPAD = 16
OUT_WORDS = B_PER_W * PITCH

_MEAN = 0.5
_SCALE = float(1.0 / (1.0 / 12.0 + 1e-7) ** 0.5)

_mesh = plsc.VectorSubcoreMesh(core_axis_name="c", subcore_axis_name="s")


@functools.partial(
    pl.kernel,
    mesh=_mesh,
    out_type=jax.ShapeDtypeStruct((BATCH * PITCH,), jnp.float32),
    scratch_types=[
        pltpu.VMEM((B_PER_W,), jnp.int32),
        pltpu.VMEM((B_PER_W, DIM), jnp.float32),
        pltpu.VMEM((OUT_WORDS,), jnp.float32),
        pltpu.VMEM((FPAD + B_PER_W + FPAD,), jnp.float32),
        pltpu.VMEM((FPAD + B_PER_W + FPAD,), jnp.float32),
        pltpu.VMEM((FPAD + B_PER_W + FPAD,), jnp.float32),
        pltpu.VMEM((FPAD + B_PER_W + FPAD,), jnp.float32),
        [pltpu.SemaphoreType.DMA] * (B_PER_W // CHUNK),
        pltpu.SemaphoreType.DMA,
    ],
    compiler_params=pltpu.CompilerParams(use_tc_tiling_on_sc=False),
)
def _sc_embed(uid_hbm, fd_hbm, fm_hbm, fy_hbm, fw_hbm, table_hbm, out_hbm,
              idx_v, rows_v, out128_v, f0, f1, f2, f3, gsems, osem):
    wid = lax.axis_index("s") * NC + lax.axis_index("c")
    base = wid * B_PER_W

    pltpu.sync_copy(uid_hbm.at[pl.ds(base, B_PER_W)], idx_v)
    gathers = []
    for j in range(N_CHUNKS):
        gathers.append(pltpu.async_copy(
            table_hbm.at[idx_v.at[pl.ds(j * CHUNK, CHUNK)]],
            rows_v.at[pl.ds(j * CHUNK, CHUNK)],
            gsems[j],
        ))

    for fbuf, src in ((f0, fd_hbm), (f1, fm_hbm), (f2, fy_hbm),
                      (f3, fw_hbm)):
        pltpu.sync_copy(src.at[pl.ds(base, B_PER_W)],
                        fbuf.at[pl.ds(FPAD, B_PER_W)])
    for fbuf in (f0, f1, f2, f3):
        for i in range((FPAD + B_PER_W) // L):
            fbuf[pl.ds(i * L, L)] = (fbuf[pl.ds(i * L, L)] - _MEAN) * _SCALE

    lanes = lax.iota(jnp.int32, L)
    m0, m1, m2 = lanes == 0, lanes == 1, lanes == 2

    @pl.loop(0, B_PER_W)
    def _tails(r):
        t0 = f0[pl.ds(r + FPAD, L)]
        t1 = f1[pl.ds(r + FPAD - 1, L)]
        t2 = f2[pl.ds(r + FPAD - 2, L)]
        t3 = f3[pl.ds(r + FPAD - 3, L)]
        v = jnp.where(m0, t0, jnp.where(m1, t1, jnp.where(m2, t2, t3)))
        out128_v[pl.ds(r * PITCH + DIM, L)] = v

    writes = []
    for j in range(N_CHUNKS):
        gathers[j].wait()

        @pl.loop(j * CHUNK, (j + 1) * CHUNK)
        def _assemble(r):
            off = r * PITCH
            for c in range(DIM // L):
                out128_v[pl.ds(off + c * L, L)] = rows_v[r, pl.ds(c * L, L)]

        writes.append(pltpu.async_copy(
            out128_v.at[pl.ds(j * CHUNK * PITCH, CHUNK * PITCH)],
            out_hbm.at[pl.ds((base + j * CHUNK) * PITCH, CHUNK * PITCH)],
            osem,
        ))

    for w in writes:
        w.wait()


def kernel(user_id, review_day, review_month, review_year, review_weekday,
           table):
    uid = user_id.astype(jnp.int32)
    fd = review_day.reshape(BATCH)
    fm = review_month.reshape(BATCH)
    fy = review_year.reshape(BATCH)
    fw = review_weekday.reshape(BATCH)
    out = _sc_embed(uid, fd, fm, fy, fw, table)
    return out.reshape(BATCH, PITCH)[:, :OUT_W]

# --- scband reference (transcript-rebuilt; emitter-appended) ---
"""Pipeline reference for scband-user-model-81887846465574 (READ-ONLY COPY).

The authoritative reference and input builder live on the scoring server;
editing this copy changes nothing except your own understanding.
"""

import jax, jax.numpy as jnp
import numpy as np

VOCAB = 100001
DIM = 64
BATCH = 16384

# Adapted Normalization statistics (mean, variance) for each scalar feature,
# standing in for the .adapt() calls over the ratings dataframe.
DAY_STATS = (0.5, 1.0 / 12.0)
MONTH_STATS = (0.5, 1.0 / 12.0)
YEAR_STATS = (0.5, 1.0 / 12.0)
WEEKDAY_STATS = (0.5, 1.0 / 12.0)


def setup_inputs(seed: int = 0) -> dict:
    key = jax.random.key(seed)
    ks = jax.random.split(key, 6)
    user_id = jax.random.randint(ks[0], (BATCH,), 0, VOCAB, dtype=jnp.int64 if jax.config.jax_enable_x64 else jnp.int32)
    review_day = jax.random.uniform(ks[1], (BATCH, 1), dtype=jnp.float32)
    review_month = jax.random.uniform(ks[2], (BATCH, 1), dtype=jnp.float32)
    review_year = jax.random.uniform(ks[3], (BATCH, 1), dtype=jnp.float32)
    review_weekday = jax.random.uniform(ks[4], (BATCH, 1), dtype=jnp.float32)
    table = jax.random.normal(ks[5], (VOCAB, DIM), dtype=jnp.float32) * 0.05
    return {
        "user_id": user_id,
        "review_day": review_day,
        "review_month": review_month,
        "review_year": review_year,
        "review_weekday": review_weekday,
        "table": table,
    }


def _normalize(x, stats):
    mean, var = stats
    return (x - mean) / jnp.sqrt(var + 1e-7)


def reference(user_id, review_day, review_month, review_year, review_weekday, table):
    # StringLookup + Embedding -> integer indices into embedding table
    emb = jnp.take(table, user_id, axis=0)  # [B, 64]
    nd = _normalize(review_day, DAY_STATS)        # [B, 1]
    nm = _normalize(review_month, MONTH_STATS)    # [B, 1]
    ny = _normalize(review_year, YEAR_STATS)      # [B, 1]
    nw = _normalize(review_weekday, WEEKDAY_STATS)  # [B, 1]
    return jnp.concatenate([emb, nd, nm, ny, nw], axis=1)  # [B, 68]

if __name__ == "__main__":
    import jax
    _d = setup_inputs()
    print(jax.jit(kernel)(*tuple(_d.values())))

</pallas_src>

<mosaic_0001>
#map = affine_map<(d0, d1) -> (0)>
#map1 = affine_map<(d0, d1) -> (0, 0)>
module attributes {stable_mosaic.version = 14 : i64} {
  func.func @_sc_embed(%arg0: i32, %arg1: i32, %arg2: memref<16384xi32, #tpu.memory_space<hbm>>, %arg3: memref<16384xf32, #tpu.memory_space<hbm>>, %arg4: memref<16384xf32, #tpu.memory_space<hbm>>, %arg5: memref<16384xf32, #tpu.memory_space<hbm>>, %arg6: memref<16384xf32, #tpu.memory_space<hbm>>, %arg7: memref<100001x64xf32, #tpu.memory_space<hbm>>, %arg8: memref<2097152xf32, #tpu.memory_space<hbm>>, %arg9: memref<512xi32, #tpu.memory_space<vmem>>, %arg10: memref<512x64xf32, #tpu.memory_space<vmem>>, %arg11: memref<65536xf32, #tpu.memory_space<vmem>>, %arg12: memref<544xf32, #tpu.memory_space<vmem>>, %arg13: memref<544xf32, #tpu.memory_space<vmem>>, %arg14: memref<544xf32, #tpu.memory_space<vmem>>, %arg15: memref<544xf32, #tpu.memory_space<vmem>>, %arg16: memref<!tpu.dma_semaphore, #tpu.memory_space<semaphore_mem>>, %arg17: memref<!tpu.dma_semaphore, #tpu.memory_space<semaphore_mem>>, %arg18: memref<!tpu.dma_semaphore, #tpu.memory_space<semaphore_mem>>, %arg19: memref<!tpu.dma_semaphore, #tpu.memory_space<semaphore_mem>>, %arg20: memref<!tpu.dma_semaphore, #tpu.memory_space<semaphore_mem>>) attributes {dimension_semantics = [#tpu.dimension_semantics<core_parallel>, #tpu.dimension_semantics<subcore_parallel>], iteration_bounds = array<i64: 2, 16>, scalar_prefetch = 0 : i64, scratch_operands = 12 : i64, tpu.core_type = #tpu.core_type<sc_vector_subcore>, window_params = [{transform_indices = #map}, {transform_indices = #map}, {transform_indices = #map}, {transform_indices = #map}, {transform_indices = #map}, {transform_indices = #map1}, {transform_indices = #map}]} {
    %mul3A = arith.constant 2 : i32
    %mul3A_0 = arith.muli %arg1, %mul3A : i32
    %add3A = arith.addi %mul3A_0, %arg0 : i32
    %mul3A_1 = arith.constant 512 : i32
    %mul3A_2 = arith.muli %add3A, %mul3A_1 : i32
    "tpu.region"() ({
      %run_scoped3A = tpu.sem_alloc : memref<!tpu.dma_semaphore, #tpu.memory_space<semaphore_mem>>
      %dma_start3A_1874 = tpu.memref_slice %arg2[%mul3A_2] : memref<16384xi32, #tpu.memory_space<hbm>> -> memref<512xi32, #tpu.memory_space<hbm>>
      %dma_start3A_1875 = tpu.memref_slice %arg2[%mul3A_2] : memref<16384xi32, #tpu.memory_space<hbm>> -> memref<512xi32, #tpu.memory_space<hbm>>
      tpu.enqueue_dma source(%dma_start3A_1875 : memref<512xi32, #tpu.memory_space<hbm>>) target(%arg9 : memref<512xi32, #tpu.memory_space<vmem>>) target_semaphore(%run_scoped3A : memref<!tpu.dma_semaphore, #tpu.memory_space<semaphore_mem>>)
      %dma_wait3A_1876 = tpu.memref_slice %arg2[%mul3A_2] : memref<16384xi32, #tpu.memory_space<hbm>> -> memref<512xi32, #tpu.memory_space<hbm>>
      %dma_wait3A_1877 = tpu.memref_slice %arg2[%mul3A_2] : memref<16384xi32, #tpu.memory_space<hbm>> -> memref<512xi32, #tpu.memory_space<hbm>>
      tpu.wait_dma2 semaphore(%run_scoped3A : memref<!tpu.dma_semaphore, #tpu.memory_space<semaphore_mem>>) src(%dma_wait3A_1877 : memref<512xi32, #tpu.memory_space<hbm>>) dst(%arg9 : memref<512xi32, #tpu.memory_space<vmem>>)
      tpu.yield
    }) : () -> ()
    %dma_start3A = arith.constant 0 : i32
    %dma_start3A_3 = arith.constant 0 : i32
    %dma_start3A_4 = tpu.memref_slice %arg10[%dma_start3A, %dma_start3A_3] : memref<512x64xf32, #tpu.memory_space<vmem>> -> memref<128x64xf32, #tpu.memory_space<vmem>>
    %dma_start3A_5 = arith.constant 0 : i32
    %dma_start3A_6 = tpu.memref_slice %arg9[%dma_start3A_5] : memref<512xi32, #tpu.memory_space<vmem>> -> memref<128xi32, #tpu.memory_space<vmem>>
    %dma_start3A_7 = arith.constant 0 : i32
    %dma_start3A_8 = arith.constant 0 : i32
    %dma_start3A_9 = tpu.memref_slice %arg7[%dma_start3A_7, %dma_start3A_8] : memref<100001x64xf32, #tpu.memory_space<hbm>> -> memref<100001x64xf32, #tpu.memory_space<hbm>>
    tpu.enqueue_indirect_dma source(%dma_start3A_9 : memref<100001x64xf32, #tpu.memory_space<hbm>>) target(%dma_start3A_4 : memref<128x64xf32, #tpu.memory_space<vmem>>) offsets(%dma_start3A_6 : memref<128xi32, #tpu.memory_space<vmem>>) semaphore(%arg16 : memref<!tpu.dma_semaphore, #tpu.memory_space<semaphore_mem>>)
    %dma_start3A_10 = arith.constant 128 : i32
    %dma_start3A_11 = arith.constant 0 : i32
    %dma_start3A_12 = tpu.memref_slice %arg10[%dma_start3A_10, %dma_start3A_11] : memref<512x64xf32, #tpu.memory_space<vmem>> -> memref<128x64xf32, #tpu.memory_space<vmem>>
    %dma_start3A_13 = arith.constant 128 : i32
    %dma_start3A_14 = tpu.memref_slice %arg9[%dma_start3A_13] : memref<512xi32, #tpu.memory_space<vmem>> -> memref<128xi32, #tpu.memory_space<vmem>>
    %dma_start3A_15 = arith.constant 0 : i32
    %dma_start3A_16 = arith.constant 0 : i32
    %dma_start3A_17 = tpu.memref_slice %arg7[%dma_start3A_15, %dma_start3A_16] : memref<100001x64xf32, #tpu.memory_space<hbm>> -> memref<100001x64xf32, #tpu.memory_space<hbm>>
    tpu.enqueue_indirect_dma source(%dma_start3A_17 : memref<100001x64xf32, #tpu.memory_space<hbm>>) target(%dma_start3A_12 : memref<128x64xf32, #tpu.memory_space<vmem>>) offsets(%dma_start3A_14 : memref<128xi32, #tpu.memory_space<vmem>>) semaphore(%arg17 : memref<!tpu.dma_semaphore, #tpu.memory_space<semaphore_mem>>)
    %dma_start3A_18 = arith.constant 256 : i32
    %dma_start3A_19 = arith.constant 0 : i32
    %dma_start3A_20 = tpu.memref_slice %arg10[%dma_start3A_18, %dma_start3A_19] : memref<512x64xf32, #tpu.memory_space<vmem>> -> memref<128x64xf32, #tpu.memory_space<vmem>>
    %dma_start3A_21 = arith.constant 256 : i32
    %dma_start3A_22 = tpu.memref_slice %arg9[%dma_start3A_21] : memref<512xi32, #tpu.memory_space<vmem>> -> memref<128xi32, #tpu.memory_space<vmem>>
    %dma_start3A_23 = arith.constant 0 : i32
    %dma_start3A_24 = arith.constant 0 : i32
    %dma_start3A_25 = tpu.memref_slice %arg7[%dma_start3A_23, %dma_start3A_24] : memref<100001x64xf32, #tpu.memory_space<hbm>> -> memref<100001x64xf32, #tpu.memory_space<hbm>>
    tpu.enqueue_indirect_dma source(%dma_start3A_25 : memref<100001x64xf32, #tpu.memory_space<hbm>>) target(%dma_start3A_20 : memref<128x64xf32, #tpu.memory_space<vmem>>) offsets(%dma_start3A_22 : memref<128xi32, #tpu.memory_space<vmem>>) semaphore(%arg18 : memref<!tpu.dma_semaphore, #tpu.memory_space<semaphore_mem>>)
    %dma_start3A_26 = arith.constant 384 : i32
    %dma_start3A_27 = arith.constant 0 : i32
    %dma_start3A_28 = tpu.memref_slice %arg10[%dma_start3A_26, %dma_start3A_27] : memref<512x64xf32, #tpu.memory_space<vmem>> -> memref<128x64xf32, #tpu.memory_space<vmem>>
    %dma_start3A_29 = arith.constant 384 : i32
    %dma_start3A_30 = tpu.memref_slice %arg9[%dma_start3A_29] : memref<512xi32, #tpu.memory_space<vmem>> -> memref<128xi32, #tpu.memory_space<vmem>>
    %dma_start3A_31 = arith.constant 0 : i32
    %dma_start3A_32 = arith.constant 0 : i32
    %dma_start3A_33 = tpu.memref_slice %arg7[%dma_start3A_31, %dma_start3A_32] : memref<100001x64xf32, #tpu.memory_space<hbm>> -> memref<100001x64xf32, #tpu.memory_space<hbm>>
    tpu.enqueue_indirect_dma source(%dma_start3A_33 : memref<100001x64xf32, #tpu.memory_space<hbm>>) target(%dma_start3A_28 : memref<128x64xf32, #tpu.memory_space<vmem>>) offsets(%dma_start3A_30 : memref<128xi32, #tpu.memory_space<vmem>>) semaphore(%arg19 : memref<!tpu.dma_semaphore, #tpu.memory_space<semaphore_mem>>)
    "tpu.region"() ({
      %run_scoped3A = tpu.sem_alloc : memref<!tpu.dma_semaphore, #tpu.memory_space<semaphore_mem>>
      %dma_start3A_1874 = arith.constant 16 : i32
      %dma_start3A_1875 = tpu.memref_slice %arg12[%dma_start3A_1874] : memref<544xf32, #tpu.memory_space<vmem>> -> memref<512xf32, #tpu.memory_space<vmem>>
      %dma_start3A_1876 = tpu.memref_slice %arg3[%mul3A_2] : memref<16384xf32, #tpu.memory_space<hbm>> -> memref<512xf32, #tpu.memory_space<hbm>>
      %dma_start3A_1877 = arith.constant 16 : i32
      %dma_start3A_1878 = tpu.memref_slice %arg12[%dma_start3A_1877] : memref<544xf32, #tpu.memory_space<vmem>> -> memref<512xf32, #tpu.memory_space<vmem>>
      %dma_start3A_1879 = tpu.memref_slice %arg3[%mul3A_2] : memref<16384xf32, #tpu.memory_space<hbm>> -> memref<512xf32, #tpu.memory_space<hbm>>
      tpu.enqueue_dma source(%dma_start3A_1879 : memref<512xf32, #tpu.memory_space<hbm>>) target(%dma_start3A_1878 : memref<512xf32, #tpu.memory_space<vmem>>) target_semaphore(%run_scoped3A : memref<!tpu.dma_semaphore, #tpu.memory_space<semaphore_mem>>)
      %dma_wait3A_1880 = arith.constant 16 : i32
      %dma_wait3A_1881 = tpu.memref_slice %arg12[%dma_wait3A_1880] : memref<544xf32, #tpu.memory_space<vmem>> -> memref<512xf32, #tpu.memory_space<vmem>>
      %dma_wait3A_1882 = tpu.memref_slice %arg3[%mul3A_2] : memref<16384xf32, #tpu.memory_space<hbm>> -> memref<512xf32, #tpu.memory_space<hbm>>
      %dma_wait3A_1883 = arith.constant 16 : i32
      %dma_wait3A_1884 = tpu.memref_slice %arg12[%dma_wait3A_1883] : memref<544xf32, #tpu.memory_space<vmem>> -> memref<512xf32, #tpu.memory_space<vmem>>
      %dma_wait3A_1885 = tpu.memref_slice %arg3[%mul3A_2] : memref<16384xf32, #tpu.memory_space<hbm>> -> memref<512xf32, #tpu.memory_space<hbm>>
      tpu.wait_dma2 semaphore(%run_scoped3A : memref<!tpu.dma_semaphore, #tpu.memory_space<semaphore_mem>>) src(%dma_wait3A_1885 : memref<512xf32, #tpu.memory_space<hbm>>) dst(%dma_wait3A_1884 : memref<512xf32, #tpu.memory_space<vmem>>)
      tpu.yield
    }) : () -> ()
    "tpu.region"() ({
      %run_scoped3A = tpu.sem_alloc : memref<!tpu.dma_semaphore, #tpu.memory_space<semaphore_mem>>
      %dma_start3A_1874 = arith.constant 16 : i32
      %dma_start3A_1875 = tpu.memref_slice %arg13[%dma_start3A_1874] : memref<544xf32, #tpu.memory_space<vmem>> -> memref<512xf32, #tpu.memory_space<vmem>>
      %dma_start3A_1876 = tpu.memref_slice %arg4[%mul3A_2] : memref<16384xf32, #tpu.memory_space<hbm>> -> memref<512xf32, #tpu.memory_space<hbm>>
      %dma_start3A_1877 = arith.constant 16 : i32
      %dma_start3A_1878 = tpu.memref_slice %arg13[%dma_start3A_1877] : memref<544xf32, #tpu.memory_space<vmem>> -> memref<512xf32, #tpu.memory_space<vmem>>
      %dma_start3A_1879 = tpu.memref_slice %arg4[%mul3A_2] : memref<16384xf32, #tpu.memory_space<hbm>> -> memref<512xf32, #tpu.memory_space<hbm>>
      tpu.enqueue_dma source(%dma_start3A_1879 : memref<512xf32, #tpu.memory_space<hbm>>) target(%dma_start3A_1878 : memref<512xf32, #tpu.memory_space<vmem>>) target_semaphore(%run_scoped3A : memref<!tpu.dma_semaphore, #tpu.memory_space<semaphore_mem>>)
      %dma_wait3A_1880 = arith.constant 16 : i32
      %dma_wait3A_1881 = tpu.memref_slice %arg13[%dma_wait3A_1880] : memref<544xf32, #tpu.memory_space<vmem>> -> memref<512xf32, #tpu.memory_space<vmem>>
      %dma_wait3A_1882 = tpu.memref_slice %arg4[%mul3A_2] : memref<16384xf32, #tpu.memory_space<hbm>> -> memref<512xf32, #tpu.memory_space<hbm>>
      %dma_wait3A_1883 = arith.constant 16 : i32
      %dma_wait3A_1884 = tpu.memref_slice %arg13[%dma_wait3A_1883] : memref<544xf32, #tpu.memory_space<vmem>> -> memref<512xf32, #tpu.memory_space<vmem>>
      %dma_wait3A_1885 = tpu.memref_slice %arg4[%mul3A_2] : memref<16384xf32, #tpu.memory_space<hbm>> -> memref<512xf32, #tpu.memory_space<hbm>>
      tpu.wait_dma2 semaphore(%run_scoped3A : memref<!tpu.dma_semaphore, #tpu.memory_space<semaphore_mem>>) src(%dma_wait3A_1885 : memref<512xf32, #tpu.memory_space<hbm>>) dst(%dma_wait3A_1884 : memref<512xf32, #tpu.memory_space<vmem>>)
      tpu.yield
    }) : () -> ()
    "tpu.region"() ({
      %run_scoped3A = tpu.sem_alloc : memref<!tpu.dma_semaphore, #tpu.memory_space<semaphore_mem>>
      %dma_start3A_1874 = arith.constant 16 : i32
      %dma_start3A_1875 = tpu.memref_slice %arg14[%dma_start3A_1874] : memref<544xf32, #tpu.memory_space<vmem>> -> memref<512xf32, #tpu.memory_space<vmem>>
      %dma_start3A_1876 = tpu.memref_slice %arg5[%mul3A_2] : memref<16384xf32, #tpu.memory_space<hbm>> -> memref<512xf32, #tpu.memory_space<hbm>>
      %dma_start3A_1877 = arith.constant 16 : i32
      %dma_start3A_1878 = tpu.memref_slice %arg14[%dma_start3A_1877] : memref<544xf32, #tpu.memory_space<vmem>> -> memref<512xf32, #tpu.memory_space<vmem>>
      %dma_start3A_1879 = tpu.memref_slice %arg5[%mul3A_2] : memref<16384xf32, #tpu.memory_space<hbm>> -> memref<512xf32, #tpu.memory_space<hbm>>
      tpu.enqueue_dma source(%dma_start3A_1879 : memref<512xf32, #tpu.memory_space<hbm>>) target(%dma_start3A_1878 : memref<512xf32, #tpu.memory_space<vmem>>) target_semaphore(%run_scoped3A : memref<!tpu.dma_semaphore, #tpu.memory_space<semaphore_mem>>)
      %dma_wait3A_1880 = arith.constant 16 : i32
      %dma_wait3A_1881 = tpu.memref_slice %arg14[%dma_wait3A_1880] : memref<544xf32, #tpu.memory_space<vmem>> -> memref<512xf32, #tpu.memory_space<vmem>>
      %dma_wait3A_1882 = tpu.memref_slice %arg5[%mul3A_2] : memref<16384xf32, #tpu.memory_space<hbm>> -> memref<512xf32, #tpu.memory_space<hbm>>
      %dma_wait3A_1883 = arith.constant 16 : i32
      %dma_wait3A_1884 = tpu.memref_slice %arg14[%dma_wait3A_1883] : memref<544xf32, #tpu.memory_space<vmem>> -> memref<512xf32, #tpu.memory_space<vmem>>
      %dma_wait3A_1885 = tpu.memref_slice %arg5[%mul3A_2] : memref<16384xf32, #tpu.memory_space<hbm>> -> memref<512xf32, #tpu.memory_space<hbm>>
      tpu.wait_dma2 semaphore(%run_scoped3A : memref<!tpu.dma_semaphore, #tpu.memory_space<semaphore_mem>>) src(%dma_wait3A_1885 : memref<512xf32, #tpu.memory_space<hbm>>) dst(%dma_wait3A_1884 : memref<512xf32, #tpu.memory_space<vmem>>)
      tpu.yield
    }) : () -> ()
    "tpu.region"() ({
      %run_scoped3A = tpu.sem_alloc : memref<!tpu.dma_semaphore, #tpu.memory_space<semaphore_mem>>
      %dma_start3A_1874 = arith.constant 16 : i32
      %dma_start3A_1875 = tpu.memref_slice %arg15[%dma_start3A_1874] : memref<544xf32, #tpu.memory_space<vmem>> -> memref<512xf32, #tpu.memory_space<vmem>>
      %dma_start3A_1876 = tpu.memref_slice %arg6[%mul3A_2] : memref<16384xf32, #tpu.memory_space<hbm>> -> memref<512xf32, #tpu.memory_space<hbm>>
      %dma_start3A_1877 = arith.constant 16 : i32
      %dma_start3A_1878 = tpu.memref_slice %arg15[%dma_start3A_1877] : memref<544xf32, #tpu.memory_space<vmem>> -> memref<512xf32, #tpu.memory_space<vmem>>
      %dma_start3A_1879 = tpu.memref_slice %arg6[%mul3A_2] : memref<16384xf32, #tpu.memory_space<hbm>> -> memref<512xf32, #tpu.memory_space<hbm>>
      tpu.enqueue_dma source(%dma_start3A_1879 : memref<512xf32, #tpu.memory_space<hbm>>) target(%dma_start3A_1878 : memref<512xf32, #tpu.memory_space<vmem>>) target_semaphore(%run_scoped3A : memref<!tpu.dma_semaphore, #tpu.memory_space<semaphore_mem>>)
      %dma_wait3A_1880 = arith.constant 16 : i32
      %dma_wait3A_1881 = tpu.memref_slice %arg15[%dma_wait3A_1880] : memref<544xf32, #tpu.memory_space<vmem>> -> memref<512xf32, #tpu.memory_space<vmem>>
      %dma_wait3A_1882 = tpu.memref_slice %arg6[%mul3A_2] : memref<16384xf32, #tpu.memory_space<hbm>> -> memref<512xf32, #tpu.memory_space<hbm>>
      %dma_wait3A_1883 = arith.constant 16 : i32
      %dma_wait3A_1884 = tpu.memref_slice %arg15[%dma_wait3A_1883] : memref<544xf32, #tpu.memory_space<vmem>> -> memref<512xf32, #tpu.memory_space<vmem>>
      %dma_wait3A_1885 = tpu.memref_slice %arg6[%mul3A_2] : memref<16384xf32, #tpu.memory_space<hbm>> -> memref<512xf32, #tpu.memory_space<hbm>>
      tpu.wait_dma2 semaphore(%run_scoped3A : memref<!tpu.dma_semaphore, #tpu.memory_space<semaphore_mem>>) src(%dma_wait3A_1885 : memref<512xf32, #tpu.memory_space<hbm>>) dst(%dma_wait3A_1884 : memref<512xf32, #tpu.memory_space<vmem>>)
      tpu.yield
    }) : () -> ()
    %get3A = arith.constant 0 : index
    %get3A_34 = tpu.vector_load %arg12[%get3A] {strides = array<i32>} : memref<544xf32, #tpu.memory_space<vmem>>, vector<16xf32>,
    %get3A_35 = vector.shape_cast %get3A_34 : vector<16xf32> to vector<16xf32>
    %sub3A = arith.constant 5.000000e-01 : f32
    %sub3A_36 = vector.broadcast %sub3A : f32 to vector<16xf32>
    %sub3A_37 = arith.subf %get3A_35, %sub3A_36 : vector<16xf32>
    %mul3A_38 = arith.constant 3.46409965 : f32
    %mul3A_39 = vector.broadcast %mul3A_38 : f32 to vector<16xf32>
    %mul3A_40 = arith.mulf %sub3A_37, %mul3A_39 : vector<16xf32>
    %swap3A = arith.constant 0 : index
    %swap3A_41 = tpu.vector_load %arg12[%swap3A] {strides = array<i32>} : memref<544xf32, #tpu.memory_space<vmem>>, vector<16xf32>,
    %swap3A_42 = vector.shape_cast %swap3A_41 : vector<16xf32> to vector<16xf32>
    %swap3A_43 = vector.shape_cast %mul3A_40 : vector<16xf32> to vector<16xf32>
    tpu.vector_store %arg12[%swap3A], %swap3A_43 {strides = array<i32>} : memref<544xf32, #tpu.memory_space<vmem>>, vector<16xf32>,
    %get3A_44 = arith.constant 16 : index
    %get3A_45 = tpu.vector_load %arg12[%get3A_44] {strides = array<i32>} : memref<544xf32, #tpu.memory_space<vmem>>, vector<16xf32>,
    %get3A_46 = vector.shape_cast %get3A_45 : vector<16xf32> to vector<16xf32>
    %sub3A_47 = arith.constant 5.000000e-01 : f32
    %sub3A_48 = vector.broadcast %sub3A_47 : f32 to vector<16xf32>
    %sub3A_49 = arith.subf %get3A_46, %sub3A_48 : vector<16xf32>
    %mul3A_50 = arith.constant 3.46409965 : f32
    %mul3A_51 = vector.broadcast %mul3A_50 : f32 to vector<16xf32>
    %mul3A_52 = arith.mulf %sub3A_49, %mul3A_51 : vector<16xf32>
    %swap3A_53 = arith.constant 16 : index
    %swap3A_54 = tpu.vector_load %arg12[%swap3A_53] {strides = array<i32>} : memref<544xf32, #tpu.memory_space<vmem>>, vector<16xf32>,
    %swap3A_55 = vector.shape_cast %swap3A_54 : vector<16xf32> to vector<16xf32>
    %swap3A_56 = vector.shape_cast %mul3A_52 : vector<16xf32> to vector<16xf32>
    tpu.vector_store %arg12[%swap3A_53], %swap3A_56 {strides = array<i32>} : memref<544xf32, #tpu.memory_space<vmem>>, vector<16xf32>,
    %get3A_57 = arith.constant 32 : index
    %get3A_58 = tpu.vector_load %arg12[%get3A_57] {strides = array<i32>} : memref<544xf32, #tpu.memory_space<vmem>>, vector<16xf32>,
    %get3A_59 = vector.shape_cast %get3A_58 : vector<16xf32> to vector<16xf32>
    %sub3A_60 = arith.constant 5.000000e-01 : f32
    %sub3A_61 = vector.broadcast %sub3A_60 : f32 to vector<16xf32>
    %sub3A_62 = arith.subf %get3A_59, %sub3A_61 : vector<16xf32>
    %mul3A_63 = arith.constant 3.46409965 : f32
    %mul3A_64 = vector.broadcast %mul3A_63 : f32 to vector<16xf32>
    %mul3A_65 = arith.mulf %sub3A_62, %mul3A_64 : vector<16xf32>
    %swap3A_66 = arith.constant 32 : index
    %swap3A_67 = tpu.vector_load %arg12[%swap3A_66] {strides = array<i32>} : memref<544xf32, #tpu.memory_space<vmem>>, vector<16xf32>,
    %swap3A_68 = vector.shape_cast %swap3A_67 : vector<16xf32> to vector<16xf32>
    %swap3A_69 = vector.shape_cast %mul3A_65 : vector<16xf32> to vector<16xf32>
    tpu.vector_store %arg12[%swap3A_66], %swap3A_69 {strides = array<i32>} : memref<544xf32, #tpu.memory_space<vmem>>, vector<16xf32>,
    %get3A_70 = arith.constant 48 : index
    %get3A_71 = tpu.vector_load %arg12[%get3A_70] {strides = array<i32>} : memref<544xf32, #tpu.memory_space<vmem>>, vector<16xf32>,
    %get3A_72 = vector.shape_cast %get3A_71 : vector<16xf32> to vector<16xf32>
    %sub3A_73 = arith.constant 5.000000e-01 : f32
    %sub3A_74 = vector.broadcast %sub3A_73 : f32 to vector<16xf32>
    %sub3A_75 = arith.subf %get3A_72, %sub3A_74 : vector<16xf32>
    %mul3A_76 = arith.constant 3.46409965 : f32
    %mul3A_77 = vector.broadcast %mul3A_76 : f32 to vector<16xf32>
    %mul3A_78 = arith.mulf %sub3A_75, %mul3A_77 : vector<16xf32>
    %swap3A_79 = arith.constant 48 : index
    %swap3A_80 = tpu.vector_load %arg12[%swap3A_79] {strides = array<i32>} : memref<544xf32, #tpu.memory_space<vmem>>, vector<16xf32>,
    %swap3A_81 = vector.shape_cast %swap3A_80 : vector<16xf32> to vector<16xf32>
    %swap3A_82 = vector.shape_cast %mul3A_78 : vector<16xf32> to vector<16xf32>
    tpu.vector_store %arg12[%swap3A_79], %swap3A_82 {strides = array<i32>} : memref<544xf32, #tpu.memory_space<vmem>>, vector<16xf32>,
    %get3A_83 = arith.constant 64 : index
    %get3A_84 = tpu.vector_load %arg12[%get3A_83] {strides = array<i32>} : memref<544xf32, #tpu.memory_space<vmem>>, vector<16xf32>,
    %get3A_85 = vector.shape_cast %get3A_84 : vector<16xf32> to vector<16xf32>
    %sub3A_86 = arith.constant 5.000000e-01 : f32
    %sub3A_87 = vector.broadcast %sub3A_86 : f32 to vector<16xf32>
    %sub3A_88 = arith.subf %get3A_85, %sub3A_87 : vector<16xf32>
    %mul3A_89 = arith.constant 3.46409965 : f32
    %mul3A_90 = vector.broadcast %mul3A_89 : f32 to vector<16xf32>
    %mul3A_91 = arith.mulf %sub3A_88, %mul3A_90 : vector<16xf32>
    %swap3A_92 = arith.constant 64 : index
    %swap3A_93 = tpu.vector_load %arg12[%swap3A_92] {strides = array<i32>} : memref<544xf32, #tpu.memory_space<vmem>>, vector<16xf32>,
    %swap3A_94 = vector.shape_cast %swap3A_93 : vector<16xf32> to vector<16xf32>
    %swap3A_95 = vector.shape_cast %mul3A_91 : vector<16xf32> to vector<16xf32>
    tpu.vector_store %arg12[%swap3A_92], %swap3A_95 {strides = array<i32>} : memref<544xf32, #tpu.memory_space<vmem>>, vector<16xf32>,
    %get3A_96 = arith.constant 80 : index
    %get3A_97 = tpu.vector_load %arg12[%get3A_96] {strides = array<i32>} : memref<544xf32, #tpu.memory_space<vmem>>, vector<16xf32>,
    %get3A_98 = vector.shape_cast %get3A_97 : vector<16xf32> to vector<16xf32>
    %sub3A_99 = arith.constant 5.000000e-01 : f32
    %sub3A_100 = vector.broadcast %sub3A_99 : f32 to vector<16xf32>
    %sub3A_101 = arith.subf %get3A_98, %sub3A_100 : vector<16xf32>
    %mul3A_102 = arith.constant 3.46409965 : f32
    %mul3A_103 = vector.broadcast %mul3A_102 : f32 to vector<16xf32>
    %mul3A_104 = arith.mulf %sub3A_101, %mul3A_103 : vector<16xf32>
    %swap3A_105 = arith.constant 80 : index
    %swap3A_106 = tpu.vector_load %arg12[%swap3A_105] {strides = array<i32>} : memref<544xf32, #tpu.memory_space<vmem>>, vector<16xf32>,
    %swap3A_107 = vector.shape_cast %swap3A_106 : vector<16xf32> to vector<16xf32>
    %swap3A_108 = vector.shape_cast %mul3A_104 : vector<16xf32> to vector<16xf32>
    tpu.vector_store %arg12[%swap3A_105], %swap3A_108 {strides = array<i32>} : memref<544xf32, #tpu.memory_space<vmem>>, vector<16xf32>,
    %get3A_109 = arith.constant 96 : index
    %get3A_110 = tpu.vector_load %arg12[%get3A_109] {strides = array<i32>} : memref<544xf32, #tpu.memory_space<vmem>>, vector<16xf32>,
    %get3A_111 = vector.shape_cast %get3A_110 : vector<16xf32> to vector<16xf32>
    %sub3A_112 = arith.constant 5.000000e-01 : f32
    %sub3A_113 = vector.broadcast %sub3A_112 : f32 to vector<16xf32>
    %sub3A_114 = arith.subf %get3A_111, %sub3A_113 : vector<16xf32>
    %mul3A_115 = arith.constant 3.46409965 : f32
    %mul3A_116 = vector.broadcast %mul3A_115 : f32 to vector<16xf32>
    %mul3A_117 = arith.mulf %sub3A_114, %mul3A_116 : vector<16xf32>
    %swap3A_118 = arith.constant 96 : index
    %swap3A_119 = tpu.vector_load %arg12[%swap3A_118] {strides = array<i32>} : memref<544xf32, #tpu.memory_space<vmem>>, vector<16xf32>,
    %swap3A_120 = vector.shape_cast %swap3A_119 : vector<16xf32> to vector<16xf32>
    %swap3A_121 = vector.shape_cast %mul3A_117 : vector<16xf32> to vector<16xf32>
    tpu.vector_store %arg12[%swap3A_118], %swap3A_121 {strides = array<i32>} : memref<544xf32, #tpu.memory_space<vmem>>, vector<16xf32>,
    %get3A_122 = arith.constant 112 : index
    %get3A_123 = tpu.vector_load %arg12[%get3A_122] {strides = array<i32>} : memref<544xf32, #tpu.memory_space<vmem>>, vector<16xf32>,
    %get3A_124 = vector.shape_cast %get3A_123 : vector<16xf32> to vector<16xf32>
    %sub3A_125 = arith.constant 5.000000e-01 : f32
    %sub3A_126 = vector.broadcast %sub3A_125 : f32 to vector<16xf32>
    %sub3A_127 = arith.subf %get3A_124, %sub3A_126 : vector<16xf32>
    %mul3A_128 = arith.constant 3.46409965 : f32
    %mul3A_129 = vector.broadcast %mul3A_128 : f32 to vector<16xf32>
    %mul3A_130 = arith.mulf %sub3A_127, %mul3A_129 : vector<16xf32>
    %swap3A_131 = arith.constant 112 : index
    %swap3A_132 = tpu.vector_load %arg12[%swap3A_131] {strides = array<i32>} : memref<544xf32, #tpu.memory_space<vmem>>, vector<16xf32>,
    %swap3A_133 = vector.shape_cast %swap3A_132 : vector<16xf32> to vector<16xf32>
    %swap3A_134 = vector.shape_cast %mul3A_130 : vector<16xf32> to vector<16xf32>
    tpu.vector_store %arg12[%swap3A_131], %swap3A_134 {strides = array<i32>} : memref<544xf32, #tpu.memory_space<vmem>>, vector<16xf32>,
    %get3A_135 = arith.constant 128 : index
    %get3A_136 = tpu.vector_load %arg12[%get3A_135] {strides = array<i32>} : memref<544xf32, #tpu.memory_space<vmem>>, vector<16xf32>,
    %get3A_137 = vector.shape_cast %get3A_136 : vector<16xf32> to vector<16xf32>
    %sub3A_138 = arith.constant 5.000000e-01 : f32
    %sub3A_139 = vector.broadcast %sub3A_138 : f32 to vector<16xf32>
    %sub3A_140 = arith.subf %get3A_137, %sub3A_139 : vector<16xf32>
    %mul3A_141 = arith.constant 3.46409965 : f32
    %mul3A_142 = vector.broadcast %mul3A_141 : f32 to vector<16xf32>
    %mul3A_143 = arith.mulf %sub3A_140, %mul3A_142 : vector<16xf32>
    %swap3A_144 = arith.constant 128 : index
    %swap3A_145 = tpu.vector_load %arg12[%swap3A_144] {strides = array<i32>} : memref<544xf32, #tpu.memory_space<vmem>>, vector<16xf32>,
    %swap3A_146 = vector.shape_cast %swap3A_145 : vector<16xf32> to vector<16xf32>
    %swap3A_147 = vector.shape_cast %mul3A_143 : vector<16xf32> to vector<16xf32>
    tpu.vector_store %arg12[%swap3A_144], %swap3A_147 {strides = array<i32>} : memref<544xf32, #tpu.memory_space<vmem>>, vector<16xf32>,
    %get3A_148 = arith.constant 144 : index
    %get3A_149 = tpu.vector_load %arg12[%get3A_148] {strides = array<i32>} : memref<544xf32, #tpu.memory_space<vmem>>, vector<16xf32>,
    %get3A_150 = vector.shape_cast %get3A_149 : vector<16xf32> to vector<16xf32>
    %sub3A_151 = arith.constant 5.000000e-01 : f32
    %sub3A_152 = vector.broadcast %sub3A_151 : f32 to vector<16xf32>
    %sub3A_153 = arith.subf %get3A_150, %sub3A_152 : vector<16xf32>
    %mul3A_154 = arith.constant 3.46409965 : f32
    %mul3A_155 = vector.broadcast %mul3A_154 : f32 to vector<16xf32>
    %mul3A_156 = arith.mulf %sub3A_153, %mul3A_155 : vector<16xf32>
    %swap3A_157 = arith.constant 144 : index
    %swap3A_158 = tpu.vector_load %arg12[%swap3A_157] {strides = array<i32>} : memref<544xf32, #tpu.memory_space<vmem>>, vector<16xf32>,
    %swap3A_159 = vector.shape_cast %swap3A_158 : vector<16xf32> to vector<16xf32>
    %swap3A_160 = vector.shape_cast %mul3A_156 : vector<16xf32> to vector<16xf32>
    tpu.vector_store %arg12[%swap3A_157], %swap3A_160 {strides = array<i32>} : memref<544xf32, #tpu.memory_space<vmem>>, vector<16xf32>,
    %get3A_161 = arith.constant 160 : index
    %get3A_162 = tpu.vector_load %arg12[%get3A_161] {strides = array<i32>} : memref<544xf32, #tpu.memory_space<vmem>>, vector<16xf32>,
    %get3A_163 = vector.shape_cast %get3A_162 : vector<16xf32> to vector<16xf32>
    %sub3A_164 = arith.constant 5.000000e-01 : f32
    %sub3A_165 = vector.broadcast %sub3A_164 : f32 to vector<16xf32>
    %sub3A_166 = arith.subf %get3A_163, %sub3A_165 : vector<16xf32>
    %mul3A_167 = arith.constant 3.46409965 : f32
    %mul3A_168 = vector.broadcast %mul3A_167 : f32 to vector<16xf32>
    %mul3A_169 = arith.mulf %sub3A_166, %mul3A_168 : vector<16xf32>
    %swap3A_170 = arith.constant 160 : index
    %swap3A_171 = tpu.vector_load %arg12[%swap3A_170] {strides = array<i32>} : memref<544xf32, #tpu.memory_space<vmem>>, vector<16xf32>,
    %swap3A_172 = vector.shape_cast %swap3A_171 : vector<16xf32> to vector<16xf32>
    %swap3A_173 = vector.shape_cast %mul3A_169 : vector<16xf32> to vector<16xf32>
    tpu.vector_store %arg12[%swap3A_170], %swap3A_173 {strides = array<i32>} : memref<544xf32, #tpu.memory_space<vmem>>, vector<16xf32>,
    %get3A_174 = arith.constant 176 : index
    %get3A_175 = tpu.vector_load %arg12[%get3A_174] {strides = array<i32>} : memref<544xf32, #tpu.memory_space<vmem>>, vector<16xf32>,
    %get3A_176 = vector.shape_cast %get3A_175 : vector<16xf32> to vector<16xf32>
    %sub3A_177 = arith.constant 5.000000e-01 : f32
    %sub3A_178 = vector.broadcast %sub3A_177 : f32 to vector<16xf32>
    %sub3A_179 = arith.subf %get3A_176, %sub3A_178 : vector<16xf32>
    %mul3A_180 = arith.constant 3.46409965 : f32
    %mul3A_181 = vector.broadcast %mul3A_180 : f32 to vector<16xf32>
    %mul3A_182 = arith.mulf %sub3A_179, %mul3A_181 : vector<16xf32>
    %swap3A_183 = arith.constant 176 : index
    %swap3A_184 = tpu.vector_load %arg12[%swap3A_183] {strides = array<i32>} : memref<544xf32, #tpu.memory_space<vmem>>, vector<16xf32>,
    %swap3A_185 = vector.shape_cast %swap3A_184 : vector<16xf32> to vector<16xf32>
    %swap3A_186 = vector.shape_cast %mul3A_182 : vector<16xf32> to vector<16xf32>
    tpu.vector_store %arg12[%swap3A_183], %swap3A_186 {strides = array<i32>} : memref<544xf32, #tpu.memory_space<vmem>>, vector<16xf32>,
    %get3A_187 = arith.constant 192 : index
    %get3A_188 = tpu.vector_load %arg12[%get3A_187] {strides = array<i32>} : memref<544xf32, #tpu.memory_space<vmem>>, vector<16xf32>,
    %get3A_189 = vector.shape_cast %get3A_188 : vector<16xf32> to vector<16xf32>
    %sub3A_190 = arith.constant 5.000000e-01 : f32
    %sub3A_191 = vector.broadcast %sub3A_190 : f32 to vector<16xf32>
    %sub3A_192 = arith.subf %get3A_189, %sub3A_191 : vector<16xf32>
    %mul3A_193 = arith.constant 3.46409965 : f32
    %mul3A_194 = vector.broadcast %mul3A_193 : f32 to vector<16xf32>
    %mul3A_195 = arith.mulf %sub3A_192, %mul3A_194 : vector<16xf32>
    %swap3A_196 = arith.constant 192 : index
    %swap3A_197 = tpu.vector_load %arg12[%swap3A_196] {strides = array<i32>} : memref<544xf32, #tpu.memory_space<vmem>>, vector<16xf32>,
    %swap3A_198 = vector.shape_cast %swap3A_197 : vector<16xf32> to vector<16xf32>
    %swap3A_199 = vector.shape_cast %mul3A_195 : vector<16xf32> to vector<16xf32>
    tpu.vector_store %arg12[%swap3A_196], %swap3A_199 {strides = array<i32>} : memref<544xf32, #tpu.memory_space<vmem>>, vector<16xf32>,
    %get3A_200 = arith.constant 208 : index
    %get3A_201 = tpu.vector_load %arg12[%get3A_200] {strides = array<i32>} : memref<544xf32, #tpu.memory_space<vmem>>, vector<16xf32>,
    %get3A_202 = vector.shape_cast %get3A_201 : vector<16xf32> to vector<16xf32>
    %sub3A_203 = arith.constant 5.000000e-01 : f32
    %sub3A_204 = vector.broadcast %sub3A_203 : f32 to vector<16xf32>
    %sub3A_205 = arith.subf %get3A_202, %sub3A_204 : vector<16xf32>
    %mul3A_206 = arith.constant 3.46409965 : f32
    %mul3A_207 = vector.broadcast %mul3A_206 : f32 to vector<16xf32>
    %mul3A_208 = arith.mulf %sub3A_205, %mul3A_207 : vector<16xf32>
    %swap3A_209 = arith.constant 208 : index
    %swap3A_210 = tpu.vector_load %arg12[%swap3A_209] {strides = array<i32>} : memref<544xf32, #tpu.memory_space<vmem>>, vector<16xf32>,
    %swap3A_211 = vector.shape_cast %swap3A_210 : vector<16xf32> to vector<16xf32>
    %swap3A_212 = vector.shape_cast %mul3A_208 : vector<16xf32> to vector<16xf32>
    tpu.vector_store %arg12[%swap3A_209], %swap3A_212 {strides = array<i32>} : memref<544xf32, #tpu.memory_space<vmem>>, vector<16xf32>,
    %get3A_213 = arith.constant 224 : index
    %get3A_214 = tpu.vector_load %arg12[%get3A_213] {strides = array<i32>} : memref<544xf32, #tpu.memory_space<vmem>>, vector<16xf32>,
    %get3A_215 = vector.shape_cast %get3A_214 : vector<16xf32> to vector<16xf32>
    %sub3A_216 = arith.constant 5.000000e-01 : f32
    %sub3A_217 = vector.broadcast %sub3A_216 : f32 to vector<16xf32>
    %sub3A_218 = arith.subf %get3A_215, %sub3A_217 : vector<16xf32>
    %mul3A_219 = arith.constant 3.46409965 : f32
    %mul3A_220 = vector.broadcast %mul3A_219 : f32 to vector<16xf32>
    %mul3A_221 = arith.mulf %sub3A_218, %mul3A_220 : vector<16xf32>
    %swap3A_222 = arith.constant 224 : index
    %swap3A_223 = tpu.vector_load %arg12[%swap3A_222] {strides = array<i32>} : memref<544xf32, #tpu.memory_space<vmem>>, vector<16xf32>,
    %swap3A_224 = vector.shape_cast %swap3A_223 : vector<16xf32> to vector<16xf32>
    %swap3A_225 = vector.shape_cast %mul3A_221 : vector<16xf32> to vector<16xf32>
    tpu.vector_store %arg12[%swap3A_222], %swap3A_225 {strides = array<i32>} : memref<544xf32, #tpu.memory_space<vmem>>, vector<16xf32>,
    %get3A_226 = arith.constant 240 : index
    %get3A_227 = tpu.vector_load %arg12[%get3A_226] {strides = array<i32>} : memref<544xf32, #tpu.memory_space<vmem>>, vector<16xf32>,
    %get3A_228 = vector.shape_cast %get3A_227 : vector<16xf32> to vector<16xf32>
    %sub3A_229 = arith.constant 5.000000e-01 : f32
    %sub3A_230 = vector.broadcast %sub3A_229 : f32 to vector<16xf32>
    %sub3A_231 = arith.subf %get3A_228, %sub3A_230 : vector<16xf32>
    %mul3A_232 = arith.constant 3.46409965 : f32
    %mul3A_233 = vector.broadcast %mul3A_232 : f32 to vector<16xf32>
    %mul3A_234 = arith.mulf %sub3A_231, %mul3A_233 : vector<16xf32>
    %swap3A_235 = arith.constant 240 : index
    %swap3A_236 = tpu.vector_load %arg12[%swap3A_235] {strides = array<i32>} : memref<544xf32, #tpu.memory_space<vmem>>, vector<16xf32>,
    %swap3A_237 = vector.shape_cast %swap3A_236 : vector<16xf32> to vector<16xf32>
    %swap3A_238 = vector.shape_cast %mul3A_234 : vector<16xf32> to vector<16xf32>
    tpu.vector_store %arg12[%swap3A_235], %swap3A_238 {strides = array<i32>} : memref<544xf32, #tpu.memory_space<vmem>>, vector<16xf32>,
    %get3A_239 = arith.constant 256 : index
    %get3A_240 = tpu.vector_load %arg12[%get3A_239] {strides = array<i32>} : memref<544xf32, #tpu.memory_space<vmem>>, vector<16xf32>,
    %get3A_241 = vector.shape_cast %get3A_240 : vector<16xf32> to vector<16xf32>
    %sub3A_242 = arith.constant 5.000000e-01 : f32
    %sub3A_243 = vector.broadcast %sub3A_242 : f32 to vector<16xf32>
    %sub3A_244 = arith.subf %get3A_241, %sub3A_243 : vector<16xf32>
    %mul3A_245 = arith.constant 3.46409965 : f32
    %mul3A_246 = vector.broadcast %mul3A_245 : f32 to vector<16xf32>
    %mul3A_247 = arith.mulf %sub3A_244, %mul3A_246 : vector<16xf32>
    %swap3A_248 = arith.constant 256 : index
    %swap3A_249 = tpu.vector_load %arg12[%swap3A_248] {strides = array<i32>} : memref<544xf32, #tpu.memory_space<vmem>>, vector<16xf32>,
    %swap3A_250 = vector.shape_cast %swap3A_249 : vector<16xf32> to vector<16xf32>
    %swap3A_251 = vector.shape_cast %mul3A_247 : vector<16xf32> to vector<16xf32>
    tpu.vector_store %arg12[%swap3A_248], %swap3A_251 {strides = array<i32>} : memref<544xf32, #tpu.memory_space<vmem>>, vector<16xf32>,
    %get3A_252 = arith.constant 272 : index
    %get3A_253 = tpu.vector_load %arg12[%get3A_252] {strides = array<i32>} : memref<544xf32, #tpu.memory_space<vmem>>, vector<16xf32>,
    %get3A_254 = vector.shape_cast %get3A_253 : vector<16xf32> to vector<16xf32>
    %sub3A_255 = arith.constant 5.000000e-01 : f32
    %sub3A_256 = vector.broadcast %sub3A_255 : f32 to vector<16xf32>
    %sub3A_257 = arith.subf %get3A_254, %sub3A_256 : vector<16xf32>
    %mul3A_258 = arith.constant 3.46409965 : f32
    %mul3A_259 = vector.broadcast %mul3A_258 : f32 to vector<16xf32>
    %mul3A_260 = arith.mulf %sub3A_257, %mul3A_259 : vector<16xf32>
    %swap3A_261 = arith.constant 272 : index
    %swap3A_262 = tpu.vector_load %arg12[%swap3A_261] {strides = array<i32>} : memref<544xf32, #tpu.memory_space<vmem>>, vector<16xf32>,
    %swap3A_263 = vector.shape_cast %swap3A_262 : vector<16xf32> to vector<16xf32>
    %swap3A_264 = vector.shape_cast %mul3A_260 : vector<16xf32> to vector<16xf32>
    tpu.vector_store %arg12[%swap3A_261], %swap3A_264 {strides = array<i32>} : memref<544xf32, #tpu.memory_space<vmem>>, vector<16xf32>,
    %get3A_265 = arith.constant 288 : index
    %get3A_266 = tpu.vector_load %arg12[%get3A_265] {strides = array<i32>} : memref<544xf32, #tpu.memory_space<vmem>>, vector<16xf32>,
    %get3A_267 = vector.shape_cast %get3A_266 : vector<16xf32> to vector<16xf32>
    %sub3A_268 = arith.constant 5.000000e-01 : f32
    %sub3A_269 = vector.broadcast %sub3A_268 : f32 to vector<16xf32>
    %sub3A_270 = arith.subf %get3A_267, %sub3A_269 : vector<16xf32>
    %mul3A_271 = arith.constant 3.46409965 : f32
    %mul3A_272 = vector.broadcast %mul3A_271 : f32 to vector<16xf32>
    %mul3A_273 = arith.mulf %sub3A_270, %mul3A_272 : vector<16xf32>
    %swap3A_274 = arith.constant 288 : index
    %swap3A_275 = tpu.vector_load %arg12[%swap3A_274] {strides = array<i32>} : memref<544xf32, #tpu.memory_space<vmem>>, vector<16xf32>,
    %swap3A_276 = vector.shape_cast %swap3A_275 : vector<16xf32> to vector<16xf32>
    %swap3A_277 = vector.shape_cast %mul3A_273 : vector<16xf32> to vector<16xf32>
    tpu.vector_store %arg12[%swap3A_274], %swap3A_277 {strides = array<i32>} : memref<544xf32, #tpu.memory_space<vmem>>, vector<16xf32>,
    %get3A_278 = arith.constant 304 : index
    %get3A_279 = tpu.vector_load %arg12[%get3A_278] {strides = array<i32>} : memref<544xf32, #tpu.memory_space<vmem>>, vector<16xf32>,
    %get3A_280 = vector.shape_cast %get3A_279 : vector<16xf32> to vector<16xf32>
    %sub3A_281 = arith.constant 5.000000e-01 : f32
    %sub3A_282 = vector.broadcast %sub3A_281 : f32 to vector<16xf32>
    %sub3A_283 = arith.subf %get3A_280, %sub3A_282 : vector<16xf32>
    %mul3A_284 = arith.constant 3.46409965 : f32
    %mul3A_285 = vector.broadcast %mul3A_284 : f32 to vector<16xf32>
    %mul3A_286 = arith.mulf %sub3A_283, %mul3A_285 : vector<16xf32>
    %swap3A_287 = arith.constant 304 : index
    %swap3A_288 = tpu.vector_load %arg12[%swap3A_287] {strides = array<i32>} : memref<544xf32, #tpu.memory_space<vmem>>, vector<16xf32>,
    %swap3A_289 = vector.shape_cast %swap3A_288 : vector<16xf32> to vector<16xf32>
    %swap3A_290 = vector.shape_cast %mul3A_286 : vector<16xf32> to vector<16xf32>
    tpu.vector_store %arg12[%swap3A_287], %swap3A_290 {strides = array<i32>} : memref<544xf32, #tpu.memory_space<vmem>>, vector<16xf32>,
    %get3A_291 = arith.constant 320 : index
    %get3A_292 = tpu.vector_load %arg12[%get3A_291] {strides = array<i32>} : memref<544xf32, #tpu.memory_space<vmem>>, vector<16xf32>,
    %get3A_293 = vector.shape_cast %get3A_292 : vector<16xf32> to vector<16xf32>
    %sub3A_294 = arith.constant 5.000000e-01 : f32
    %sub3A_295 = vector.broadcast %sub3A_294 : f32 to vector<16xf32>
    %sub3A_296 = arith.subf %get3A_293, %sub3A_295 : vector<16xf32>
    %mul3A_297 = arith.constant 3.46409965 : f32
    %mul3A_298 = vector.broadcast %mul3A_297 : f32 to vector<16xf32>
    %mul3A_299 = arith.mulf %sub3A_296, %mul3A_298 : vector<16xf32>
    %swap3A_300 = arith.constant 320 : index
    %swap3A_301 = tpu.vector_load %arg12[%swap3A_300] {strides = array<i32>} : memref<544xf32, #tpu.memory_space<vmem>>, vector<16xf32>,
    %swap3A_302 = vector.shape_cast %swap3A_301 : vector<16xf32> to vector<16xf32>
    %swap3A_303 = vector.shape_cast %mul3A_299 : vector<16xf32> to vector<16xf32>
    tpu.vector_store %arg12[%swap3A_300], %swap3A_303 {strides = array<i32>} : memref<544xf32, #tpu.memory_space<vmem>>, vector<16xf32>,
    %get3A_304 = arith.constant 336 : index
    %get3A_305 = tpu.vector_load %arg12[%get3A_304] {strides = array<i32>} : memref<544xf32, #tpu.memory_space<vmem>>, vector<16xf32>,
    %get3A_306 = vector.shape_cast %get3A_305 : vector<16xf32> to vector<16xf32>
    %sub3A_307 = arith.constant 5.000000e-01 : f32
    %sub3A_308 = vector.broadcast %sub3A_307 : f32 to vector<16xf32>
    %sub3A_309 = arith.subf %get3A_306, %sub3A_308 : vector<16xf32>
    %mul3A_310 = arith.constant 3.46409965 : f32
    %mul3A_311 = vector.broadcast %mul3A_310 : f32 to vector<16xf32>
    %mul3A_312 = arith.mulf %sub3A_309, %mul3A_311 : vector<16xf32>
    %swap3A_313 = arith.constant 336 : index
    %swap3A_314 = tpu.vector_load %arg12[%swap3A_313] {strides = array<i32>} : memref<544xf32, #tpu.memory_space<vmem>>, vector<16xf32>,
    %swap3A_315 = vector.shape_cast %swap3A_314 : vector<16xf32> to vector<16xf32>
    %swap3A_316 = vector.shape_cast %mul3A_312 : vector<16xf32> to vector<16xf32>
    tpu.vector_store %arg12[%swap3A_313], %swap3A_316 {strides = array<i32>} : memref<544xf32, #tpu.memory_space<vmem>>, vector<16xf32>,
    %get3A_317 = arith.constant 352 : index
    %get3A_318 = tpu.vector_load %arg12[%get3A_317] {strides = array<i32>} : memref<544xf32, #tpu.memory_space<vmem>>, vector<16xf32>,
    %get3A_319 = vector.shape_cast %get3A_318 : vector<16xf32> to vector<16xf32>
    %sub3A_320 = arith.constant 5.000000e-01 : f32
    %sub3A_321 = vector.broadcast %sub3A_320 : f32 to vector<16xf32>
    %sub3A_322 = arith.subf %get3A_319, %sub3A_321 : vector<16xf32>
    %mul3A_323 = arith.constant 3.46409965 : f32
    %mul3A_324 = vector.broadcast %mul3A_323 : f32 to vector<16xf32>
    %mul3A_325 = arith.mulf %sub3A_322, %mul3A_324 : vector<16xf32>
    %swap3A_326 = arith.constant 352 : index
    %swap3A_327 = tpu.vector_load %arg12[%swap3A_326] {strides = array<i32>} : memref<544xf32, #tpu.memory_space<vmem>>, vector<16xf32>,
    %swap3A_328 = vector.shape_cast %swap3A_327 : vector<16xf32> to vector<16xf32>
    %swap3A_329 = vector.shape_cast %mul3A_325 : vector<16xf32> to vector<16xf32>
    tpu.vector_store %arg12[%swap3A_326], %swap3A_329 {strides = array<i32>} : memref<544xf32, #tpu.memory_space<vmem>>, vector<16xf32>,
    %get3A_330 = arith.constant 368 : index
    %get3A_331 = tpu.vector_load %arg12[%get3A_330] {strides = array<i32>} : memref<544xf32, #tpu.memory_space<vmem>>, vector<16xf32>,
    %get3A_332 = vector.shape_cast %get3A_331 : vector<16xf32> to vector<16xf32>
    %sub3A_333 = arith.constant 5.000000e-01 : f32
    %sub3A_334 = vector.broadcast %sub3A_333 : f32 to vector<16xf32>
    %sub3A_335 = arith.subf %get3A_332, %sub3A_334 : vector<16xf32>
    %mul3A_336 = arith.constant 3.46409965 : f32
    %mul3A_337 = vector.broadcast %mul3A_336 : f32 to vector<16xf32>
    %mul3A_338 = arith.mulf %sub3A_335, %mul3A_337 : vector<16xf32>
    %swap3A_339 = arith.constant 368 : index
    %swap3A_340 = tpu.vector_load %arg12[%swap3A_339] {strides = array<i32>} : memref<544xf32, #tpu.memory_space<vmem>>, vector<16xf32>,
    %swap3A_341 = vector.shape_cast %swap3A_340 : vector<16xf32> to vector<16xf32>
    %swap3A_342 = vector.shape_cast %mul3A_338 : vector<16xf32> to vector<16xf32>
    tpu.vector_store %arg12[%swap3A_339], %swap3A_342 {strides = array<i32>} : memref<544xf32, #tpu.memory_space<vmem>>, vector<16xf32>,
    %get3A_343 = arith.constant 384 : index
    %get3A_344 = tpu.vector_load %arg12[%get3A_343] {strides = array<i32>} : memref<544xf32, #tpu.memory_space<vmem>>, vector<16xf32>,
    %get3A_345 = vector.shape_cast %get3A_344 : vector<16xf32> to vector<16xf32>
    %sub3A_346 = arith.constant 5.000000e-01 : f32
    %sub3A_347 = vector.broadcast %sub3A_346 : f32 to vector<16xf32>
    %sub3A_348 = arith.subf %get3A_345, %sub3A_347 : vector<16xf32>
    %mul3A_349 = arith.constant 3.46409965 : f32
    %mul3A_350 = vector.broadcast %mul3A_349 : f32 to vector<16xf32>
    %mul3A_351 = arith.mulf %sub3A_348, %mul3A_350 : vector<16xf32>
    %swap3A_352 = arith.constant 384 : index
    %swap3A_353 = tpu.vector_load %arg12[%swap3A_352] {strides = array<i32>} : memref<544xf32, #tpu.memory_space<vmem>>, vector<16xf32>,
    %swap3A_354 = vector.shape_cast %swap3A_353 : vector<16xf32> to vector<16xf32>
    %swap3A_355 = vector.shape_cast %mul3A_351 : vector<16xf32> to vector<16xf32>
    tpu.vector_store %arg12[%swap3A_352], %swap3A_355 {strides = array<i32>} : memref<544xf32, #tpu.memory_space<vmem>>, vector<16xf32>,
    %get3A_356 = arith.constant 400 : index
    %get3A_357 = tpu.vector_load %arg12[%get3A_356] {strides = array<i32>} : memref<544xf32, #tpu.memory_space<vmem>>, vector<16xf32>,
    %get3A_358 = vector.shape_cast %get3A_357 : vector<16xf32> to vector<16xf32>
    %sub3A_359 = arith.constant 5.000000e-01 : f32
    %sub3A_360 = vector.broadcast %sub3A_359 : f32 to vector<16xf32>
    %sub3A_361 = arith.subf %get3A_358, %sub3A_360 : vector<16xf32>
    %mul3A_362 = arith.constant 3.46409965 : f32
    %mul3A_363 = vector.broadcast %mul3A_362 : f32 to vector<16xf32>
    %mul3A_364 = arith.mulf %sub3A_361, %mul3A_363 : vector<16xf32>
    %swap3A_365 = arith.constant 400 : index
    %swap3A_366 = tpu.vector_load %arg12[%swap3A_365] {strides = array<i32>} : memref<544xf32, #tpu.memory_space<vmem>>, vector<16xf32>,
    %swap3A_367 = vector.shape_cast %swap3A_366 : vector<16xf32> to vector<16xf32>
    %swap3A_368 = vector.shape_cast %mul3A_364 : vector<16xf32> to vector<16xf32>
    tpu.vector_store %arg12[%swap3A_365], %swap3A_368 {strides = array<i32>} : memref<544xf32, #tpu.memory_space<vmem>>, vector<16xf32>,
    %get3A_369 = arith.constant 416 : index
    %get3A_370 = tpu.vector_load %arg12[%get3A_369] {strides = array<i32>} : memref<544xf32, #tpu.memory_space<vmem>>, vector<16xf32>,
    %get3A_371 = vector.shape_cast %get3A_370 : vector<16xf32> to vector<16xf32>
    %sub3A_372 = arith.constant 5.000000e-01 : f32
    %sub3A_373 = vector.broadcast %sub3A_372 : f32 to vector<16xf32>
    %sub3A_374 = arith.subf %get3A_371, %sub3A_373 : vector<16xf32>
    %mul3A_375 = arith.constant 3.46409965 : f32
    %mul3A_376 = vector.broadcast %mul3A_375 : f32 to vector<16xf32>
    %mul3A_377 = arith.mulf %sub3A_374, %mul3A_376 : vector<16xf32>
    %swap3A_378 = arith.constant 416 : index
    %swap3A_379 = tpu.vector_load %arg12[%swap3A_378] {strides = array<i32>} : memref<544xf32, #tpu.memory_space<vmem>>, vector<16xf32>,
    %swap3A_380 = vector.shape_cast %swap3A_379 : vector<16xf32> to vector<16xf32>
    %swap3A_381 = vector.shape_cast %mul3A_377 : vector<16xf32> to vector<16xf32>
    tpu.vector_store %arg12[%swap3A_378], %swap3A_381 {strides = array<i32>} : memref<544xf32, #tpu.memory_space<vmem>>, vector<16xf32>,
    %get3A_382 = arith.constant 432 : index
    %get3A_383 = tpu.vector_load %arg12[%get3A_382] {strides = array<i32>} : memref<544xf32, #tpu.memory_space<vmem>>, vector<16xf32>,
    %get3A_384 = vector.shape_cast %get3A_383 : vector<16xf32> to vector<16xf32>
    %sub3A_385 = arith.constant 5.000000e-01 : f32
    %sub3A_386 = vector.broadcast %sub3A_385 : f32 to vector<16xf32>
    %sub3A_387 = arith.subf %get3A_384, %sub3A_386 : vector<16xf32>
    %mul3A_388 = arith.constant 3.46409965 : f32
    %mul3A_389 = vector.broadcast %mul3A_388 : f32 to vector<16xf32>
    %mul3A_390 = arith.mulf %sub3A_387, %mul3A_389 : vector<16xf32>
    %swap3A_391 = arith.constant 432 : index
    %swap3A_392 = tpu.vector_load %arg12[%swap3A_391] {strides = array<i32>} : memref<544xf32, #tpu.memory_space<vmem>>, vector<16xf32>,
    %swap3A_393 = vector.shape_cast %swap3A_392 : vector<16xf32> to vector<16xf32>
    %swap3A_394 = vector.shape_cast %mul3A_390 : vector<16xf32> to vector<16xf32>
    tpu.vector_store %arg12[%swap3A_391], %swap3A_394 {strides = array<i32>} : memref<544xf32, #tpu.memory_space<vmem>>, vector<16xf32>,
    %get3A_395 = arith.constant 448 : index
    %get3A_396 = tpu.vector_load %arg12[%get3A_395] {strides = array<i32>} : memref<544xf32, #tpu.memory_space<vmem>>, vector<16xf32>,
    %get3A_397 = vector.shape_cast %get3A_396 : vector<16xf32> to vector<16xf32>
    %sub3A_398 = arith.constant 5.000000e-01 : f32
    %sub3A_399 = vector.broadcast %sub3A_398 : f32 to vector<16xf32>
    %sub3A_400 = arith.subf %get3A_397, %sub3A_399 : vector<16xf32>
    %mul3A_401 = arith.constant 3.46409965 : f32
    %mul3A_402 = vector.broadcast %mul3A_401 : f32 to vector<16xf32>
    %mul3A_403 = arith.mulf %sub3A_400, %mul3A_402 : vector<16xf32>
    %swap3A_404 = arith.constant 448 : index
    %swap3A_405 = tpu.vector_load %arg12[%swap3A_404] {strides = array<i32>} : memref<544xf32, #tpu.memory_space<vmem>>, vector<16xf32>,
    %swap3A_406 = vector.shape_cast %swap3A_405 : vector<16xf32> to vector<16xf32>
    %swap3A_407 = vector.shape_cast %mul3A_403 : vector<16xf32> to vector<16xf32>
    tpu.vector_store %arg12[%swap3A_404], %swap3A_407 {strides = array<i32>} : memref<544xf32, #tpu.memory_space<vmem>>, vector<16xf32>,
    %get3A_408 = arith.constant 464 : index
    %get3A_409 = tpu.vector_load %arg12[%get3A_408] {strides = array<i32>} : memref<544xf32, #tpu.memory_space<vmem>>, vector<16xf32>,
    %get3A_410 = vector.shape_cast %get3A_409 : vector<16xf32> to vector<16xf32>
    %sub3A_411 = arith.constant 5.000000e-01 : f32
    %sub3A_412 = vector.broadcast %sub3A_411 : f32 to vector<16xf32>
    %sub3A_413 = arith.subf %get3A_410, %sub3A_412 : vector<16xf32>
    %mul3A_414 = arith.constant 3.46409965 : f32
    %mul3A_415 = vector.broadcast %mul3A_414 : f32 to vector<16xf32>
    %mul3A_416 = arith.mulf %sub3A_413, %mul3A_415 : vector<16xf32>
    %swap3A_417 = arith.constant 464 : index
    %swap3A_418 = tpu.vector_load %arg12[%swap3A_417] {strides = array<i32>} : memref<544xf32, #tpu.memory_space<vmem>>, vector<16xf32>,
    %swap3A_419 = vector.shape_cast %swap3A_418 : vector<16xf32> to vector<16xf32>
    %swap3A_420 = vector.shape_cast %mul3A_416 : vector<16xf32> to vector<16xf32>
    tpu.vector_store %arg12[%swap3A_417], %swap3A_420 {strides = array<i32>} : memref<544xf32, #tpu.memory_space<vmem>>, vector<16xf32>,
    %get3A_421 = arith.constant 480 : index
    %get3A_422 = tpu.vector_load %arg12[%get3A_421] {strides = array<i32>} : memref<544xf32, #tpu.memory_space<vmem>>, vector<16xf32>,
    %get3A_423 = vector.shape_cast %get3A_422 : vector<16xf32> to vector<16xf32>
    %sub3A_424 = arith.constant 5.000000e-01 : f32
    %sub3A_425 = vector.broadcast %sub3A_424 : f32 to vector<16xf32>
    %sub3A_426 = arith.subf %get3A_423, %sub3A_425 : vector<16xf32>
    %mul3A_427 = arith.constant 3.46409965 : f32
    %mul3A_428 = vector.broadcast %mul3A_427 : f32 to vector<16xf32>
    %mul3A_429 = arith.mulf %sub3A_426, %mul3A_428 : vector<16xf32>
    %swap3A_430 = arith.constant 480 : index
    %swap3A_431 = tpu.vector_load %arg12[%swap3A_430] {strides = array<i32>} : memref<544xf32, #tpu.memory_space<vmem>>, vector<16xf32>,
    %swap3A_432 = vector.shape_cast %swap3A_431 : vector<16xf32> to vector<16xf32>
    %swap3A_433 = vector.shape_cast %mul3A_429 : vector<16xf32> to vector<16xf32>
    tpu.vector_store %arg12[%swap3A_430], %swap3A_433 {strides = array<i32>} : memref<544xf32, #tpu.memory_space<vmem>>, vector<16xf32>,
    %get3A_434 = arith.constant 496 : index
    %get3A_435 = tpu.vector_load %arg12[%get3A_434] {strides = array<i32>} : memref<544xf32, #tpu.memory_space<vmem>>, vector<16xf32>,
    %get3A_436 = vector.shape_cast %get3A_435 : vector<16xf32> to vector<16xf32>
    %sub3A_437 = arith.constant 5.000000e-01 : f32
    %sub3A_438 = vector.broadcast %sub3A_437 : f32 to vector<16xf32>
    %sub3A_439 = arith.subf %get3A_436, %sub3A_438 : vector<16xf32>
    %mul3A_440 = arith.constant 3.46409965 : f32
    %mul3A_441 = vector.broadcast %mul3A_440 : f32 to vector<16xf32>
    %mul3A_442 = arith.mulf %sub3A_439, %mul3A_441 : vector<16xf32>
    %swap3A_443 = arith.constant 496 : index
    %swap3A_444 = tpu.vector_load %arg12[%swap3A_443] {strides = array<i32>} : memref<544xf32, #tpu.memory_space<vmem>>, vector<16xf32>,
    %swap3A_445 = vector.shape_cast %swap3A_444 : vector<16xf32> to vector<16xf32>
    %swap3A_446 = vector.shape_cast %mul3A_442 : vector<16xf32> to vector<16xf32>
    tpu.vector_store %arg12[%swap3A_443], %swap3A_446 {strides = array<i32>} : memref<544xf32, #tpu.memory_space<vmem>>, vector<16xf32>,
    %get3A_447 = arith.constant 512 : index
    %get3A_448 = tpu.vector_load %arg12[%get3A_447] {strides = array<i32>} : memref<544xf32, #tpu.memory_space<vmem>>, vector<16xf32>,
    %get3A_449 = vector.shape_cast %get3A_448 : vector<16xf32> to vector<16xf32>
    %sub3A_450 = arith.constant 5.000000e-01 : f32
    %sub3A_451 = vector.broadcast %sub3A_450 : f32 to vector<16xf32>
    %sub3A_452 = arith.subf %get3A_449, %sub3A_451 : vector<16xf32>
    %mul3A_453 = arith.constant 3.46409965 : f32
    %mul3A_454 = vector.broadcast %mul3A_453 : f32 to vector<16xf32>
    %mul3A_455 = arith.mulf %sub3A_452, %mul3A_454 : vector<16xf32>
    %swap3A_456 = arith.constant 512 : index
    %swap3A_457 = tpu.vector_load %arg12[%swap3A_456] {strides = array<i32>} : memref<544xf32, #tpu.memory_space<vmem>>, vector<16xf32>,
    %swap3A_458 = vector.shape_cast %swap3A_457 : vector<16xf32> to vector<16xf32>
    %swap3A_459 = vector.shape_cast %mul3A_455 : vector<16xf32> to vector<16xf32>
    tpu.vector_store %arg12[%swap3A_456], %swap3A_459 {strides = array<i32>} : memref<544xf32, #tpu.memory_space<vmem>>, vector<16xf32>,
    %get3A_460 = arith.constant 0 : index
    %get3A_461 = tpu.vector_load %arg13[%get3A_460] {strides = array<i32>} : memref<544xf32, #tpu.memory_space<vmem>>, vector<16xf32>,
    %get3A_462 = vector.shape_cast %get3A_461 : vector<16xf32> to vector<16xf32>
    %sub3A_463 = arith.constant 5.000000e-01 : f32
    %sub3A_464 = vector.broadcast %sub3A_463 : f32 to vector<16xf32>
    %sub3A_465 = arith.subf %get3A_462, %sub3A_464 : vector<16xf32>
    %mul3A_466 = arith.constant 3.46409965 : f32
    %mul3A_467 = vector.broadcast %mul3A_466 : f32 to vector<16xf32>
    %mul3A_468 = arith.mulf %sub3A_465, %mul3A_467 : vector<16xf32>
    %swap3A_469 = arith.constant 0 : index
    %swap3A_470 = tpu.vector_load %arg13[%swap3A_469] {strides = array<i32>} : memref<544xf32, #tpu.memory_space<vmem>>, vector<16xf32>,
    %swap3A_471 = vector.shape_cast %swap3A_470 : vector<16xf32> to vector<16xf32>
    %swap3A_472 = vector.shape_cast %mul3A_468 : vector<16xf32> to vector<16xf32>
    tpu.vector_store %arg13[%swap3A_469], %swap3A_472 {strides = array<i32>} : memref<544xf32, #tpu.memory_space<vmem>>, vector<16xf32>,
    %get3A_473 = arith.constant 16 : index
    %get3A_474 = tpu.vector_load %arg13[%get3A_473] {strides = array<i32>} : memref<544xf32, #tpu.memory_space<vmem>>, vector<16xf32>,
    %get3A_475 = vector.shape_cast %get3A_474 : vector<16xf32> to vector<16xf32>
    %sub3A_476 = arith.constant 5.000000e-01 : f32
    %sub3A_477 = vector.broadcast %sub3A_476 : f32 to vector<16xf32>
    %sub3A_478 = arith.subf %get3A_475, %sub3A_477 : vector<16xf32>
    %mul3A_479 = arith.constant 3.46409965 : f32
    %mul3A_480 = vector.broadcast %mul3A_479 : f32 to vector<16xf32>
    %mul3A_481 = arith.mulf %sub3A_478, %mul3A_480 : vector<16xf32>
    %swap3A_482 = arith.constant 16 : index
    %swap3A_483 = tpu.vector_load %arg13[%swap3A_482] {strides = array<i32>} : memref<544xf32, #tpu.memory_space<vmem>>, vector<16xf32>,
    %swap3A_484 = vector.shape_cast %swap3A_483 : vector<16xf32> to vector<16xf32>
    %swap3A_485 = vector.shape_cast %mul3A_481 : vector<16xf32> to vector<16xf32>
    tpu.vector_store %arg13[%swap3A_482], %swap3A_485 {strides = array<i32>} : memref<544xf32, #tpu.memory_space<vmem>>, vector<16xf32>,
    %get3A_486 = arith.constant 32 : index
    %get3A_487 = tpu.vector_load %arg13[%get3A_486] {strides = array<i32>} : memref<544xf32, #tpu.memory_space<vmem>>, vector<16xf32>,
    %get3A_488 = vector.shape_cast %get3A_487 : vector<16xf32> to vector<16xf32>
    %sub3A_489 = arith.constant 5.000000e-01 : f32
    %sub3A_490 = vector.broadcast %sub3A_489 : f32 to vector<16xf32>
    %sub3A_491 = arith.subf %get3A_488, %sub3A_490 : vector<16xf32>
    %mul3A_492 = arith.constant 3.46409965 : f32
    %mul3A_493 = vector.broadcast %mul3A_492 : f32 to vector<16xf32>
    %mul3A_494 = arith.mulf %sub3A_491, %mul3A_493 : vector<16xf32>
    %swap3A_495 = arith.constant 32 : index
    %swap3A_496 = tpu.vector_load %arg13[%swap3A_495] {strides = array<i32>} : memref<544xf32, #tpu.memory_space<vmem>>, vector<16xf32>,
    %swap3A_497 = vector.shape_cast %swap3A_496 : vector<16xf32> to vector<16xf32>
    %swap3A_498 = vector.shape_cast %mul3A_494 : vector<16xf32> to vector<16xf32>
    tpu.vector_store %arg13[%swap3A_495], %swap3A_498 {strides = array<i32>} : memref<544xf32, #tpu.memory_space<vmem>>, vector<16xf32>,
    %get3A_499 = arith.constant 48 : index
    %get3A_500 = tpu.vector_load %arg13[%get3A_499] {strides = array<i32>} : memref<544xf32, #tpu.memory_space<vmem>>, vector<16xf32>,
    %get3A_501 = vector.shape_cast %get3A_500 : vector<16xf32> to vector<16xf32>
    %sub3A_502 = arith.constant 5.000000e-01 : f32
    %sub3A_503 = vector.broadcast %sub3A_502 : f32 to vector<16xf32>
    %sub3A_504 = arith.subf %get3A_501, %sub3A_503 : vector<16xf32>
    %mul3A_505 = arith.constant 3.46409965 : f32
    %mul3A_506 = vector.broadcast %mul3A_505 : f32 to vector<16xf32>
    %mul3A_507 = arith.mulf %sub3A_504, %mul3A_506 : vector<16xf32>
    %swap3A_508 = arith.constant 48 : index
    %swap3A_509 = tpu.vector_load %arg13[%swap3A_508] {strides = array<i32>} : memref<544xf32, #tpu.memory_space<vmem>>, vector<16xf32>,
    %swap3A_510 = vector.shape_cast %swap3A_509 : vector<16xf32> to vector<16xf32>
    %swap3A_511 = vector.shape_cast %mul3A_507 : vector<16xf32> to vector<16xf32>
    tpu.vector_store %arg13[%swap3A_508], %swap3A_511 {strides = array<i32>} : memref<544xf32, #tpu.memory_space<vmem>>, vector<16xf32>,
    %get3A_512 = arith.constant 64 : index
    %get3A_513 = tpu.vector_load %arg13[%get3A_512] {strides = array<i32>} : memref<544xf32, #tpu.memory_space<vmem>>, vector<16xf32>,
    %get3A_514 = vector.shape_cast %get3A_513 : vector<16xf32> to vector<16xf32>
    %sub3A_515 = arith.constant 5.000000e-01 : f32
    %sub3A_516 = vector.broadcast %sub3A_515 : f32 to vector<16xf32>
    %sub3A_517 = arith.subf %get3A_514, %sub3A_516 : vector<16xf32>
    %mul3A_518 = arith.constant 3.46409965 : f32
    %mul3A_519 = vector.broadcast %mul3A_518 : f32 to vector<16xf32>
    %mul3A_520 = arith.mulf %sub3A_517, %mul3A_519 : vector<16xf32>
    %swap3A_521 = arith.constant 64 : index
    %swap3A_522 = tpu.vector_load %arg13[%swap3A_521] {strides = array<i32>} : memref<544xf32, #tpu.memory_space<vmem>>, vector<16xf32>,
    %swap3A_523 = vector.shape_cast %swap3A_522 : vector<16xf32> to vector<16xf32>
    %swap3A_524 = vector.shape_cast %mul3A_520 : vector<16xf32> to vector<16xf32>
    tpu.vector_store %arg13[%swap3A_521], %swap3A_524 {strides = array<i32>} : memref<544xf32, #tpu.memory_space<vmem>>, vector<16xf32>,
    %get3A_525 = arith.constant 80 : index
    %get3A_526 = tpu.vector_load %arg13[%get3A_525] {strides = array<i32>} : memref<544xf32, #tpu.memory_space<vmem>>, vector<16xf32>,
    %get3A_527 = vector.shape_cast %get3A_526 : vector<16xf32> to vector<16xf32>
    %sub3A_528 = arith.constant 5.000000e-01 : f32
    %sub3A_529 = vector.broadcast %sub3A_528 : f32 to vector<16xf32>
    %sub3A_530 = arith.subf %get3A_527, %sub3A_529 : vector<16xf32>
    %mul3A_531 = arith.constant 3.46409965 : f32
    %mul3A_532 = vector.broadcast %mul3A_531 : f32 to vector<16xf32>
    %mul3A_533 = arith.mulf %sub3A_530, %mul3A_532 : vector<16xf32>
    %swap3A_534 = arith.constant 80 : index
    %swap3A_535 = tpu.vector_load %arg13[%swap3A_534] {strides = array<i32>} : memref<544xf32, #tpu.memory_space<vmem>>, vector<16xf32>,
    %swap3A_536 = vector.shape_cast %swap3A_535 : vector<16xf32> to vector<16xf32>
    %swap3A_537 = vector.shape_cast %mul3A_533 : vector<16xf32> to vector<16xf32>
    tpu.vector_store %arg13[%swap3A_534], %swap3A_537 {strides = array<i32>} : memref<544xf32, #tpu.memory_space<vmem>>, vector<16xf32>,
    %get3A_538 = arith.constant 96 : index
    %get3A_539 = tpu.vector_load %arg13[%get3A_538] {strides = array<i32>} : memref<544xf32, #tpu.memory_space<vmem>>, vector<16xf32>,
    %get3A_540 = vector.shape_cast %get3A_539 : vector<16xf32> to vector<16xf32>
    %sub3A_541 = arith.constant 5.000000e-01 : f32
    %sub3A_542 = vector.broadcast %sub3A_541 : f32 to vector<16xf32>
    %sub3A_543 = arith.subf %get3A_540, %sub3A_542 : vector<16xf32>
    %mul3A_544 = arith.constant 3.46409965 : f32
    %mul3A_545 = vector.broadcast %mul3A_544 : f32 to vector<16xf32>
    %mul3A_546 = arith.mulf %sub3A_543, %mul3A_545 : vector<16xf32>
    %swap3A_547 = arith.constant 96 : index
    %swap3A_548 = tpu.vector_load %arg13[%swap3A_547] {strides = array<i32>} : memref<544xf32, #tpu.memory_space<vmem>>, vector<16xf32>,
    %swap3A_549 = vector.shape_cast %swap3A_548 : vector<16xf32> to vector<16xf32>
    %swap3A_550 = vector.shape_cast %mul3A_546 : vector<16xf32> to vector<16xf32>
    tpu.vector_store %arg13[%swap3A_547], %swap3A_550 {strides = array<i32>} : memref<544xf32, #tpu.memory_space<vmem>>, vector<16xf32>,
    %get3A_551 = arith.constant 112 : index
    %get3A_552 = tpu.vector_load %arg13[%get3A_551] {strides = array<i32>} : memref<544xf32, #tpu.memory_space<vmem>>, vector<16xf32>,
    %get3A_553 = vector.shape_cast %get3A_552 : vector<16xf32> to vector<16xf32>
    %sub3A_554 = arith.constant 5.000000e-01 : f32
    %sub3A_555 = vector.broadcast %sub3A_554 : f32 to vector<16xf32>
    %sub3A_556 = arith.subf %get3A_553, %sub3A_555 : vector<16xf32>
    %mul3A_557 = arith.constant 3.46409965 : f32
    %mul3A_558 = vector.broadcast %mul3A_557 : f32 to vector<16xf32>
    %mul3A_559 = arith.mulf %sub3A_556, %mul3A_558 : vector<16xf32>
    %swap3A_560 = arith.constant 112 : index
    %swap3A_561 = tpu.vector_load %arg13[%swap3A_560] {strides = array<i32>} : memref<544xf32, #tpu.memory_space<vmem>>, vector<16xf32>,
    %swap3A_562 = vector.shape_cast %swap3A_561 : vector<16xf32> to vector<16xf32>
    %swap3A_563 = vector.shape_cast %mul3A_559 : vector<16xf32> to vector<16xf32>
    tpu.vector_store %arg13[%swap3A_560], %swap3A_563 {strides = array<i32>} : memref<544xf32, #tpu.memory_space<vmem>>, vector<16xf32>,
    %get3A_564 = arith.constant 128 : index
    %get3A_565 = tpu.vector_load %arg13[%get3A_564] {strides = array<i32>} : memref<544xf32, #tpu.memory_space<vmem>>, vector<16xf32>,
    %get3A_566 = vector.shape_cast %get3A_565 : vector<16xf32> to vector<16xf32>
    %sub3A_567 = arith.constant 5.000000e-01 : f32
    %sub3A_568 = vector.broadcast %sub3A_567 : f32 to vector<16xf32>
    %sub3A_569 = arith.subf %get3A_566, %sub3A_568 : vector<16xf32>
    %mul3A_570 = arith.constant 3.46409965 : f32
    %mul3A_571 = vector.broadcast %mul3A_570 : f32 to vector<16xf32>
    %mul3A_572 = arith.mulf %sub3A_569, %mul3A_571 : vector<16xf32>
    %swap3A_573 = arith.constant 128 : index
    %swap3A_574 = tpu.vector_load %arg13[%swap3A_573] {strides = array<i32>} : memref<544xf32, #tpu.memory_space<vmem>>, vector<16xf32>,
    %swap3A_575 = vector.shape_cast %swap3A_574 : vector<16xf32> to vector<16xf32>
    %swap3A_576 = vector.shape_cast %mul3A_572 : vector<16xf32> to vector<16xf32>
    tpu.vector_store %arg13[%swap3A_573], %swap3A_576 {strides = array<i32>} : memref<544xf32, #tpu.memory_space<vmem>>, vector<16xf32>,
    %get3A_577 = arith.constant 144 : index
    %get3A_578 = tpu.vector_load %arg13[%get3A_577] {strides = array<i32>} : memref<544xf32, #tpu.memory_space<vmem>>, vector<16xf32>,
    %get3A_579 = vector.shape_cast %get3A_578 : vector<16xf32> to vector<16xf32>
    %sub3A_580 = arith.constant 5.000000e-01 : f32
    %sub3A_581 = vector.broadcast %sub3A_580 : f32 to vector<16xf32>
    %sub3A_582 = arith.subf %get3A_579, %sub3A_581 : vector<16xf32>
    %mul3A_583 = arith.constant 3.46409965 : f32
    %mul3A_584 = vector.broadcast %mul3A_583 : f32 to vector<16xf32>
    %mul3A_585 = arith.mulf %sub3A_582, %mul3A_584 : vector<16xf32>
    %swap3A_586 = arith.constant 144 : index
    %swap3A_587 = tpu.vector_load %arg13[%swap3A_586] {strides = array<i32>} : memref<544xf32, #tpu.memory_space<vmem>>, vector<16xf32>,
    %swap3A_588 = vector.shape_cast %swap3A_587 : vector<16xf32> to vector<16xf32>
    %swap3A_589 = vector.shape_cast %mul3A_585 : vector<16xf32> to vector<16xf32>
    tpu.vector_store %arg13[%swap3A_586], %swap3A_589 {strides = array<i32>} : memref<544xf32, #tpu.memory_space<vmem>>, vector<16xf32>,
    %get3A_590 = arith.constant 160 : index
    %get3A_591 = tpu.vector_load %arg13[%get3A_590] {strides = array<i32>} : memref<544xf32, #tpu.memory_space<vmem>>, vector<16xf32>,
    %get3A_592 = vector.shape_cast %get3A_591 : vector<16xf32> to vector<16xf32>
    %sub3A_593 = arith.constant 5.000000e-01 : f32
    %sub3A_594 = vector.broadcast %sub3A_593 : f32 to vector<16xf32>
    %sub3A_595 = arith.subf %get3A_592, %sub3A_594 : vector<16xf32>
    %mul3A_596 = arith.constant 3.46409965 : f32
    %mul3A_597 = vector.broadcast %mul3A_596 : f32 to vector<16xf32>
    %mul3A_598 = arith.mulf %sub3A_595, %mul3A_597 : vector<16xf32>
    %swap3A_599 = arith.constant 160 : index
    %swap3A_600 = tpu.vector_load %arg13[%swap3A_599] {strides = array<i32>} : memref<544xf32, #tpu.memory_space<vmem>>, vector<16xf32>,
    %swap3A_601 = vector.shape_cast %swap3A_600 : vector<16xf32> to vector<16xf32>
    %swap3A_602 = vector.shape_cast %mul3A_598 : vector<16xf32> to vector<16xf32>
    tpu.vector_store %arg13[%swap3A_599], %swap3A_602 {strides = array<i32>} : memref<544xf32, #tpu.memory_space<vmem>>, vector<16xf32>,
    %get3A_603 = arith.constant 176 : index
    %get3A_604 = tpu.vector_load %arg13[%get3A_603] {strides = array<i32>} : memref<544xf32, #tpu.memory_space<vmem>>, vector<16xf32>,
    %get3A_605 = vector.shape_cast %get3A_604 : vector<16xf32> to vector<16xf32>
    %sub3A_606 = arith.constant 5.000000e-01 : f32
    %sub3A_607 = vector.broadcast %sub3A_606 : f32 to vector<16xf32>
    %sub3A_608 = arith.subf %get3A_605, %sub3A_607 : vector<16xf32>
    %mul3A_609 = arith.constant 3.46409965 : f32
    %mul3A_610 = vector.broadcast %mul3A_609 : f32 to vector<16xf32>
    %mul3A_611 = arith.mulf %sub3A_608, %mul3A_610 : vector<16xf32>
    %swap3A_612 = arith.constant 176 : index
    %swap3A_613 = tpu.vector_load %arg13[%swap3A_612] {strides = array<i32>} : memref<544xf32, #tpu.memory_space<vmem>>, vector<16xf32>,
    %swap3A_614 = vector.shape_cast %swap3A_613 : vector<16xf32> to vector<16xf32>
    %swap3A_615 = vector.shape_cast %mul3A_611 : vector<16xf32> to vector<16xf32>
    tpu.vector_store %arg13[%swap3A_612], %swap3A_615 {strides = array<i32>} : memref<544xf32, #tpu.memory_space<vmem>>, vector<16xf32>,
    %get3A_616 = arith.constant 192 : index
    %get3A_617 = tpu.vector_load %arg13[%get3A_616] {strides = array<i32>} : memref<544xf32, #tpu.memory_space<vmem>>, vector<16xf32>,
    %get3A_618 = vector.shape_cast %get3A_617 : vector<16xf32> to vector<16xf32>
    %sub3A_619 = arith.constant 5.000000e-01 : f32
    %sub3A_620 = vector.broadcast %sub3A_619 : f32 to vector<16xf32>
    %sub3A_621 = arith.subf %get3A_618, %sub3A_620 : vector<16xf32>
    %mul3A_622 = arith.constant 3.46409965 : f32
    %mul3A_623 = vector.broadcast %mul3A_622 : f32 to vector<16xf32>
    %mul3A_624 = arith.mulf %sub3A_621, %mul3A_623 : vector<16xf32>
    %swap3A_625 = arith.constant 192 : index
    %swap3A_626 = tpu.vector_load %arg13[%swap3A_625] {strides = array<i32>} : memref<544xf32, #tpu.memory_space<vmem>>, vector<16xf32>,
    %swap3A_627 = vector.shape_cast %swap3A_626 : vector<16xf32> to vector<16xf32>
    %swap3A_628 = vector.shape_cast %mul3A_624 : vector<16xf32> to vector<16xf32>
    tpu.vector_store %arg13[%swap3A_625], %swap3A_628 {strides = array<i32>} : memref<544xf32, #tpu.memory_space<vmem>>, vector<16xf32>,
    %get3A_629 = arith.constant 208 : index
    %get3A_630 = tpu.vector_load %arg13[%get3A_629] {strides = array<i32>} : memref<544xf32, #tpu.memory_space<vmem>>, vector<16xf32>,
    %get3A_631 = vector.shape_cast %get3A_630 : vector<16xf32> to vector<16xf32>
    %sub3A_632 = arith.constant 5.000000e-01 : f32
    %sub3A_633 = vector.broadcast %sub3A_632 : f32 to vector<16xf32>
    %sub3A_634 = arith.subf %get3A_631, %sub3A_633 : vector<16xf32>
    %mul3A_635 = arith.constant 3.46409965 : f32
    %mul3A_636 = vector.broadcast %mul3A_635 : f32 to vector<16xf32>
    %mul3A_637 = arith.mulf %sub3A_634, %mul3A_636 : vector<16xf32>
    %swap3A_638 = arith.constant 208 : index
    %swap3A_639 = tpu.vector_load %arg13[%swap3A_638] {strides = array<i32>} : memref<544xf32, #tpu.memory_space<vmem>>, vector<16xf32>,
    %swap3A_640 = vector.shape_cast %swap3A_639 : vector<16xf32> to vector<16xf32>
    %swap3A_641 = vector.shape_cast %mul3A_637 : vector<16xf32> to vector<16xf32>
    tpu.vector_store %arg13[%swap3A_638], %swap3A_641 {strides = array<i32>} : memref<544xf32, #tpu.memory_space<vmem>>, vector<16xf32>,
    %get3A_642 = arith.constant 224 : index
    %get3A_643 = tpu.vector_load %arg13[%get3A_642] {strides = array<i32>} : memref<544xf32, #tpu.memory_space<vmem>>, vector<16xf32>,
    %get3A_644 = vector.shape_cast %get3A_643 : vector<16xf32> to vector<16xf32>
    %sub3A_645 = arith.constant 5.000000e-01 : f32
    %sub3A_646 = vector.broadcast %sub3A_645 : f32 to vector<16xf32>
    %sub3A_647 = arith.subf %get3A_644, %sub3A_646 : vector<16xf32>
    %mul3A_648 = arith.constant 3.46409965 : f32
    %mul3A_649 = vector.broadcast %mul3A_648 : f32 to vector<16xf32>
    %mul3A_650 = arith.mulf %sub3A_647, %mul3A_649 : vector<16xf32>
    %swap3A_651 = arith.constant 224 : index
    %swap3A_652 = tpu.vector_load %arg13[%swap3A_651] {strides = array<i32>} : memref<544xf32, #tpu.memory_space<vmem>>, vector<16xf32>,
    %swap3A_653 = vector.shape_cast %swap3A_652 : vector<16xf32> to vector<16xf32>
    %swap3A_654 = vector.shape_cast %mul3A_650 : vector<16xf32> to vector<16xf32>
    tpu.vector_store %arg13[%swap3A_651], %swap3A_654 {strides = array<i32>} : memref<544xf32, #tpu.memory_space<vmem>>, vector<16xf32>,
    %get3A_655 = arith.constant 240 : index
    %get3A_656 = tpu.vector_load %arg13[%get3A_655] {strides = array<i32>} : memref<544xf32, #tpu.memory_space<vmem>>, vector<16xf32>,
    %get3A_657 = vector.shape_cast %get3A_656 : vector<16xf32> to vector<16xf32>
    %sub3A_658 = arith.constant 5.000000e-01 : f32
    %sub3A_659 = vector.broadcast %sub3A_658 : f32 to vector<16xf32>
    %sub3A_660 = arith.subf %get3A_657, %sub3A_659 : vector<16xf32>
    %mul3A_661 = arith.constant 3.46409965 : f32
    %mul3A_662 = vector.broadcast %mul3A_661 : f32 to vector<16xf32>
    %mul3A_663 = arith.mulf %sub3A_660, %mul3A_662 : vector<16xf32>
    %swap3A_664 = arith.constant 240 : index
    %swap3A_665 = tpu.vector_load %arg13[%swap3A_664] {strides = array<i32>} : memref<544xf32, #tpu.memory_space<vmem>>, vector<16xf32>,
    %swap3A_666 = vector.shape_cast %swap3A_665 : vector<16xf32> to vector<16xf32>
    %swap3A_667 = vector.shape_cast %mul3A_663 : vector<16xf32> to vector<16xf32>
    tpu.vector_store %arg13[%swap3A_664], %swap3A_667 {strides = array<i32>} : memref<544xf32, #tpu.memory_space<vmem>>, vector<16xf32>,
    %get3A_668 = arith.constant 256 : index
    %get3A_669 = tpu.vector_load %arg13[%get3A_668] {strides = array<i32>} : memref<544xf32, #tpu.memory_space<vmem>>, vector<16xf32>,
    %get3A_670 = vector.shape_cast %get3A_669 : vector<16xf32> to vector<16xf32>
    %sub3A_671 = arith.constant 5.000000e-01 : f32
    %sub3A_672 = vector.broadcast %sub3A_671 : f32 to vector<16xf32>
    %sub3A_673 = arith.subf %get3A_670, %sub3A_672 : vector<16xf32>
    %mul3A_674 = arith.constant 3.46409965 : f32
    %mul3A_675 = vector.broadcast %mul3A_674 : f32 to vector<16xf32>
    %mul3A_676 = arith.mulf %sub3A_673, %mul3A_675 : vector<16xf32>
    %swap3A_677 = arith.constant 256 : index
    %swap3A_678 = tpu.vector_load %arg13[%swap3A_677] {strides = array<i32>} : memref<544xf32, #tpu.memory_space<vmem>>, vector<16xf32>,
    %swap3A_679 = vector.shape_cast %swap3A_678 : vector<16xf32> to vector<16xf32>
    %swap3A_680 = vector.shape_cast %mul3A_676 : vector<16xf32> to vector<16xf32>
    tpu.vector_store %arg13[%swap3A_677], %swap3A_680 {strides = array<i32>} : memref<544xf32, #tpu.memory_space<vmem>>, vector<16xf32>,
    %get3A_681 = arith.constant 272 : index
    %get3A_682 = tpu.vector_load %arg13[%get3A_681] {strides = array<i32>} : memref<544xf32, #tpu.memory_space<vmem>>, vector<16xf32>,
    %get3A_683 = vector.shape_cast %get3A_682 : vector<16xf32> to vector<16xf32>
    %sub3A_684 = arith.constant 5.000000e-01 : f32
    %sub3A_685 = vector.broadcast %sub3A_684 : f32 to vector<16xf32>
    %sub3A_686 = arith.subf %get3A_683, %sub3A_685 : vector<16xf32>
    %mul3A_687 = arith.constant 3.46409965 : f32
    %mul3A_688 = vector.broadcast %mul3A_687 : f32 to vector<16xf32>
    %mul3A_689 = arith.mulf %sub3A_686, %mul3A_688 : vector<16xf32>
    %swap3A_690 = arith.constant 272 : index
    %swap3A_691 = tpu.vector_load %arg13[%swap3A_690] {strides = array<i32>} : memref<544xf32, #tpu.memory_space<vmem>>, vector<16xf32>,
    %swap3A_692 = vector.shape_cast %swap3A_691 : vector<16xf32> to vector<16xf32>
    %swap3A_693 = vector.shape_cast %mul3A_689 : vector<16xf32> to vector<16xf32>
    tpu.vector_store %arg13[%swap3A_690], %swap3A_693 {strides = array<i32>} : memref<544xf32, #tpu.memory_space<vmem>>, vector<16xf32>,
    %get3A_694 = arith.constant 288 : index
    %get3A_695 = tpu.vector_load %arg13[%get3A_694] {strides = array<i32>} : memref<544xf32, #tpu.memory_space<vmem>>, vector<16xf32>,
    %get3A_696 = vector.shape_cast %get3A_695 : vector<16xf32> to vector<16xf32>
    %sub3A_697 = arith.constant 5.000000e-01 : f32
    %sub3A_698 = vector.broadcast %sub3A_697 : f32 to vector<16xf32>
    %sub3A_699 = arith.subf %get3A_696, %sub3A_698 : vector<16xf32>
    %mul3A_700 = arith.constant 3.46409965 : f32
    %mul3A_701 = vector.broadcast %mul3A_700 : f32 to vector<16xf32>
    %mul3A_702 = arith.mulf %sub3A_699, %mul3A_701 : vector<16xf32>
    %swap3A_703 = arith.constant 288 : index
    %swap3A_704 = tpu.vector_load %arg13[%swap3A_703] {strides = array<i32>} : memref<544xf32, #tpu.memory_space<vmem>>, vector<16xf32>,
    %swap3A_705 = vector.shape_cast %swap3A_704 : vector<16xf32> to vector<16xf32>
    %swap3A_706 = vector.shape_cast %mul3A_702 : vector<16xf32> to vector<16xf32>
    tpu.vector_store %arg13[%swap3A_703], %swap3A_706 {strides = array<i32>} : memref<544xf32, #tpu.memory_space<vmem>>, vector<16xf32>,
    %get3A_707 = arith.constant 304 : index
    %get3A_708 = tpu.vector_load %arg13[%get3A_707] {strides = array<i32>} : memref<544xf32, #tpu.memory_space<vmem>>, vector<16xf32>,
    %get3A_709 = vector.shape_cast %get3A_708 : vector<16xf32> to vector<16xf32>
    %sub3A_710 = arith.constant 5.000000e-01 : f32
    %sub3A_711 = vector.broadcast %sub3A_710 : f32 to vector<16xf32>
    %sub3A_712 = arith.subf %get3A_709, %sub3A_711 : vector<16xf32>
    %mul3A_713 = arith.constant 3.46409965 : f32
    %mul3A_714 = vector.broadcast %mul3A_713 : f32 to vector<16xf32>
    %mul3A_715 = arith.mulf %sub3A_712, %mul3A_714 : vector<16xf32>
    %swap3A_716 = arith.constant 304 : index
    %swap3A_717 = tpu.vector_load %arg13[%swap3A_716] {strides = array<i32>} : memref<544xf32, #tpu.memory_space<vmem>>, vector<16xf32>,
    %swap3A_718 = vector.shape_cast %swap3A_717 : vector<16xf32> to vector<16xf32>
    %swap3A_719 = vector.shape_cast %mul3A_715 : vector<16xf32> to vector<16xf32>
    tpu.vector_store %arg13[%swap3A_716], %swap3A_719 {strides = array<i32>} : memref<544xf32, #tpu.memory_space<vmem>>, vector<16xf32>,
    %get3A_720 = arith.constant 320 : index
    %get3A_721 = tpu.vector_load %arg13[%get3A_720] {strides = array<i32>} : memref<544xf32, #tpu.memory_space<vmem>>, vector<16xf32>,
    %get3A_722 = vector.shape_cast %get3A_721 : vector<16xf32> to vector<16xf32>
    %sub3A_723 = arith.constant 5.000000e-01 : f32
    %sub3A_724 = vector.broadcast %sub3A_723 : f32 to vector<16xf32>
    %sub3A_725 = arith.subf %get3A_722, %sub3A_724 : vector<16xf32>
    %mul3A_726 = arith.constant 3.46409965 : f32
    %mul3A_727 = vector.broadcast %mul3A_726 : f32 to vector<16xf32>
    %mul3A_728 = arith.mulf %sub3A_725, %mul3A_727 : vector<16xf32>
    %swap3A_729 = arith.constant 320 : index
    %swap3A_730 = tpu.vector_load %arg13[%swap3A_729] {strides = array<i32>} : memref<544xf32, #tpu.memory_space<vmem>>, vector<16xf32>,
    %swap3A_731 = vector.shape_cast %swap3A_730 : vector<16xf32> to vector<16xf32>
    %swap3A_732 = vector.shape_cast %mul3A_728 : vector<16xf32> to vector<16xf32>
    tpu.vector_store %arg13[%swap3A_729], %swap3A_732 {strides = array<i32>} : memref<544xf32, #tpu.memory_space<vmem>>, vector<16xf32>,
    %get3A_733 = arith.constant 336 : index
    %get3A_734 = tpu.vector_load %arg13[%get3A_733] {strides = array<i32>} : memref<544xf32, #tpu.memory_space<vmem>>, vector<16xf32>,
    %get3A_735 = vector.shape_cast %get3A_734 : vector<16xf32> to vector<16xf32>
    %sub3A_736 = arith.constant 5.000000e-01 : f32
    %sub3A_737 = vector.broadcast %sub3A_736 : f32 to vector<16xf32>
    %sub3A_738 = arith.subf %get3A_735, %sub3A_737 : vector<16xf32>
    %mul3A_739 = arith.constant 3.46409965 : f32
    %mul3A_740 = vector.broadcast %mul3A_739 : f32 to vector<16xf32>
    %mul3A_741 = arith.mulf %sub3A_738, %mul3A_740 : vector<16xf32>
    %swap3A_742 = arith.constant 336 : index
    %swap3A_743 = tpu.vector_load %arg13[%swap3A_742] {strides = array<i32>} : memref<544xf32, #tpu.memory_space<vmem>>, vector<16xf32>,
    %swap3A_744 = vector.shape_cast %swap3A_743 : vector<16xf32> to vector<16xf32>
    %swap3A_745 = vector.shape_cast %mul3A_741 : vector<16xf32> to vector<16xf32>
    tpu.vector_store %arg13[%swap3A_742], %swap3A_745 {strides = array<i32>} : memref<544xf32, #tpu.memory_space<vmem>>, vector<16xf32>,
    %get3A_746 = arith.constant 352 : index
    %get3A_747 = tpu.vector_load %arg13[%get3A_746] {strides = array<i32>} : memref<544xf32, #tpu.memory_space<vmem>>, vector<16xf32>,
    %get3A_748 = vector.shape_cast %get3A_747 : vector<16xf32> to vector<16xf32>
    %sub3A_749 = arith.constant 5.000000e-01 : f32
    %sub3A_750 = vector.broadcast %sub3A_749 : f32 to vector<16xf32>
    %sub3A_751 = arith.subf %get3A_748, %sub3A_750 : vector<16xf32>
    %mul3A_752 = arith.constant 3.46409965 : f32
    %mul3A_753 = vector.broadcast %mul3A_752 : f32 to vector<16xf32>
    %mul3A_754 = arith.mulf %sub3A_751, %mul3A_753 : vector<16xf32>
    %swap3A_755 = arith.constant 352 : index
    %swap3A_756 = tpu.vector_load %arg13[%swap3A_755] {strides = array<i32>} : memref<544xf32, #tpu.memory_space<vmem>>, vector<16xf32>,
    %swap3A_757 = vector.shape_cast %swap3A_756 : vector<16xf32> to vector<16xf32>
    %swap3A_758 = vector.shape_cast %mul3A_754 : vector<16xf32> to vector<16xf32>
    tpu.vector_store %arg13[%swap3A_755], %swap3A_758 {strides = array<i32>} : memref<544xf32, #tpu.memory_space<vmem>>, vector<16xf32>,
    %get3A_759 = arith.constant 368 : index
    %get3A_760 = tpu.vector_load %arg13[%get3A_759] {strides = array<i32>} : memref<544xf32, #tpu.memory_space<vmem>>, vector<16xf32>,
    %get3A_761 = vector.shape_cast %get3A_760 : vector<16xf32> to vector<16xf32>
    %sub3A_762 = arith.constant 5.000000e-01 : f32
    %sub3A_763 = vector.broadcast %sub3A_762 : f32 to vector<16xf32>
    %sub3A_764 = arith.subf %get3A_761, %sub3A_763 : vector<16xf32>
    %mul3A_765 = arith.constant 3.46409965 : f32
    %mul3A_766 = vector.broadcast %mul3A_765 : f32 to vector<16xf32>
    %mul3A_767 = arith.mulf %sub3A_764, %mul3A_766 : vector<16xf32>
    %swap3A_768 = arith.constant 368 : index
    %swap3A_769 = tpu.vector_load %arg13[%swap3A_768] {strides = array<i32>} : memref<544xf32, #tpu.memory_space<vmem>>, vector<16xf32>,
    %swap3A_770 = vector.shape_cast %swap3A_769 : vector<16xf32> to vector<16xf32>
    %swap3A_771 = vector.shape_cast %mul3A_767 : vector<16xf32> to vector<16xf32>
    tpu.vector_store %arg13[%swap3A_768], %swap3A_771 {strides = array<i32>} : memref<544xf32, #tpu.memory_space<vmem>>, vector<16xf32>,
    %get3A_772 = arith.constant 384 : index
    %get3A_773 = tpu.vector_load %arg13[%get3A_772] {strides = array<i32>} : memref<544xf32, #tpu.memory_space<vmem>>, vector<16xf32>,
    %get3A_774 = vector.shape_cast %get3A_773 : vector<16xf32> to vector<16xf32>
    %sub3A_775 = arith.constant 5.000000e-01 : f32
    %sub3A_776 = vector.broadcast %sub3A_775 : f32 to vector<16xf32>
    %sub3A_777 = arith.subf %get3A_774, %sub3A_776 : vector<16xf32>
    %mul3A_778 = arith.constant 3.46409965 : f32
    %mul3A_779 = vector.broadcast %mul3A_778 : f32 to vector<16xf32>
    %mul3A_780 = arith.mulf %sub3A_777, %mul3A_779 : vector<16xf32>
    %swap3A_781 = arith.constant 384 : index
    %swap3A_782 = tpu.vector_load %arg13[%swap3A_781] {strides = array<i32>} : memref<544xf32, #tpu.memory_space<vmem>>, vector<16xf32>,
    %swap3A_783 = vector.shape_cast %swap3A_782 : vector<16xf32> to vector<16xf32>
    %swap3A_784 = vector.shape_cast %mul3A_780 : vector<16xf32> to vector<16xf32>
    tpu.vector_store %arg13[%swap3A_781], %swap3A_784 {strides = array<i32>} : memref<544xf32, #tpu.memory_space<vmem>>, vector<16xf32>,
    %get3A_785 = arith.constant 400 : index
    %get3A_786 = tpu.vector_load %arg13[%get3A_785] {strides = array<i32>} : memref<544xf32, #tpu.memory_space<vmem>>, vector<16xf32>,
    %get3A_787 = vector.shape_cast %get3A_786 : vector<16xf32> to vector<16xf32>
    %sub3A_788 = arith.constant 5.000000e-01 : f32
    %sub3A_789 = vector.broadcast %sub3A_788 : f32 to vector<16xf32>
    %sub3A_790 = arith.subf %get3A_787, %sub3A_789 : vector<16xf32>
    %mul3A_791 = arith.constant 3.46409965 : f32
    %mul3A_792 = vector.broadcast %mul3A_791 : f32 to vector<16xf32>
    %mul3A_793 = arith.mulf %sub3A_790, %mul3A_792 : vector<16xf32>
    %swap3A_794 = arith.constant 400 : index
    %swap3A_795 = tpu.vector_load %arg13[%swap3A_794] {strides = array<i32>} : memref<544xf32, #tpu.memory_space<vmem>>, vector<16xf32>,
    %swap3A_796 = vector.shape_cast %swap3A_795 : vector<16xf32> to vector<16xf32>
    %swap3A_797 = vector.shape_cast %mul3A_793 : vector<16xf32> to vector<16xf32>
    tpu.vector_store %arg13[%swap3A_794], %swap3A_797 {strides = array<i32>} : memref<544xf32, #tpu.memory_space<vmem>>, vector<16xf32>,
    %get3A_798 = arith.constant 416 : index
    %get3A_799 = tpu.vector_load %arg13[%get3A_798] {strides = array<i32>} : memref<544xf32, #tpu.memory_space<vmem>>, vector<16xf32>,
    %get3A_800 = vector.shape_cast %get3A_799 : vector<16xf32> to vector<16xf32>
    %sub3A_801 = arith.constant 5.000000e-01 : f32
    %sub3A_802 = vector.broadcast %sub3A_801 : f32 to vector<16xf32>
    %sub3A_803 = arith.subf %get3A_800, %sub3A_802 : vector<16xf32>
    %mul3A_804 = arith.constant 3.46409965 : f32
    %mul3A_805 = vector.broadcast %mul3A_804 : f32 to vector<16xf32>
    %mul3A_806 = arith.mulf %sub3A_803, %mul3A_805 : vector<16xf32>
    %swap3A_807 = arith.constant 416 : index
    %swap3A_808 = tpu.vector_load %arg13[%swap3A_807] {strides = array<i32>} : memref<544xf32, #tpu.memory_space<vmem>>, vector<16xf32>,
    %swap3A_809 = vector.shape_cast %swap3A_808 : vector<16xf32> to vector<16xf32>
    %swap3A_810 = vector.shape_cast %mul3A_806 : vector<16xf32> to vector<16xf32>
    tpu.vector_store %arg13[%swap3A_807], %swap3A_810 {strides = array<i32>} : memref<544xf32, #tpu.memory_space<vmem>>, vector<16xf32>,
    %get3A_811 = arith.constant 432 : index
    %get3A_812 = tpu.vector_load %arg13[%get3A_811] {strides = array<i32>} : memref<544xf32, #tpu.memory_space<vmem>>, vector<16xf32>,
    %get3A_813 = vector.shape_cast %get3A_812 : vector<16xf32> to vector<16xf32>
    %sub3A_814 = arith.constant 5.000000e-01 : f32
    %sub3A_815 = vector.broadcast %sub3A_814 : f32 to vector<16xf32>
    %sub3A_816 = arith.subf %get3A_813, %sub3A_815 : vector<16xf32>
    %mul3A_817 = arith.constant 3.46409965 : f32
    %mul3A_818 = vector.broadcast %mul3A_817 : f32 to vector<16xf32>
    %mul3A_819 = arith.mulf %sub3A_816, %mul3A_818 : vector<16xf32>
    %swap3A_820 = arith.constant 432 : index
    %swap3A_821 = tpu.vector_load %arg13[%swap3A_820] {strides = array<i32>} : memref<544xf32, #tpu.memory_space<vmem>>, vector<16xf32>,
    %swap3A_822 = vector.shape_cast %swap3A_821 : vector<16xf32> to vector<16xf32>
    %swap3A_823 = vector.shape_cast %mul3A_819 : vector<16xf32> to vector<16xf32>
    tpu.vector_store %arg13[%swap3A_820], %swap3A_823 {strides = array<i32>} : memref<544xf32, #tpu.memory_space<vmem>>, vector<16xf32>,
    %get3A_824 = arith.constant 448 : index
    %get3A_825 = tpu.vector_load %arg13[%get3A_824] {strides = array<i32>} : memref<544xf32, #tpu.memory_space<vmem>>, vector<16xf32>,
    %get3A_826 = vector.shape_cast %get3A_825 : vector<16xf32> to vector<16xf32>
    %sub3A_827 = arith.constant 5.000000e-01 : f32
    %sub3A_828 = vector.broadcast %sub3A_827 : f32 to vector<16xf32>
    %sub3A_829 = arith.subf %get3A_826, %sub3A_828 : vector<16xf32>
    %mul3A_830 = arith.constant 3.46409965 : f32
    %mul3A_831 = vector.broadcast %mul3A_830 : f32 to vector<16xf32>
    %mul3A_832 = arith.mulf %sub3A_829, %mul3A_831 : vector<16xf32>
    %swap3A_833 = arith.constant 448 : index
    %swap3A_834 = tpu.vector_load %arg13[%swap3A_833] {strides = array<i32>} : memref<544xf32, #tpu.memory_space<vmem>>, vector<16xf32>,
    %swap3A_835 = vector.shape_cast %swap3A_834 : vector<16xf32> to vector<16xf32>
    %swap3A_836 = vector.shape_cast %mul3A_832 : vector<16xf32> to vector<16xf32>
    tpu.vector_store %arg13[%swap3A_833], %swap3A_836 {strides = array<i32>} : memref<544xf32, #tpu.memory_space<vmem>>, vector<16xf32>,
    %get3A_837 = arith.constant 464 : index
    %get3A_838 = tpu.vector_load %arg13[%get3A_837] {strides = array<i32>} : memref<544xf32, #tpu.memory_space<vmem>>, vector<16xf32>,
    %get3A_839 = vector.shape_cast %get3A_838 : vector<16xf32> to vector<16xf32>
    %sub3A_840 = arith.constant 5.000000e-01 : f32
    %sub3A_841 = vector.broadcast %sub3A_840 : f32 to vector<16xf32>
    %sub3A_842 = arith.subf %get3A_839, %sub3A_841 : vector<16xf32>
    %mul3A_843 = arith.constant 3.46409965 : f32
    %mul3A_844 = vector.broadcast %mul3A_843 : f32 to vector<16xf32>
    %mul3A_845 = arith.mulf %sub3A_842, %mul3A_844 : vector<16xf32>
    %swap3A_846 = arith.constant 464 : index
    %swap3A_847 = tpu.vector_load %arg13[%swap3A_846] {strides = array<i32>} : memref<544xf32, #tpu.memory_space<vmem>>, vector<16xf32>,
    %swap3A_848 = vector.shape_cast %swap3A_847 : vector<16xf32> to vector<16xf32>
    %swap3A_849 = vector.shape_cast %mul3A_845 : vector<16xf32> to vector<16xf32>
    tpu.vector_store %arg13[%swap3A_846], %swap3A_849 {strides = array<i32>} : memref<544xf32, #tpu.memory_space<vmem>>, vector<16xf32>,
    %get3A_850 = arith.constant 480 : index
    %get3A_851 = tpu.vector_load %arg13[%get3A_850] {strides = array<i32>} : memref<544xf32, #tpu.memory_space<vmem>>, vector<16xf32>,
    %get3A_852 = vector.shape_cast %get3A_851 : vector<16xf32> to vector<16xf32>
    %sub3A_853 = arith.constant 5.000000e-01 : f32
    %sub3A_854 = vector.broadcast %sub3A_853 : f32 to vector<16xf32>
    %sub3A_855 = arith.subf %get3A_852, %sub3A_854 : vector<16xf32>
    %mul3A_856 = arith.constant 3.46409965 : f32
    %mul3A_857 = vector.broadcast %mul3A_856 : f32 to vector<16xf32>
    %mul3A_858 = arith.mulf %sub3A_855, %mul3A_857 : vector<16xf32>
    %swap3A_859 = arith.constant 480 : index
    %swap3A_860 = tpu.vector_load %arg13[%swap3A_859] {strides = array<i32>} : memref<544xf32, #tpu.memory_space<vmem>>, vector<16xf32>,
    %swap3A_861 = vector.shape_cast %swap3A_860 : vector<16xf32> to vector<16xf32>
    %swap3A_862 = vector.shape_cast %mul3A_858 : vector<16xf32> to vector<16xf32>
    tpu.vector_store %arg13[%swap3A_859], %swap3A_862 {strides = array<i32>} : memref<544xf32, #tpu.memory_space<vmem>>, vector<16xf32>,
    %get3A_863 = arith.constant 496 : index
    %get3A_864 = tpu.vector_load %arg13[%get3A_863] {strides = array<i32>} : memref<544xf32, #tpu.memory_space<vmem>>, vector<16xf32>,
    %get3A_865 = vector.shape_cast %get3A_864 : vector<16xf32> to vector<16xf32>
    %sub3A_866 = arith.constant 5.000000e-01 : f32
    %sub3A_867 = vector.broadcast %sub3A_866 : f32 to vector<16xf32>
    %sub3A_868 = arith.subf %get3A_865, %sub3A_867 : vector<16xf32>
    %mul3A_869 = arith.constant 3.46409965 : f32
    %mul3A_870 = vector.broadcast %mul3A_869 : f32 to vector<16xf32>
    %mul3A_871 = arith.mulf %sub3A_868, %mul3A_870 : vector<16xf32>
    %swap3A_872 = arith.constant 496 : index
    %swap3A_873 = tpu.vector_load %arg13[%swap3A_872] {strides = array<i32>} : memref<544xf32, #tpu.memory_space<vmem>>, vector<16xf32>,
    %swap3A_874 = vector.shape_cast %swap3A_873 : vector<16xf32> to vector<16xf32>
    %swap3A_875 = vector.shape_cast %mul3A_871 : vector<16xf32> to vector<16xf32>
    tpu.vector_store %arg13[%swap3A_872], %swap3A_875 {strides = array<i32>} : memref<544xf32, #tpu.memory_space<vmem>>, vector<16xf32>,
    %get3A_876 = arith.constant 512 : index
    %get3A_877 = tpu.vector_load %arg13[%get3A_876] {strides = array<i32>} : memref<544xf32, #tpu.memory_space<vmem>>, vector<16xf32>,
    %get3A_878 = vector.shape_cast %get3A_877 : vector<16xf32> to vector<16xf32>
    %sub3A_879 = arith.constant 5.000000e-01 : f32
    %sub3A_880 = vector.broadcast %sub3A_879 : f32 to vector<16xf32>
    %sub3A_881 = arith.subf %get3A_878, %sub3A_880 : vector<16xf32>
    %mul3A_882 = arith.constant 3.46409965 : f32
    %mul3A_883 = vector.broadcast %mul3A_882 : f32 to vector<16xf32>
    %mul3A_884 = arith.mulf %sub3A_881, %mul3A_883 : vector<16xf32>
    %swap3A_885 = arith.constant 512 : index
    %swap3A_886 = tpu.vector_load %arg13[%swap3A_885] {strides = array<i32>} : memref<544xf32, #tpu.memory_space<vmem>>, vector<16xf32>,
    %swap3A_887 = vector.shape_cast %swap3A_886 : vector<16xf32> to vector<16xf32>
    %swap3A_888 = vector.shape_cast %mul3A_884 : vector<16xf32> to vector<16xf32>
    tpu.vector_store %arg13[%swap3A_885], %swap3A_888 {strides = array<i32>} : memref<544xf32, #tpu.memory_space<vmem>>, vector<16xf32>,
    %get3A_889 = arith.constant 0 : index
    %get3A_890 = tpu.vector_load %arg14[%get3A_889] {strides = array<i32>} : memref<544xf32, #tpu.memory_space<vmem>>, vector<16xf32>,
    %get3A_891 = vector.shape_cast %get3A_890 : vector<16xf32> to vector<16xf32>
    %sub3A_892 = arith.constant 5.000000e-01 : f32
    %sub3A_893 = vector.broadcast %sub3A_892 : f32 to vector<16xf32>
    %sub3A_894 = arith.subf %get3A_891, %sub3A_893 : vector<16xf32>
    %mul3A_895 = arith.constant 3.46409965 : f32
    %mul3A_896 = vector.broadcast %mul3A_895 : f32 to vector<16xf32>
    %mul3A_897 = arith.mulf %sub3A_894, %mul3A_896 : vector<16xf32>
    %swap3A_898 = arith.constant 0 : index
    %swap3A_899 = tpu.vector_load %arg14[%swap3A_898] {strides = array<i32>} : memref<544xf32, #tpu.memory_space<vmem>>, vector<16xf32>,
    %swap3A_900 = vector.shape_cast %swap3A_899 : vector<16xf32> to vector<16xf32>
    %swap3A_901 = vector.shape_cast %mul3A_897 : vector<16xf32> to vector<16xf32>
    tpu.vector_store %arg14[%swap3A_898], %swap3A_901 {strides = array<i32>} : memref<544xf32, #tpu.memory_space<vmem>>, vector<16xf32>,
    %get3A_902 = arith.constant 16 : index
    %get3A_903 = tpu.vector_load %arg14[%get3A_902] {strides = array<i32>} : memref<544xf32, #tpu.memory_space<vmem>>, vector<16xf32>,
    %get3A_904 = vector.shape_cast %get3A_903 : vector<16xf32> to vector<16xf32>
    %sub3A_905 = arith.constant 5.000000e-01 : f32
    %sub3A_906 = vector.broadcast %sub3A_905 : f32 to vector<16xf32>
    %sub3A_907 = arith.subf %get3A_904, %sub3A_906 : vector<16xf32>
    %mul3A_908 = arith.constant 3.46409965 : f32
    %mul3A_909 = vector.broadcast %mul3A_908 : f32 to vector<16xf32>
    %mul3A_910 = arith.mulf %sub3A_907, %mul3A_909 : vector<16xf32>
    %swap3A_911 = arith.constant 16 : index
    %swap3A_912 = tpu.vector_load %arg14[%swap3A_911] {strides = array<i32>} : memref<544xf32, #tpu.memory_space<vmem>>, vector<16xf32>,
    %swap3A_913 = vector.shape_cast %swap3A_912 : vector<16xf32> to vector<16xf32>
    %swap3A_914 = vector.shape_cast %mul3A_910 : vector<16xf32> to vector<16xf32>
    tpu.vector_store %arg14[%swap3A_911], %swap3A_914 {strides = array<i32>} : memref<544xf32, #tpu.memory_space<vmem>>, vector<16xf32>,
    %get3A_915 = arith.constant 32 : index
    %get3A_916 = tpu.vector_load %arg14[%get3A_915] {strides = array<i32>} : memref<544xf32, #tpu.memory_space<vmem>>, vector<16xf32>,
    %get3A_917 = vector.shape_cast %get3A_916 : vector<16xf32> to vector<16xf32>
    %sub3A_918 = arith.constant 5.000000e-01 : f32
    %sub3A_919 = vector.broadcast %sub3A_918 : f32 to vector<16xf32>
    %sub3A_920 = arith.subf %get3A_917, %sub3A_919 : vector<16xf32>
    %mul3A_921 = arith.constant 3.46409965 : f32
    %mul3A_922 = vector.broadcast %mul3A_921 : f32 to vector<16xf32>
    %mul3A_923 = arith.mulf %sub3A_920, %mul3A_922 : vector<16xf32>
    %swap3A_924 = arith.constant 32 : index
    %swap3A_925 = tpu.vector_load %arg14[%swap3A_924] {strides = array<i32>} : memref<544xf32, #tpu.memory_space<vmem>>, vector<16xf32>,
    %swap3A_926 = vector.shape_cast %swap3A_925 : vector<16xf32> to vector<16xf32>
    %swap3A_927 = vector.shape_cast %mul3A_923 : vector<16xf32> to vector<16xf32>
    tpu.vector_store %arg14[%swap3A_924], %swap3A_927 {strides = array<i32>} : memref<544xf32, #tpu.memory_space<vmem>>, vector<16xf32>,
    %get3A_928 = arith.constant 48 : index
    %get3A_929 = tpu.vector_load %arg14[%get3A_928] {strides = array<i32>} : memref<544xf32, #tpu.memory_space<vmem>>, vector<16xf32>,
    %get3A_930 = vector.shape_cast %get3A_929 : vector<16xf32> to vector<16xf32>
    %sub3A_931 = arith.constant 5.000000e-01 : f32
    %sub3A_932 = vector.broadcast %sub3A_931 : f32 to vector<16xf32>
    %sub3A_933 = arith.subf %get3A_930, %sub3A_932 : vector<16xf32>
    %mul3A_934 = arith.constant 3.46409965 : f32
    %mul3A_935 = vector.broadcast %mul3A_934 : f32 to vector<16xf32>
    %mul3A_936 = arith.mulf %sub3A_933, %mul3A_935 : vector<16xf32>
    %swap3A_937 = arith.constant 48 : index
    %swap3A_938 = tpu.vector_load %arg14[%swap3A_937] {strides = array<i32>} : memref<544xf32, #tpu.memory_space<vmem>>, vector<16xf32>,
    %swap3A_939 = vector.shape_cast %swap3A_938 : vector<16xf32> to vector<16xf32>
    %swap3A_940 = vector.shape_cast %mul3A_936 : vector<16xf32> to vector<16xf32>
    tpu.vector_store %arg14[%swap3A_937], %swap3A_940 {strides = array<i32>} : memref<544xf32, #tpu.memory_space<vmem>>, vector<16xf32>,
    %get3A_941 = arith.constant 64 : index
    %get3A_942 = tpu.vector_load %arg14[%get3A_941] {strides = array<i32>} : memref<544xf32, #tpu.memory_space<vmem>>, vector<16xf32>,
    %get3A_943 = vector.shape_cast %get3A_942 : vector<16xf32> to vector<16xf32>
    %sub3A_944 = arith.constant 5.000000e-01 : f32
    %sub3A_945 = vector.broadcast %sub3A_944 : f32 to vector<16xf32>
    %sub3A_946 = arith.subf %get3A_943, %sub3A_945 : vector<16xf32>
    %mul3A_947 = arith.constant 3.46409965 : f32
    %mul3A_948 = vector.broadcast %mul3A_947 : f32 to vector<16xf32>
    %mul3A_949 = arith.mulf %sub3A_946, %mul3A_948 : vector<16xf32>
    %swap3A_950 = arith.constant 64 : index
    %swap3A_951 = tpu.vector_load %arg14[%swap3A_950] {strides = array<i32>} : memref<544xf32, #tpu.memory_space<vmem>>, vector<16xf32>,
    %swap3A_952 = vector.shape_cast %swap3A_951 : vector<16xf32> to vector<16xf32>
    %swap3A_953 = vector.shape_cast %mul3A_949 : vector<16xf32> to vector<16xf32>
    tpu.vector_store %arg14[%swap3A_950], %swap3A_953 {strides = array<i32>} : memref<544xf32, #tpu.memory_space<vmem>>, vector<16xf32>,
    %get3A_954 = arith.constant 80 : index
    %get3A_955 = tpu.vector_load %arg14[%get3A_954] {strides = array<i32>} : memref<544xf32, #tpu.memory_space<vmem>>, vector<16xf32>,
    %get3A_956 = vector.shape_cast %get3A_955 : vector<16xf32> to vector<16xf32>
    %sub3A_957 = arith.constant 5.000000e-01 : f32
    %sub3A_958 = vector.broadcast %sub3A_957 : f32 to vector<16xf32>
    %sub3A_959 = arith.subf %get3A_956, %sub3A_958 : vector<16xf32>
    %mul3A_960 = arith.constant 3.46409965 : f32
    %mul3A_961 = vector.broadcast %mul3A_960 : f32 to vector<16xf32>
    %mul3A_962 = arith.mulf %sub3A_959, %mul3A_961 : vector<16xf32>
    %swap3A_963 = arith.constant 80 : index
    %swap3A_964 = tpu.vector_load %arg14[%swap3A_963] {strides = array<i32>} : memref<544xf32, #tpu.memory_space<vmem>>, vector<16xf32>,
    %swap3A_965 = vector.shape_cast %swap3A_964 : vector<16xf32> to vector<16xf32>
    %swap3A_966 = vector.shape_cast %mul3A_962 : vector<16xf32> to vector<16xf32>
    tpu.vector_store %arg14[%swap3A_963], %swap3A_966 {strides = array<i32>} : memref<544xf32, #tpu.memory_space<vmem>>, vector<16xf32>,
    %get3A_967 = arith.constant 96 : index
    %get3A_968 = tpu.vector_load %arg14[%get3A_967] {strides = array<i32>} : memref<544xf32, #tpu.memory_space<vmem>>, vector<16xf32>,
    %get3A_969 = vector.shape_cast %get3A_968 : vector<16xf32> to vector<16xf32>
    %sub3A_970 = arith.constant 5.000000e-01 : f32
    %sub3A_971 = vector.broadcast %sub3A_970 : f32 to vector<16xf32>
    %sub3A_972 = arith.subf %get3A_969, %sub3A_971 : vector<16xf32>
    %mul3A_973 = arith.constant 3.46409965 : f32
    %mul3A_974 = vector.broadcast %mul3A_973 : f32 to vector<16xf32>
    %mul3A_975 = arith.mulf %sub3A_972, %mul3A_974 : vector<16xf32>
    %swap3A_976 = arith.constant 96 : index
    %swap3A_977 = tpu.vector_load %arg14[%swap3A_976] {strides = array<i32>} : memref<544xf32, #tpu.memory_space<vmem>>, vector<16xf32>,
    %swap3A_978 = vector.shape_cast %swap3A_977 : vector<16xf32> to vector<16xf32>
    %swap3A_979 = vector.shape_cast %mul3A_975 : vector<16xf32> to vector<16xf32>
    tpu.vector_store %arg14[%swap3A_976], %swap3A_979 {strides = array<i32>} : memref<544xf32, #tpu.memory_space<vmem>>, vector<16xf32>,
    %get3A_980 = arith.constant 112 : index
    %get3A_981 = tpu.vector_load %arg14[%get3A_980] {strides = array<i32>} : memref<544xf32, #tpu.memory_space<vmem>>, vector<16xf32>,
    %get3A_982 = vector.shape_cast %get3A_981 : vector<16xf32> to vector<16xf32>
    %sub3A_983 = arith.constant 5.000000e-01 : f32
    %sub3A_984 = vector.broadcast %sub3A_983 : f32 to vector<16xf32>
    %sub3A_985 = arith.subf %get3A_982, %sub3A_984 : vector<16xf32>
    %mul3A_986 = arith.constant 3.46409965 : f32
    %mul3A_987 = vector.broadcast %mul3A_986 : f32 to vector<16xf32>
    %mul3A_988 = arith.mulf %sub3A_985, %mul3A_987 : vector<16xf32>
    %swap3A_989 = arith.constant 112 : index
    %swap3A_990 = tpu.vector_load %arg14[%swap3A_989] {strides = array<i32>} : memref<544xf32, #tpu.memory_space<vmem>>, vector<16xf32>,
    %swap3A_991 = vector.shape_cast %swap3A_990 : vector<16xf32> to vector<16xf32>
    %swap3A_992 = vector.shape_cast %mul3A_988 : vector<16xf32> to vector<16xf32>
    tpu.vector_store %arg14[%swap3A_989], %swap3A_992 {strides = array<i32>} : memref<544xf32, #tpu.memory_space<vmem>>, vector<16xf32>,
    %get3A_993 = arith.constant 128 : index
    %get3A_994 = tpu.vector_load %arg14[%get3A_993] {strides = array<i32>} : memref<544xf32, #tpu.memory_space<vmem>>, vector<16xf32>,
    %get3A_995 = vector.shape_cast %get3A_994 : vector<16xf32> to vector<16xf32>
    %sub3A_996 = arith.constant 5.000000e-01 : f32
    %sub3A_997 = vector.broadcast %sub3A_996 : f32 to vector<16xf32>
    %sub3A_998 = arith.subf %get3A_995, %sub3A_997 : vector<16xf32>
    %mul3A_999 = arith.constant 3.46409965 : f32
    %mul3A_1000 = vector.broadcast %mul3A_999 : f32 to vector<16xf32>
    %mul3A_1001 = arith.mulf %sub3A_998, %mul3A_1000 : vector<16xf32>
    %swap3A_1002 = arith.constant 128 : index
    %swap3A_1003 = tpu.vector_load %arg14[%swap3A_1002] {strides = array<i32>} : memref<544xf32, #tpu.memory_space<vmem>>, vector<16xf32>,
    %swap3A_1004 = vector.shape_cast %swap3A_1003 : vector<16xf32> to vector<16xf32>
    %swap3A_1005 = vector.shape_cast %mul3A_1001 : vector<16xf32> to vector<16xf32>
    tpu.vector_store %arg14[%swap3A_1002], %swap3A_1005 {strides = array<i32>} : memref<544xf32, #tpu.memory_space<vmem>>, vector<16xf32>,
    %get3A_1006 = arith.constant 144 : index
    %get3A_1007 = tpu.vector_load %arg14[%get3A_1006] {strides = array<i32>} : memref<544xf32, #tpu.memory_space<vmem>>, vector<16xf32>,
    %get3A_1008 = vector.shape_cast %get3A_1007 : vector<16xf32> to vector<16xf32>
    %sub3A_1009 = arith.constant 5.000000e-01 : f32
    %sub3A_1010 = vector.broadcast %sub3A_1009 : f32 to vector<16xf32>
    %sub3A_1011 = arith.subf %get3A_1008, %sub3A_1010 : vector<16xf32>
    %mul3A_1012 = arith.constant 3.46409965 : f32
    %mul3A_1013 = vector.broadcast %mul3A_1012 : f32 to vector<16xf32>
    %mul3A_1014 = arith.mulf %sub3A_1011, %mul3A_1013 : vector<16xf32>
    %swap3A_1015 = arith.constant 144 : index
    %swap3A_1016 = tpu.vector_load %arg14[%swap3A_1015] {strides = array<i32>} : memref<544xf32, #tpu.memory_space<vmem>>, vector<16xf32>,
    %swap3A_1017 = vector.shape_cast %swap3A_1016 : vector<16xf32> to vector<16xf32>
    %swap3A_1018 = vector.shape_cast %mul3A_1014 : vector<16xf32> to vector<16xf32>
    tpu.vector_store %arg14[%swap3A_1015], %swap3A_1018 {strides = array<i32>} : memref<544xf32, #tpu.memory_space<vmem>>, vector<16xf32>,
    %get3A_1019 = arith.constant 160 : index
    %get3A_1020 = tpu.vector_load %arg14[%get3A_1019] {strides = array<i32>} : memref<544xf32, #tpu.memory_space<vmem>>, vector<16xf32>,
    %get3A_1021 = vector.shape_cast %get3A_1020 : vector<16xf32> to vector<16xf32>
    %sub3A_1022 = arith.constant 5.000000e-01 : f32
    %sub3A_1023 = vector.broadcast %sub3A_1022 : f32 to vector<16xf32>
    %sub3A_1024 = arith.subf %get3A_1021, %sub3A_1023 : vector<16xf32>
    %mul3A_1025 = arith.constant 3.46409965 : f32
    %mul3A_1026 = vector.broadcast %mul3A_1025 : f32 to vector<16xf32>
    %mul3A_1027 = arith.mulf %sub3A_1024, %mul3A_1026 : vector<16xf32>
    %swap3A_1028 = arith.constant 160 : index
    %swap3A_1029 = tpu.vector_load %arg14[%swap3A_1028] {strides = array<i32>} : memref<544xf32, #tpu.memory_space<vmem>>, vector<16xf32>,
    %swap3A_1030 = vector.shape_cast %swap3A_1029 : vector<16xf32> to vector<16xf32>
    %swap3A_1031 = vector.shape_cast %mul3A_1027 : vector<16xf32> to vector<16xf32>
    tpu.vector_store %arg14[%swap3A_1028], %swap3A_1031 {strides = array<i32>} : memref<544xf32, #tpu.memory_space<vmem>>, vector<16xf32>,
    %get3A_1032 = arith.constant 176 : index
    %get3A_1033 = tpu.vector_load %arg14[%get3A_1032] {strides = array<i32>} : memref<544xf32, #tpu.memory_space<vmem>>, vector<16xf32>,
    %get3A_1034 = vector.shape_cast %get3A_1033 : vector<16xf32> to vector<16xf32>
    %sub3A_1035 = arith.constant 5.000000e-01 : f32
    %sub3A_1036 = vector.broadcast %sub3A_1035 : f32 to vector<16xf32>
    %sub3A_1037 = arith.subf %get3A_1034, %sub3A_1036 : vector<16xf32>
    %mul3A_1038 = arith.constant 3.46409965 : f32
    %mul3A_1039 = vector.broadcast %mul3A_1038 : f32 to vector<16xf32>
    %mul3A_1040 = arith.mulf %sub3A_1037, %mul3A_1039 : vector<16xf32>
    %swap3A_1041 = arith.constant 176 : index
    %swap3A_1042 = tpu.vector_load %arg14[%swap3A_1041] {strides = array<i32>} : memref<544xf32, #tpu.memory_space<vmem>>, vector<16xf32>,
    %swap3A_1043 = vector.shape_cast %swap3A_1042 : vector<16xf32> to vector<16xf32>
    %swap3A_1044 = vector.shape_cast %mul3A_1040 : vector<16xf32> to vector<16xf32>
    tpu.vector_store %arg14[%swap3A_1041], %swap3A_1044 {strides = array<i32>} : memref<544xf32, #tpu.memory_space<vmem>>, vector<16xf32>,
    %get3A_1045 = arith.constant 192 : index
    %get3A_1046 = tpu.vector_load %arg14[%get3A_1045] {strides = array<i32>} : memref<544xf32, #tpu.memory_space<vmem>>, vector<16xf32>,
    %get3A_1047 = vector.shape_cast %get3A_1046 : vector<16xf32> to vector<16xf32>
    %sub3A_1048 = arith.constant 5.000000e-01 : f32
    %sub3A_1049 = vector.broadcast %sub3A_1048 : f32 to vector<16xf32>
    %sub3A_1050 = arith.subf %get3A_1047, %sub3A_1049 : vector<16xf32>
    %mul3A_1051 = arith.constant 3.46409965 : f32
    %mul3A_1052 = vector.broadcast %mul3A_1051 : f32 to vector<16xf32>
    %mul3A_1053 = arith.mulf %sub3A_1050, %mul3A_1052 : vector<16xf32>
    %swap3A_1054 = arith.constant 192 : index
    %swap3A_1055 = tpu.vector_load %arg14[%swap3A_1054] {strides = array<i32>} : memref<544xf32, #tpu.memory_space<vmem>>, vector<16xf32>,
    %swap3A_1056 = vector.shape_cast %swap3A_1055 : vector<16xf32> to vector<16xf32>
    %swap3A_1057 = vector.shape_cast %mul3A_1053 : vector<16xf32> to vector<16xf32>
    tpu.vector_store %arg14[%swap3A_1054], %swap3A_1057 {strides = array<i32>} : memref<544xf32, #tpu.memory_space<vmem>>, vector<16xf32>,
    %get3A_1058 = arith.constant 208 : index
    %get3A_1059 = tpu.vector_load %arg14[%get3A_1058] {strides = array<i32>} : memref<544xf32, #tpu.memory_space<vmem>>, vector<16xf32>,
    %get3A_1060 = vector.shape_cast %get3A_1059 : vector<16xf32> to vector<16xf32>
    %sub3A_1061 = arith.constant 5.000000e-01 : f32
    %sub3A_1062 = vector.broadcast %sub3A_1061 : f32 to vector<16xf32>
    %sub3A_1063 = arith.subf %get3A_1060, %sub3A_1062 : vector<16xf32>
    %mul3A_1064 = arith.constant 3.46409965 : f32
    %mul3A_1065 = vector.broadcast %mul3A_1064 : f32 to vector<16xf32>
    %mul3A_1066 = arith.mulf %sub3A_1063, %mul3A_1065 : vector<16xf32>
    %swap3A_1067 = arith.constant 208 : index
    %swap3A_1068 = tpu.vector_load %arg14[%swap3A_1067] {strides = array<i32>} : memref<544xf32, #tpu.memory_space<vmem>>, vector<16xf32>,
    %swap3A_1069 = vector.shape_cast %swap3A_1068 : vector<16xf32> to vector<16xf32>
    %swap3A_1070 = vector.shape_cast %mul3A_1066 : vector<16xf32> to vector<16xf32>
    tpu.vector_store %arg14[%swap3A_1067], %swap3A_1070 {strides = array<i32>} : memref<544xf32, #tpu.memory_space<vmem>>, vector<16xf32>,
    %get3A_1071 = arith.constant 224 : index
    %get3A_1072 = tpu.vector_load %arg14[%get3A_1071] {strides = array<i32>} : memref<544xf32, #tpu.memory_space<vmem>>, vector<16xf32>,
    %get3A_1073 = vector.shape_cast %get3A_1072 : vector<16xf32> to vector<16xf32>
    %sub3A_1074 = arith.constant 5.000000e-01 : f32
    %sub3A_1075 = vector.broadcast %sub3A_1074 : f32 to vector<16xf32>
    %sub3A_1076 = arith.subf %get3A_1073, %sub3A_1075 : vector<16xf32>
    %mul3A_1077 = arith.constant 3.46409965 : f32
    %mul3A_1078 = vector.broadcast %mul3A_1077 : f32 to vector<16xf32>
    %mul3A_1079 = arith.mulf %sub3A_1076, %mul3A_1078 : vector<16xf32>
    %swap3A_1080 = arith.constant 224 : index
    %swap3A_1081 = tpu.vector_load %arg14[%swap3A_1080] {strides = array<i32>} : memref<544xf32, #tpu.memory_space<vmem>>, vector<16xf32>,
    %swap3A_1082 = vector.shape_cast %swap3A_1081 : vector<16xf32> to vector<16xf32>
    %swap3A_1083 = vector.shape_cast %mul3A_1079 : vector<16xf32> to vector<16xf32>
    tpu.vector_store %arg14[%swap3A_1080], %swap3A_1083 {strides = array<i32>} : memref<544xf32, #tpu.memory_space<vmem>>, vector<16xf32>,
    %get3A_1084 = arith.constant 240 : index
    %get3A_1085 = tpu.vector_load %arg14[%get3A_1084] {strides = array<i32>} : memref<544xf32, #tpu.memory_space<vmem>>, vector<16xf32>,
    %get3A_1086 = vector.shape_cast %get3A_1085 : vector<16xf32> to vector<16xf32>
    %sub3A_1087 = arith.constant 5.000000e-01 : f32
    %sub3A_1088 = vector.broadcast %sub3A_1087 : f32 to vector<16xf32>
    %sub3A_1089 = arith.subf %get3A_1086, %sub3A_1088 : vector<16xf32>
    %mul3A_1090 = arith.constant 3.46409965 : f32
    %mul3A_1091 = vector.broadcast %mul3A_1090 : f32 to vector<16xf32>
    %mul3A_1092 = arith.mulf %sub3A_1089, %mul3A_1091 : vector<16xf32>
    %swap3A_1093 = arith.constant 240 : index
    %swap3A_1094 = tpu.vector_load %arg14[%swap3A_1093] {strides = array<i32>} : memref<544xf32, #tpu.memory_space<vmem>>, vector<16xf32>,
    %swap3A_1095 = vector.shape_cast %swap3A_1094 : vector<16xf32> to vector<16xf32>
    %swap3A_1096 = vector.shape_cast %mul3A_1092 : vector<16xf32> to vector<16xf32>
    tpu.vector_store %arg14[%swap3A_1093], %swap3A_1096 {strides = array<i32>} : memref<544xf32, #tpu.memory_space<vmem>>, vector<16xf32>,
    %get3A_1097 = arith.constant 256 : index
    %get3A_1098 = tpu.vector_load %arg14[%get3A_1097] {strides = array<i32>} : memref<544xf32, #tpu.memory_space<vmem>>, vector<16xf32>,
    %get3A_1099 = vector.shape_cast %get3A_1098 : vector<16xf32> to vector<16xf32>
    %sub3A_1100 = arith.constant 5.000000e-01 : f32
    %sub3A_1101 = vector.broadcast %sub3A_1100 : f32 to vector<16xf32>
    %sub3A_1102 = arith.subf %get3A_1099, %sub3A_1101 : vector<16xf32>
    %mul3A_1103 = arith.constant 3.46409965 : f32
    %mul3A_1104 = vector.broadcast %mul3A_1103 : f32 to vector<16xf32>
    %mul3A_1105 = arith.mulf %sub3A_1102, %mul3A_1104 : vector<16xf32>
    %swap3A_1106 = arith.constant 256 : index
    %swap3A_1107 = tpu.vector_load %arg14[%swap3A_1106] {strides = array<i32>} : memref<544xf32, #tpu.memory_space<vmem>>, vector<16xf32>,
    %swap3A_1108 = vector.shape_cast %swap3A_1107 : vector<16xf32> to vector<16xf32>
    %swap3A_1109 = vector.shape_cast %mul3A_1105 : vector<16xf32> to vector<16xf32>
    tpu.vector_store %arg14[%swap3A_1106], %swap3A_1109 {strides = array<i32>} : memref<544xf32, #tpu.memory_space<vmem>>, vector<16xf32>,
    %get3A_1110 = arith.constant 272 : index
    %get3A_1111 = tpu.vector_load %arg14[%get3A_1110] {strides = array<i32>} : memref<544xf32, #tpu.memory_space<vmem>>, vector<16xf32>,
    %get3A_1112 = vector.shape_cast %get3A_1111 : vector<16xf32> to vector<16xf32>
    %sub3A_1113 = arith.constant 5.000000e-01 : f32
    %sub3A_1114 = vector.broadcast %sub3A_1113 : f32 to vector<16xf32>
    %sub3A_1115 = arith.subf %get3A_1112, %sub3A_1114 : vector<16xf32>
    %mul3A_1116 = arith.constant 3.46409965 : f32
    %mul3A_1117 = vector.broadcast %mul3A_1116 : f32 to vector<16xf32>
    %mul3A_1118 = arith.mulf %sub3A_1115, %mul3A_1117 : vector<16xf32>
    %swap3A_1119 = arith.constant 272 : index
    %swap3A_1120 = tpu.vector_load %arg14[%swap3A_1119] {strides = array<i32>} : memref<544xf32, #tpu.memory_space<vmem>>, vector<16xf32>,
    %swap3A_1121 = vector.shape_cast %swap3A_1120 : vector<16xf32> to vector<16xf32>
    %swap3A_1122 = vector.shape_cast %mul3A_1118 : vector<16xf32> to vector<16xf32>
    tpu.vector_store %arg14[%swap3A_1119], %swap3A_1122 {strides = array<i32>} : memref<544xf32, #tpu.memory_space<vmem>>, vector<16xf32>,
    %get3A_1123 = arith.constant 288 : index
    %get3A_1124 = tpu.vector_load %arg14[%get3A_1123] {strides = array<i32>} : memref<544xf32, #tpu.memory_space<vmem>>, vector<16xf32>,
    %get3A_1125 = vector.shape_cast %get3A_1124 : vector<16xf32> to vector<16xf32>
    %sub3A_1126 = arith.constant 5.000000e-01 : f32
    %sub3A_1127 = vector.broadcast %sub3A_1126 : f32 to vector<16xf32>
    %sub3A_1128 = arith.subf %get3A_1125, %sub3A_1127 : vector<16xf32>
    %mul3A_1129 = arith.constant 3.46409965 : f32
    %mul3A_1130 = vector.broadcast %mul3A_1129 : f32 to vector<16xf32>
    %mul3A_1131 = arith.mulf %sub3A_1128, %mul3A_1130 : vector<16xf32>
    %swap3A_1132 = arith.constant 288 : index
    %swap3A_1133 = tpu.vector_load %arg14[%swap3A_1132] {strides = array<i32>} : memref<544xf32, #tpu.memory_space<vmem>>, vector<16xf32>,
    %swap3A_1134 = vector.shape_cast %swap3A_1133 : vector<16xf32> to vector<16xf32>
    %swap3A_1135 = vector.shape_cast %mul3A_1131 : vector<16xf32> to vector<16xf32>
    tpu.vector_store %arg14[%swap3A_1132], %swap3A_1135 {strides = array<i32>} : memref<544xf32, #tpu.memory_space<vmem>>, vector<16xf32>,
    %get3A_1136 = arith.constant 304 : index
    %get3A_1137 = tpu.vector_load %arg14[%get3A_1136] {strides = array<i32>} : memref<544xf32, #tpu.memory_space<vmem>>, vector<16xf32>,
    %get3A_1138 = vector.shape_cast %get3A_1137 : vector<16xf32> to vector<16xf32>
    %sub3A_1139 = arith.constant 5.000000e-01 : f32
    %sub3A_1140 = vector.broadcast %sub3A_1139 : f32 to vector<16xf32>
    %sub3A_1141 = arith.subf %get3A_1138, %sub3A_1140 : vector<16xf32>
    %mul3A_1142 = arith.constant 3.46409965 : f32
    %mul3A_1143 = vector.broadcast %mul3A_1142 : f32 to vector<16xf32>
    %mul3A_1144 = arith.mulf %sub3A_1141, %mul3A_1143 : vector<16xf32>
    %swap3A_1145 = arith.constant 304 : index
    %swap3A_1146 = tpu.vector_load %arg14[%swap3A_1145] {strides = array<i32>} : memref<544xf32, #tpu.memory_space<vmem>>, vector<16xf32>,
    %swap3A_1147 = vector.shape_cast %swap3A_1146 : vector<16xf32> to vector<16xf32>
    %swap3A_1148 = vector.shape_cast %mul3A_1144 : vector<16xf32> to vector<16xf32>
    tpu.vector_store %arg14[%swap3A_1145], %swap3A_1148 {strides = array<i32>} : memref<544xf32, #tpu.memory_space<vmem>>, vector<16xf32>,
    %get3A_1149 = arith.constant 320 : index
    %get3A_1150 = tpu.vector_load %arg14[%get3A_1149] {strides = array<i32>} : memref<544xf32, #tpu.memory_space<vmem>>, vector<16xf32>,
    %get3A_1151 = vector.shape_cast %get3A_1150 : vector<16xf32> to vector<16xf32>
    %sub3A_1152 = arith.constant 5.000000e-01 : f32
    %sub3A_1153 = vector.broadcast %sub3A_1152 : f32 to vector<16xf32>
    %sub3A_1154 = arith.subf %get3A_1151, %sub3A_1153 : vector<16xf32>
    %mul3A_1155 = arith.constant 3.46409965 : f32
    %mul3A_1156 = vector.broadcast %mul3A_1155 : f32 to vector<16xf32>
    %mul3A_1157 = arith.mulf %sub3A_1154, %mul3A_1156 : vector<16xf32>
    %swap3A_1158 = arith.constant 320 : index
    %swap3A_1159 = tpu.vector_load %arg14[%swap3A_1158] {strides = array<i32>} : memref<544xf32, #tpu.memory_space<vmem>>, vector<16xf32>,
    %swap3A_1160 = vector.shape_cast %swap3A_1159 : vector<16xf32> to vector<16xf32>
    %swap3A_1161 = vector.shape_cast %mul3A_1157 : vector<16xf32> to vector<16xf32>
    tpu.vector_store %arg14[%swap3A_1158], %swap3A_1161 {strides = array<i32>} : memref<544xf32, #tpu.memory_space<vmem>>, vector<16xf32>,
    %get3A_1162 = arith.constant 336 : index
    %get3A_1163 = tpu.vector_load %arg14[%get3A_1162] {strides = array<i32>} : memref<544xf32, #tpu.memory_space<vmem>>, vector<16xf32>,
    %get3A_1164 = vector.shape_cast %get3A_1163 : vector<16xf32> to vector<16xf32>
    %sub3A_1165 = arith.constant 5.000000e-01 : f32
    %sub3A_1166 = vector.broadcast %sub3A_1165 : f32 to vector<16xf32>
    %sub3A_1167 = arith.subf %get3A_1164, %sub3A_1166 : vector<16xf32>
    %mul3A_1168 = arith.constant 3.46409965 : f32
    %mul3A_1169 = vector.broadcast %mul3A_1168 : f32 to vector<16xf32>
    %mul3A_1170 = arith.mulf %sub3A_1167, %mul3A_1169 : vector<16xf32>
    %swap3A_1171 = arith.constant 336 : index
    %swap3A_1172 = tpu.vector_load %arg14[%swap3A_1171] {strides = array<i32>} : memref<544xf32, #tpu.memory_space<vmem>>, vector<16xf32>,
    %swap3A_1173 = vector.shape_cast %swap3A_1172 : vector<16xf32> to vector<16xf32>
    %swap3A_1174 = vector.shape_cast %mul3A_1170 : vector<16xf32> to vector<16xf32>
    tpu.vector_store %arg14[%swap3A_1171], %swap3A_1174 {strides = array<i32>} : memref<544xf32, #tpu.memory_space<vmem>>, vector<16xf32>,
    %get3A_1175 = arith.constant 352 : index
    %get3A_1176 = tpu.vector_load %arg14[%get3A_1175] {strides = array<i32>} : memref<544xf32, #tpu.memory_space<vmem>>, vector<16xf32>,
    %get3A_1177 = vector.shape_cast %get3A_1176 : vector<16xf32> to vector<16xf32>
    %sub3A_1178 = arith.constant 5.000000e-01 : f32
    %sub3A_1179 = vector.broadcast %sub3A_1178 : f32 to vector<16xf32>
    %sub3A_1180 = arith.subf %get3A_1177, %sub3A_1179 : vector<16xf32>
    %mul3A_1181 = arith.constant 3.46409965 : f32
    %mul3A_1182 = vector.broadcast %mul3A_1181 : f32 to vector<16xf32>
    %mul3A_1183 = arith.mulf %sub3A_1180, %mul3A_1182 : vector<16xf32>
    %swap3A_1184 = arith.constant 352 : index
    %swap3A_1185 = tpu.vector_load %arg14[%swap3A_1184] {strides = array<i32>} : memref<544xf32, #tpu.memory_space<vmem>>, vector<16xf32>,
    %swap3A_1186 = vector.shape_cast %swap3A_1185 : vector<16xf32> to vector<16xf32>
    %swap3A_1187 = vector.shape_cast %mul3A_1183 : vector<16xf32> to vector<16xf32>
    tpu.vector_store %arg14[%swap3A_1184], %swap3A_1187 {strides = array<i32>} : memref<544xf32, #tpu.memory_space<vmem>>, vector<16xf32>,
    %get3A_1188 = arith.constant 368 : index
    %get3A_1189 = tpu.vector_load %arg14[%get3A_1188] {strides = array<i32>} : memref<544xf32, #tpu.memory_space<vmem>>, vector<16xf32>,
    %get3A_1190 = vector.shape_cast %get3A_1189 : vector<16xf32> to vector<16xf32>
    %sub3A_1191 = arith.constant 5.000000e-01 : f32
    %sub3A_1192 = vector.broadcast %sub3A_1191 : f32 to vector<16xf32>
    %sub3A_1193 = arith.subf %get3A_1190, %sub3A_1192 : vector<16xf32>
    %mul3A_1194 = arith.constant 3.46409965 : f32
    %mul3A_1195 = vector.broadcast %mul3A_1194 : f32 to vector<16xf32>
    %mul3A_1196 = arith.mulf %sub3A_1193, %mul3A_1195 : vector<16xf32>
    %swap3A_1197 = arith.constant 368 : index
    %swap3A_1198 = tpu.vector_load %arg14[%swap3A_1197] {strides = array<i32>} : memref<544xf32, #tpu.memory_space<vmem>>, vector<16xf32>,
    %swap3A_1199 = vector.shape_cast %swap3A_1198 : vector<16xf32> to vector<16xf32>
    %swap3A_1200 = vector.shape_cast %mul3A_1196 : vector<16xf32> to vector<16xf32>
    tpu.vector_store %arg14[%swap3A_1197], %swap3A_1200 {strides = array<i32>} : memref<544xf32, #tpu.memory_space<vmem>>, vector<16xf32>,
    %get3A_1201 = arith.constant 384 : index
    %get3A_1202 = tpu.vector_load %arg14[%get3A_1201] {strides = array<i32>} : memref<544xf32, #tpu.memory_space<vmem>>, vector<16xf32>,
    %get3A_1203 = vector.shape_cast %get3A_1202 : vector<16xf32> to vector<16xf32>
    %sub3A_1204 = arith.constant 5.000000e-01 : f32
    %sub3A_1205 = vector.broadcast %sub3A_1204 : f32 to vector<16xf32>
    %sub3A_1206 = arith.subf %get3A_1203, %sub3A_1205 : vector<16xf32>
    %mul3A_1207 = arith.constant 3.46409965 : f32
    %mul3A_1208 = vector.broadcast %mul3A_1207 : f32 to vector<16xf32>
    %mul3A_1209 = arith.mulf %sub3A_1206, %mul3A_1208 : vector<16xf32>
    %swap3A_1210 = arith.constant 384 : index
    %swap3A_1211 = tpu.vector_load %arg14[%swap3A_1210] {strides = array<i32>} : memref<544xf32, #tpu.memory_space<vmem>>, vector<16xf32>,
    %swap3A_1212 = vector.shape_cast %swap3A_1211 : vector<16xf32> to vector<16xf32>
    %swap3A_1213 = vector.shape_cast %mul3A_1209 : vector<16xf32> to vector<16xf32>
    tpu.vector_store %arg14[%swap3A_1210], %swap3A_1213 {strides = array<i32>} : memref<544xf32, #tpu.memory_space<vmem>>, vector<16xf32>,
    %get3A_1214 = arith.constant 400 : index
    %get3A_1215 = tpu.vector_load %arg14[%get3A_1214] {strides = array<i32>} : memref<544xf32, #tpu.memory_space<vmem>>, vector<16xf32>,
    %get3A_1216 = vector.shape_cast %get3A_1215 : vector<16xf32> to vector<16xf32>
    %sub3A_1217 = arith.constant 5.000000e-01 : f32
    %sub3A_1218 = vector.broadcast %sub3A_1217 : f32 to vector<16xf32>
    %sub3A_1219 = arith.subf %get3A_1216, %sub3A_1218 : vector<16xf32>
    %mul3A_1220 = arith.constant 3.46409965 : f32
    %mul3A_1221 = vector.broadcast %mul3A_1220 : f32 to vector<16xf32>
    %mul3A_1222 = arith.mulf %sub3A_1219, %mul3A_1221 : vector<16xf32>
    %swap3A_1223 = arith.constant 400 : index
    %swap3A_1224 = tpu.vector_load %arg14[%swap3A_1223] {strides = array<i32>} : memref<544xf32, #tpu.memory_space<vmem>>, vector<16xf32>,
    %swap3A_1225 = vector.shape_cast %swap3A_1224 : vector<16xf32> to vector<16xf32>
    %swap3A_1226 = vector.shape_cast %mul3A_1222 : vector<16xf32> to vector<16xf32>
    tpu.vector_store %arg14[%swap3A_1223], %swap3A_1226 {strides = array<i32>} : memref<544xf32, #tpu.memory_space<vmem>>, vector<16xf32>,
    %get3A_1227 = arith.constant 416 : index
    %get3A_1228 = tpu.vector_load %arg14[%get3A_1227] {strides = array<i32>} : memref<544xf32, #tpu.memory_space<vmem>>, vector<16xf32>,
    %get3A_1229 = vector.shape_cast %get3A_1228 : vector<16xf32> to vector<16xf32>
    %sub3A_1230 = arith.constant 5.000000e-01 : f32
    %sub3A_1231 = vector.broadcast %sub3A_1230 : f32 to vector<16xf32>
    %sub3A_1232 = arith.subf %get3A_1229, %sub3A_1231 : vector<16xf32>
    %mul3A_1233 = arith.constant 3.46409965 : f32
    %mul3A_1234 = vector.broadcast %mul3A_1233 : f32 to vector<16xf32>
    %mul3A_1235 = arith.mulf %sub3A_1232, %mul3A_1234 : vector<16xf32>
    %swap3A_1236 = arith.constant 416 : index
    %swap3A_1237 = tpu.vector_load %arg14[%swap3A_1236] {strides = array<i32>} : memref<544xf32, #tpu.memory_space<vmem>>, vector<16xf32>,
    %swap3A_1238 = vector.shape_cast %swap3A_1237 : vector<16xf32> to vector<16xf32>
    %swap3A_1239 = vector.shape_cast %mul3A_1235 : vector<16xf32> to vector<16xf32>
    tpu.vector_store %arg14[%swap3A_1236], %swap3A_1239 {strides = array<i32>} : memref<544xf32, #tpu.memory_space<vmem>>, vector<16xf32>,
    %get3A_1240 = arith.constant 432 : index
    %get3A_1241 = tpu.vector_load %arg14[%get3A_1240] {strides = array<i32>} : memref<544xf32, #tpu.memory_space<vmem>>, vector<16xf32>,
    %get3A_1242 = vector.shape_cast %get3A_1241 : vector<16xf32> to vector<16xf32>
    %sub3A_1243 = arith.constant 5.000000e-01 : f32
    %sub3A_1244 = vector.broadcast %sub3A_1243 : f32 to vector<16xf32>
    %sub3A_1245 = arith.subf %get3A_1242, %sub3A_1244 : vector<16xf32>
    %mul3A_1246 = arith.constant 3.46409965 : f32
    %mul3A_1247 = vector.broadcast %mul3A_1246 : f32 to vector<16xf32>
    %mul3A_1248 = arith.mulf %sub3A_1245, %mul3A_1247 : vector<16xf32>
    %swap3A_1249 = arith.constant 432 : index
    %swap3A_1250 = tpu.vector_load %arg14[%swap3A_1249] {strides = array<i32>} : memref<544xf32, #tpu.memory_space<vmem>>, vector<16xf32>,
    %swap3A_1251 = vector.shape_cast %swap3A_1250 : vector<16xf32> to vector<16xf32>
    %swap3A_1252 = vector.shape_cast %mul3A_1248 : vector<16xf32> to vector<16xf32>
    tpu.vector_store %arg14[%swap3A_1249], %swap3A_1252 {strides = array<i32>} : memref<544xf32, #tpu.memory_space<vmem>>, vector<16xf32>,
    %get3A_1253 = arith.constant 448 : index
    %get3A_1254 = tpu.vector_load %arg14[%get3A_1253] {strides = array<i32>} : memref<544xf32, #tpu.memory_space<vmem>>, vector<16xf32>,
    %get3A_1255 = vector.shape_cast %get3A_1254 : vector<16xf32> to vector<16xf32>
    %sub3A_1256 = arith.constant 5.000000e-01 : f32
    %sub3A_1257 = vector.broadcast %sub3A_1256 : f32 to vector<16xf32>
    %sub3A_1258 = arith.subf %get3A_1255, %sub3A_1257 : vector<16xf32>
    %mul3A_1259 = arith.constant 3.46409965 : f32
    %mul3A_1260 = vector.broadcast %mul3A_1259 : f32 to vector<16xf32>
    %mul3A_1261 = arith.mulf %sub3A_1258, %mul3A_1260 : vector<16xf32>
    %swap3A_1262 = arith.constant 448 : index
    %swap3A_1263 = tpu.vector_load %arg14[%swap3A_1262] {strides = array<i32>} : memref<544xf32, #tpu.memory_space<vmem>>, vector<16xf32>,
    %swap3A_1264 = vector.shape_cast %swap3A_1263 : vector<16xf32> to vector<16xf32>
    %swap3A_1265 = vector.shape_cast %mul3A_1261 : vector<16xf32> to vector<16xf32>
    tpu.vector_store %arg14[%swap3A_1262], %swap3A_1265 {strides = array<i32>} : memref<544xf32, #tpu.memory_space<vmem>>, vector<16xf32>,
    %get3A_1266 = arith.constant 464 : index
    %get3A_1267 = tpu.vector_load %arg14[%get3A_1266] {strides = array<i32>} : memref<544xf32, #tpu.memory_space<vmem>>, vector<16xf32>,
    %get3A_1268 = vector.shape_cast %get3A_1267 : vector<16xf32> to vector<16xf32>
    %sub3A_1269 = arith.constant 5.000000e-01 : f32
    %sub3A_1270 = vector.broadcast %sub3A_1269 : f32 to vector<16xf32>
    %sub3A_1271 = arith.subf %get3A_1268, %sub3A_1270 : vector<16xf32>
    %mul3A_1272 = arith.constant 3.46409965 : f32
    %mul3A_1273 = vector.broadcast %mul3A_1272 : f32 to vector<16xf32>
    %mul3A_1274 = arith.mulf %sub3A_1271, %mul3A_1273 : vector<16xf32>
    %swap3A_1275 = arith.constant 464 : index
    %swap3A_1276 = tpu.vector_load %arg14[%swap3A_1275] {strides = array<i32>} : memref<544xf32, #tpu.memory_space<vmem>>, vector<16xf32>,
    %swap3A_1277 = vector.shape_cast %swap3A_1276 : vector<16xf32> to vector<16xf32>
    %swap3A_1278 = vector.shape_cast %mul3A_1274 : vector<16xf32> to vector<16xf32>
    tpu.vector_store %arg14[%swap3A_1275], %swap3A_1278 {strides = array<i32>} : memref<544xf32, #tpu.memory_space<vmem>>, vector<16xf32>,
    %get3A_1279 = arith.constant 480 : index
    %get3A_1280 = tpu.vector_load %arg14[%get3A_1279] {strides = array<i32>} : memref<544xf32, #tpu.memory_space<vmem>>, vector<16xf32>,
    %get3A_1281 = vector.shape_cast %get3A_1280 : vector<16xf32> to vector<16xf32>
    %sub3A_1282 = arith.constant 5.000000e-01 : f32
    %sub3A_1283 = vector.broadcast %sub3A_1282 : f32 to vector<16xf32>
    %sub3A_1284 = arith.subf %get3A_1281, %sub3A_1283 : vector<16xf32>
    %mul3A_1285 = arith.constant 3.46409965 : f32
    %mul3A_1286 = vector.broadcast %mul3A_1285 : f32 to vector<16xf32>
    %mul3A_1287 = arith.mulf %sub3A_1284, %mul3A_1286 : vector<16xf32>
    %swap3A_1288 = arith.constant 480 : index
    %swap3A_1289 = tpu.vector_load %arg14[%swap3A_1288] {strides = array<i32>} : memref<544xf32, #tpu.memory_space<vmem>>, vector<16xf32>,
    %swap3A_1290 = vector.shape_cast %swap3A_1289 : vector<16xf32> to vector<16xf32>
    %swap3A_1291 = vector.shape_cast %mul3A_1287 : vector<16xf32> to vector<16xf32>
    tpu.vector_store %arg14[%swap3A_1288], %swap3A_1291 {strides = array<i32>} : memref<544xf32, #tpu.memory_space<vmem>>, vector<16xf32>,
    %get3A_1292 = arith.constant 496 : index
    %get3A_1293 = tpu.vector_load %arg14[%get3A_1292] {strides = array<i32>} : memref<544xf32, #tpu.memory_space<vmem>>, vector<16xf32>,
    %get3A_1294 = vector.shape_cast %get3A_1293 : vector<16xf32> to vector<16xf32>
    %sub3A_1295 = arith.constant 5.000000e-01 : f32
    %sub3A_1296 = vector.broadcast %sub3A_1295 : f32 to vector<16xf32>
    %sub3A_1297 = arith.subf %get3A_1294, %sub3A_1296 : vector<16xf32>
    %mul3A_1298 = arith.constant 3.46409965 : f32
    %mul3A_1299 = vector.broadcast %mul3A_1298 : f32 to vector<16xf32>
    %mul3A_1300 = arith.mulf %sub3A_1297, %mul3A_1299 : vector<16xf32>
    %swap3A_1301 = arith.constant 496 : index
    %swap3A_1302 = tpu.vector_load %arg14[%swap3A_1301] {strides = array<i32>} : memref<544xf32, #tpu.memory_space<vmem>>, vector<16xf32>,
    %swap3A_1303 = vector.shape_cast %swap3A_1302 : vector<16xf32> to vector<16xf32>
    %swap3A_1304 = vector.shape_cast %mul3A_1300 : vector<16xf32> to vector<16xf32>
    tpu.vector_store %arg14[%swap3A_1301], %swap3A_1304 {strides = array<i32>} : memref<544xf32, #tpu.memory_space<vmem>>, vector<16xf32>,
    %get3A_1305 = arith.constant 512 : index
    %get3A_1306 = tpu.vector_load %arg14[%get3A_1305] {strides = array<i32>} : memref<544xf32, #tpu.memory_space<vmem>>, vector<16xf32>,
    %get3A_1307 = vector.shape_cast %get3A_1306 : vector<16xf32> to vector<16xf32>
    %sub3A_1308 = arith.constant 5.000000e-01 : f32
    %sub3A_1309 = vector.broadcast %sub3A_1308 : f32 to vector<16xf32>
    %sub3A_1310 = arith.subf %get3A_1307, %sub3A_1309 : vector<16xf32>
    %mul3A_1311 = arith.constant 3.46409965 : f32
    %mul3A_1312 = vector.broadcast %mul3A_1311 : f32 to vector<16xf32>
    %mul3A_1313 = arith.mulf %sub3A_1310, %mul3A_1312 : vector<16xf32>
    %swap3A_1314 = arith.constant 512 : index
    %swap3A_1315 = tpu.vector_load %arg14[%swap3A_1314] {strides = array<i32>} : memref<544xf32, #tpu.memory_space<vmem>>, vector<16xf32>,
    %swap3A_1316 = vector.shape_cast %swap3A_1315 : vector<16xf32> to vector<16xf32>
    %swap3A_1317 = vector.shape_cast %mul3A_1313 : vector<16xf32> to vector<16xf32>
    tpu.vector_store %arg14[%swap3A_1314], %swap3A_1317 {strides = array<i32>} : memref<544xf32, #tpu.memory_space<vmem>>, vector<16xf32>,
    %get3A_1318 = arith.constant 0 : index
    %get3A_1319 = tpu.vector_load %arg15[%get3A_1318] {strides = array<i32>} : memref<544xf32, #tpu.memory_space<vmem>>, vector<16xf32>,
    %get3A_1320 = vector.shape_cast %get3A_1319 : vector<16xf32> to vector<16xf32>
    %sub3A_1321 = arith.constant 5.000000e-01 : f32
    %sub3A_1322 = vector.broadcast %sub3A_1321 : f32 to vector<16xf32>
    %sub3A_1323 = arith.subf %get3A_1320, %sub3A_1322 : vector<16xf32>
    %mul3A_1324 = arith.constant 3.46409965 : f32
    %mul3A_1325 = vector.broadcast %mul3A_1324 : f32 to vector<16xf32>
    %mul3A_1326 = arith.mulf %sub3A_1323, %mul3A_1325 : vector<16xf32>
    %swap3A_1327 = arith.constant 0 : index
    %swap3A_1328 = tpu.vector_load %arg15[%swap3A_1327] {strides = array<i32>} : memref<544xf32, #tpu.memory_space<vmem>>, vector<16xf32>,
    %swap3A_1329 = vector.shape_cast %swap3A_1328 : vector<16xf32> to vector<16xf32>
    %swap3A_1330 = vector.shape_cast %mul3A_1326 : vector<16xf32> to vector<16xf32>
    tpu.vector_store %arg15[%swap3A_1327], %swap3A_1330 {strides = array<i32>} : memref<544xf32, #tpu.memory_space<vmem>>, vector<16xf32>,
    %get3A_1331 = arith.constant 16 : index
    %get3A_1332 = tpu.vector_load %arg15[%get3A_1331] {strides = array<i32>} : memref<544xf32, #tpu.memory_space<vmem>>, vector<16xf32>,
    %get3A_1333 = vector.shape_cast %get3A_1332 : vector<16xf32> to vector<16xf32>
    %sub3A_1334 = arith.constant 5.000000e-01 : f32
    %sub3A_1335 = vector.broadcast %sub3A_1334 : f32 to vector<16xf32>
    %sub3A_1336 = arith.subf %get3A_1333, %sub3A_1335 : vector<16xf32>
    %mul3A_1337 = arith.constant 3.46409965 : f32
    %mul3A_1338 = vector.broadcast %mul3A_1337 : f32 to vector<16xf32>
    %mul3A_1339 = arith.mulf %sub3A_1336, %mul3A_1338 : vector<16xf32>
    %swap3A_1340 = arith.constant 16 : index
    %swap3A_1341 = tpu.vector_load %arg15[%swap3A_1340] {strides = array<i32>} : memref<544xf32, #tpu.memory_space<vmem>>, vector<16xf32>,
    %swap3A_1342 = vector.shape_cast %swap3A_1341 : vector<16xf32> to vector<16xf32>
    %swap3A_1343 = vector.shape_cast %mul3A_1339 : vector<16xf32> to vector<16xf32>
    tpu.vector_store %arg15[%swap3A_1340], %swap3A_1343 {strides = array<i32>} : memref<544xf32, #tpu.memory_space<vmem>>, vector<16xf32>,
    %get3A_1344 = arith.constant 32 : index
    %get3A_1345 = tpu.vector_load %arg15[%get3A_1344] {strides = array<i32>} : memref<544xf32, #tpu.memory_space<vmem>>, vector<16xf32>,
    %get3A_1346 = vector.shape_cast %get3A_1345 : vector<16xf32> to vector<16xf32>
    %sub3A_1347 = arith.constant 5.000000e-01 : f32
    %sub3A_1348 = vector.broadcast %sub3A_1347 : f32 to vector<16xf32>
    %sub3A_1349 = arith.subf %get3A_1346, %sub3A_1348 : vector<16xf32>
    %mul3A_1350 = arith.constant 3.46409965 : f32
    %mul3A_1351 = vector.broadcast %mul3A_1350 : f32 to vector<16xf32>
    %mul3A_1352 = arith.mulf %sub3A_1349, %mul3A_1351 : vector<16xf32>
    %swap3A_1353 = arith.constant 32 : index
    %swap3A_1354 = tpu.vector_load %arg15[%swap3A_1353] {strides = array<i32>} : memref<544xf32, #tpu.memory_space<vmem>>, vector<16xf32>,
    %swap3A_1355 = vector.shape_cast %swap3A_1354 : vector<16xf32> to vector<16xf32>
    %swap3A_1356 = vector.shape_cast %mul3A_1352 : vector<16xf32> to vector<16xf32>
    tpu.vector_store %arg15[%swap3A_1353], %swap3A_1356 {strides = array<i32>} : memref<544xf32, #tpu.memory_space<vmem>>, vector<16xf32>,
    %get3A_1357 = arith.constant 48 : index
    %get3A_1358 = tpu.vector_load %arg15[%get3A_1357] {strides = array<i32>} : memref<544xf32, #tpu.memory_space<vmem>>, vector<16xf32>,
    %get3A_1359 = vector.shape_cast %get3A_1358 : vector<16xf32> to vector<16xf32>
    %sub3A_1360 = arith.constant 5.000000e-01 : f32
    %sub3A_1361 = vector.broadcast %sub3A_1360 : f32 to vector<16xf32>
    %sub3A_1362 = arith.subf %get3A_1359, %sub3A_1361 : vector<16xf32>
    %mul3A_1363 = arith.constant 3.46409965 : f32
    %mul3A_1364 = vector.broadcast %mul3A_1363 : f32 to vector<16xf32>
    %mul3A_1365 = arith.mulf %sub3A_1362, %mul3A_1364 : vector<16xf32>
    %swap3A_1366 = arith.constant 48 : index
    %swap3A_1367 = tpu.vector_load %arg15[%swap3A_1366] {strides = array<i32>} : memref<544xf32, #tpu.memory_space<vmem>>, vector<16xf32>,
    %swap3A_1368 = vector.shape_cast %swap3A_1367 : vector<16xf32> to vector<16xf32>
    %swap3A_1369 = vector.shape_cast %mul3A_1365 : vector<16xf32> to vector<16xf32>
    tpu.vector_store %arg15[%swap3A_1366], %swap3A_1369 {strides = array<i32>} : memref<544xf32, #tpu.memory_space<vmem>>, vector<16xf32>,
    %get3A_1370 = arith.constant 64 : index
    %get3A_1371 = tpu.vector_load %arg15[%get3A_1370] {strides = array<i32>} : memref<544xf32, #tpu.memory_space<vmem>>, vector<16xf32>,
    %get3A_1372 = vector.shape_cast %get3A_1371 : vector<16xf32> to vector<16xf32>
    %sub3A_1373 = arith.constant 5.000000e-01 : f32
    %sub3A_1374 = vector.broadcast %sub3A_1373 : f32 to vector<16xf32>
    %sub3A_1375 = arith.subf %get3A_1372, %sub3A_1374 : vector<16xf32>
    %mul3A_1376 = arith.constant 3.46409965 : f32
    %mul3A_1377 = vector.broadcast %mul3A_1376 : f32 to vector<16xf32>
    %mul3A_1378 = arith.mulf %sub3A_1375, %mul3A_1377 : vector<16xf32>
    %swap3A_1379 = arith.constant 64 : index
    %swap3A_1380 = tpu.vector_load %arg15[%swap3A_1379] {strides = array<i32>} : memref<544xf32, #tpu.memory_space<vmem>>, vector<16xf32>,
    %swap3A_1381 = vector.shape_cast %swap3A_1380 : vector<16xf32> to vector<16xf32>
    %swap3A_1382 = vector.shape_cast %mul3A_1378 : vector<16xf32> to vector<16xf32>
    tpu.vector_store %arg15[%swap3A_1379], %swap3A_1382 {strides = array<i32>} : memref<544xf32, #tpu.memory_space<vmem>>, vector<16xf32>,
    %get3A_1383 = arith.constant 80 : index
    %get3A_1384 = tpu.vector_load %arg15[%get3A_1383] {strides = array<i32>} : memref<544xf32, #tpu.memory_space<vmem>>, vector<16xf32>,
    %get3A_1385 = vector.shape_cast %get3A_1384 : vector<16xf32> to vector<16xf32>
    %sub3A_1386 = arith.constant 5.000000e-01 : f32
    %sub3A_1387 = vector.broadcast %sub3A_1386 : f32 to vector<16xf32>
    %sub3A_1388 = arith.subf %get3A_1385, %sub3A_1387 : vector<16xf32>
    %mul3A_1389 = arith.constant 3.46409965 : f32
    %mul3A_1390 = vector.broadcast %mul3A_1389 : f32 to vector<16xf32>
    %mul3A_1391 = arith.mulf %sub3A_1388, %mul3A_1390 : vector<16xf32>
    %swap3A_1392 = arith.constant 80 : index
    %swap3A_1393 = tpu.vector_load %arg15[%swap3A_1392] {strides = array<i32>} : memref<544xf32, #tpu.memory_space<vmem>>, vector<16xf32>,
    %swap3A_1394 = vector.shape_cast %swap3A_1393 : vector<16xf32> to vector<16xf32>
    %swap3A_1395 = vector.shape_cast %mul3A_1391 : vector<16xf32> to vector<16xf32>
    tpu.vector_store %arg15[%swap3A_1392], %swap3A_1395 {strides = array<i32>} : memref<544xf32, #tpu.memory_space<vmem>>, vector<16xf32>,
    %get3A_1396 = arith.constant 96 : index
    %get3A_1397 = tpu.vector_load %arg15[%get3A_1396] {strides = array<i32>} : memref<544xf32, #tpu.memory_space<vmem>>, vector<16xf32>,
    %get3A_1398 = vector.shape_cast %get3A_1397 : vector<16xf32> to vector<16xf32>
    %sub3A_1399 = arith.constant 5.000000e-01 : f32
    %sub3A_1400 = vector.broadcast %sub3A_1399 : f32 to vector<16xf32>
    %sub3A_1401 = arith.subf %get3A_1398, %sub3A_1400 : vector<16xf32>
    %mul3A_1402 = arith.constant 3.46409965 : f32
    %mul3A_1403 = vector.broadcast %mul3A_1402 : f32 to vector<16xf32>
    %mul3A_1404 = arith.mulf %sub3A_1401, %mul3A_1403 : vector<16xf32>
    %swap3A_1405 = arith.constant 96 : index
    %swap3A_1406 = tpu.vector_load %arg15[%swap3A_1405] {strides = array<i32>} : memref<544xf32, #tpu.memory_space<vmem>>, vector<16xf32>,
    %swap3A_1407 = vector.shape_cast %swap3A_1406 : vector<16xf32> to vector<16xf32>
    %swap3A_1408 = vector.shape_cast %mul3A_1404 : vector<16xf32> to vector<16xf32>
    tpu.vector_store %arg15[%swap3A_1405], %swap3A_1408 {strides = array<i32>} : memref<544xf32, #tpu.memory_space<vmem>>, vector<16xf32>,
    %get3A_1409 = arith.constant 112 : index
    %get3A_1410 = tpu.vector_load %arg15[%get3A_1409] {strides = array<i32>} : memref<544xf32, #tpu.memory_space<vmem>>, vector<16xf32>,
    %get3A_1411 = vector.shape_cast %get3A_1410 : vector<16xf32> to vector<16xf32>
    %sub3A_1412 = arith.constant 5.000000e-01 : f32
    %sub3A_1413 = vector.broadcast %sub3A_1412 : f32 to vector<16xf32>
    %sub3A_1414 = arith.subf %get3A_1411, %sub3A_1413 : vector<16xf32>
    %mul3A_1415 = arith.constant 3.46409965 : f32
    %mul3A_1416 = vector.broadcast %mul3A_1415 : f32 to vector<16xf32>
    %mul3A_1417 = arith.mulf %sub3A_1414, %mul3A_1416 : vector<16xf32>
    %swap3A_1418 = arith.constant 112 : index
    %swap3A_1419 = tpu.vector_load %arg15[%swap3A_1418] {strides = array<i32>} : memref<544xf32, #tpu.memory_space<vmem>>, vector<16xf32>,
    %swap3A_1420 = vector.shape_cast %swap3A_1419 : vector<16xf32> to vector<16xf32>
    %swap3A_1421 = vector.shape_cast %mul3A_1417 : vector<16xf32> to vector<16xf32>
    tpu.vector_store %arg15[%swap3A_1418], %swap3A_1421 {strides = array<i32>} : memref<544xf32, #tpu.memory_space<vmem>>, vector<16xf32>,
    %get3A_1422 = arith.constant 128 : index
    %get3A_1423 = tpu.vector_load %arg15[%get3A_1422] {strides = array<i32>} : memref<544xf32, #tpu.memory_space<vmem>>, vector<16xf32>,
    %get3A_1424 = vector.shape_cast %get3A_1423 : vector<16xf32> to vector<16xf32>
    %sub3A_1425 = arith.constant 5.000000e-01 : f32
    %sub3A_1426 = vector.broadcast %sub3A_1425 : f32 to vector<16xf32>
    %sub3A_1427 = arith.subf %get3A_1424, %sub3A_1426 : vector<16xf32>
    %mul3A_1428 = arith.constant 3.46409965 : f32
    %mul3A_1429 = vector.broadcast %mul3A_1428 : f32 to vector<16xf32>
    %mul3A_1430 = arith.mulf %sub3A_1427, %mul3A_1429 : vector<16xf32>
    %swap3A_1431 = arith.constant 128 : index
    %swap3A_1432 = tpu.vector_load %arg15[%swap3A_1431] {strides = array<i32>} : memref<544xf32, #tpu.memory_space<vmem>>, vector<16xf32>,
    %swap3A_1433 = vector.shape_cast %swap3A_1432 : vector<16xf32> to vector<16xf32>
    %swap3A_1434 = vector.shape_cast %mul3A_1430 : vector<16xf32> to vector<16xf32>
    tpu.vector_store %arg15[%swap3A_1431], %swap3A_1434 {strides = array<i32>} : memref<544xf32, #tpu.memory_space<vmem>>, vector<16xf32>,
    %get3A_1435 = arith.constant 144 : index
    %get3A_1436 = tpu.vector_load %arg15[%get3A_1435] {strides = array<i32>} : memref<544xf32, #tpu.memory_space<vmem>>, vector<16xf32>,
    %get3A_1437 = vector.shape_cast %get3A_1436 : vector<16xf32> to vector<16xf32>
    %sub3A_1438 = arith.constant 5.000000e-01 : f32
    %sub3A_1439 = vector.broadcast %sub3A_1438 : f32 to vector<16xf32>
    %sub3A_1440 = arith.subf %get3A_1437, %sub3A_1439 : vector<16xf32>
    %mul3A_1441 = arith.constant 3.46409965 : f32
    %mul3A_1442 = vector.broadcast %mul3A_1441 : f32 to vector<16xf32>
    %mul3A_1443 = arith.mulf %sub3A_1440, %mul3A_1442 : vector<16xf32>
    %swap3A_1444 = arith.constant 144 : index
    %swap3A_1445 = tpu.vector_load %arg15[%swap3A_1444] {strides = array<i32>} : memref<544xf32, #tpu.memory_space<vmem>>, vector<16xf32>,
    %swap3A_1446 = vector.shape_cast %swap3A_1445 : vector<16xf32> to vector<16xf32>
    %swap3A_1447 = vector.shape_cast %mul3A_1443 : vector<16xf32> to vector<16xf32>
    tpu.vector_store %arg15[%swap3A_1444], %swap3A_1447 {strides = array<i32>} : memref<544xf32, #tpu.memory_space<vmem>>, vector<16xf32>,
    %get3A_1448 = arith.constant 160 : index
    %get3A_1449 = tpu.vector_load %arg15[%get3A_1448] {strides = array<i32>} : memref<544xf32, #tpu.memory_space<vmem>>, vector<16xf32>,
    %get3A_1450 = vector.shape_cast %get3A_1449 : vector<16xf32> to vector<16xf32>
    %sub3A_1451 = arith.constant 5.000000e-01 : f32
    %sub3A_1452 = vector.broadcast %sub3A_1451 : f32 to vector<16xf32>
    %sub3A_1453 = arith.subf %get3A_1450, %sub3A_1452 : vector<16xf32>
    %mul3A_1454 = arith.constant 3.46409965 : f32
    %mul3A_1455 = vector.broadcast %mul3A_1454 : f32 to vector<16xf32>
    %mul3A_1456 = arith.mulf %sub3A_1453, %mul3A_1455 : vector<16xf32>
    %swap3A_1457 = arith.constant 160 : index
    %swap3A_1458 = tpu.vector_load %arg15[%swap3A_1457] {strides = array<i32>} : memref<544xf32, #tpu.memory_space<vmem>>, vector<16xf32>,
    %swap3A_1459 = vector.shape_cast %swap3A_1458 : vector<16xf32> to vector<16xf32>
    %swap3A_1460 = vector.shape_cast %mul3A_1456 : vector<16xf32> to vector<16xf32>
    tpu.vector_store %arg15[%swap3A_1457], %swap3A_1460 {strides = array<i32>} : memref<544xf32, #tpu.memory_space<vmem>>, vector<16xf32>,
    %get3A_1461 = arith.constant 176 : index
    %get3A_1462 = tpu.vector_load %arg15[%get3A_1461] {strides = array<i32>} : memref<544xf32, #tpu.memory_space<vmem>>, vector<16xf32>,
    %get3A_1463 = vector.shape_cast %get3A_1462 : vector<16xf32> to vector<16xf32>
    %sub3A_1464 = arith.constant 5.000000e-01 : f32
    %sub3A_1465 = vector.broadcast %sub3A_1464 : f32 to vector<16xf32>
    %sub3A_1466 = arith.subf %get3A_1463, %sub3A_1465 : vector<16xf32>
    %mul3A_1467 = arith.constant 3.46409965 : f32
    %mul3A_1468 = vector.broadcast %mul3A_1467 : f32 to vector<16xf32>
    %mul3A_1469 = arith.mulf %sub3A_1466, %mul3A_1468 : vector<16xf32>
    %swap3A_1470 = arith.constant 176 : index
    %swap3A_1471 = tpu.vector_load %arg15[%swap3A_1470] {strides = array<i32>} : memref<544xf32, #tpu.memory_space<vmem>>, vector<16xf32>,
    %swap3A_1472 = vector.shape_cast %swap3A_1471 : vector<16xf32> to vector<16xf32>
    %swap3A_1473 = vector.shape_cast %mul3A_1469 : vector<16xf32> to vector<16xf32>
    tpu.vector_store %arg15[%swap3A_1470], %swap3A_1473 {strides = array<i32>} : memref<544xf32, #tpu.memory_space<vmem>>, vector<16xf32>,
    %get3A_1474 = arith.constant 192 : index
    %get3A_1475 = tpu.vector_load %arg15[%get3A_1474] {strides = array<i32>} : memref<544xf32, #tpu.memory_space<vmem>>, vector<16xf32>,
    %get3A_1476 = vector.shape_cast %get3A_1475 : vector<16xf32> to vector<16xf32>
    %sub3A_1477 = arith.constant 5.000000e-01 : f32
    %sub3A_1478 = vector.broadcast %sub3A_1477 : f32 to vector<16xf32>
    %sub3A_1479 = arith.subf %get3A_1476, %sub3A_1478 : vector<16xf32>
    %mul3A_1480 = arith.constant 3.46409965 : f32
    %mul3A_1481 = vector.broadcast %mul3A_1480 : f32 to vector<16xf32>
    %mul3A_1482 = arith.mulf %sub3A_1479, %mul3A_1481 : vector<16xf32>
    %swap3A_1483 = arith.constant 192 : index
    %swap3A_1484 = tpu.vector_load %arg15[%swap3A_1483] {strides = array<i32>} : memref<544xf32, #tpu.memory_space<vmem>>, vector<16xf32>,
    %swap3A_1485 = vector.shape_cast %swap3A_1484 : vector<16xf32> to vector<16xf32>
    %swap3A_1486 = vector.shape_cast %mul3A_1482 : vector<16xf32> to vector<16xf32>
    tpu.vector_store %arg15[%swap3A_1483], %swap3A_1486 {strides = array<i32>} : memref<544xf32, #tpu.memory_space<vmem>>, vector<16xf32>,
    %get3A_1487 = arith.constant 208 : index
    %get3A_1488 = tpu.vector_load %arg15[%get3A_1487] {strides = array<i32>} : memref<544xf32, #tpu.memory_space<vmem>>, vector<16xf32>,
    %get3A_1489 = vector.shape_cast %get3A_1488 : vector<16xf32> to vector<16xf32>
    %sub3A_1490 = arith.constant 5.000000e-01 : f32
    %sub3A_1491 = vector.broadcast %sub3A_1490 : f32 to vector<16xf32>
    %sub3A_1492 = arith.subf %get3A_1489, %sub3A_1491 : vector<16xf32>
    %mul3A_1493 = arith.constant 3.46409965 : f32
    %mul3A_1494 = vector.broadcast %mul3A_1493 : f32 to vector<16xf32>
    %mul3A_1495 = arith.mulf %sub3A_1492, %mul3A_1494 : vector<16xf32>
    %swap3A_1496 = arith.constant 208 : index
    %swap3A_1497 = tpu.vector_load %arg15[%swap3A_1496] {strides = array<i32>} : memref<544xf32, #tpu.memory_space<vmem>>, vector<16xf32>,
    %swap3A_1498 = vector.shape_cast %swap3A_1497 : vector<16xf32> to vector<16xf32>
    %swap3A_1499 = vector.shape_cast %mul3A_1495 : vector<16xf32> to vector<16xf32>
    tpu.vector_store %arg15[%swap3A_1496], %swap3A_1499 {strides = array<i32>} : memref<544xf32, #tpu.memory_space<vmem>>, vector<16xf32>,
    %get3A_1500 = arith.constant 224 : index
    %get3A_1501 = tpu.vector_load %arg15[%get3A_1500] {strides = array<i32>} : memref<544xf32, #tpu.memory_space<vmem>>, vector<16xf32>,
    %get3A_1502 = vector.shape_cast %get3A_1501 : vector<16xf32> to vector<16xf32>
    %sub3A_1503 = arith.constant 5.000000e-01 : f32
    %sub3A_1504 = vector.broadcast %sub3A_1503 : f32 to vector<16xf32>
    %sub3A_1505 = arith.subf %get3A_1502, %sub3A_1504 : vector<16xf32>
    %mul3A_1506 = arith.constant 3.46409965 : f32
    %mul3A_1507 = vector.broadcast %mul3A_1506 : f32 to vector<16xf32>
    %mul3A_1508 = arith.mulf %sub3A_1505, %mul3A_1507 : vector<16xf32>
    %swap3A_1509 = arith.constant 224 : index
    %swap3A_1510 = tpu.vector_load %arg15[%swap3A_1509] {strides = array<i32>} : memref<544xf32, #tpu.memory_space<vmem>>, vector<16xf32>,
    %swap3A_1511 = vector.shape_cast %swap3A_1510 : vector<16xf32> to vector<16xf32>
    %swap3A_1512 = vector.shape_cast %mul3A_1508 : vector<16xf32> to vector<16xf32>
    tpu.vector_store %arg15[%swap3A_1509], %swap3A_1512 {strides = array<i32>} : memref<544xf32, #tpu.memory_space<vmem>>, vector<16xf32>,
    %get3A_1513 = arith.constant 240 : index
    %get3A_1514 = tpu.vector_load %arg15[%get3A_1513] {strides = array<i32>} : memref<544xf32, #tpu.memory_space<vmem>>, vector<16xf32>,
    %get3A_1515 = vector.shape_cast %get3A_1514 : vector<16xf32> to vector<16xf32>
    %sub3A_1516 = arith.constant 5.000000e-01 : f32
    %sub3A_1517 = vector.broadcast %sub3A_1516 : f32 to vector<16xf32>
    %sub3A_1518 = arith.subf %get3A_1515, %sub3A_1517 : vector<16xf32>
    %mul3A_1519 = arith.constant 3.46409965 : f32
    %mul3A_1520 = vector.broadcast %mul3A_1519 : f32 to vector<16xf32>
    %mul3A_1521 = arith.mulf %sub3A_1518, %mul3A_1520 : vector<16xf32>
    %swap3A_1522 = arith.constant 240 : index
    %swap3A_1523 = tpu.vector_load %arg15[%swap3A_1522] {strides = array<i32>} : memref<544xf32, #tpu.memory_space<vmem>>, vector<16xf32>,
    %swap3A_1524 = vector.shape_cast %swap3A_1523 : vector<16xf32> to vector<16xf32>
    %swap3A_1525 = vector.shape_cast %mul3A_1521 : vector<16xf32> to vector<16xf32>
    tpu.vector_store %arg15[%swap3A_1522], %swap3A_1525 {strides = array<i32>} : memref<544xf32, #tpu.memory_space<vmem>>, vector<16xf32>,
    %get3A_1526 = arith.constant 256 : index
    %get3A_1527 = tpu.vector_load %arg15[%get3A_1526] {strides = array<i32>} : memref<544xf32, #tpu.memory_space<vmem>>, vector<16xf32>,
    %get3A_1528 = vector.shape_cast %get3A_1527 : vector<16xf32> to vector<16xf32>
    %sub3A_1529 = arith.constant 5.000000e-01 : f32
    %sub3A_1530 = vector.broadcast %sub3A_1529 : f32 to vector<16xf32>
    %sub3A_1531 = arith.subf %get3A_1528, %sub3A_1530 : vector<16xf32>
    %mul3A_1532 = arith.constant 3.46409965 : f32
    %mul3A_1533 = vector.broadcast %mul3A_1532 : f32 to vector<16xf32>
    %mul3A_1534 = arith.mulf %sub3A_1531, %mul3A_1533 : vector<16xf32>
    %swap3A_1535 = arith.constant 256 : index
    %swap3A_1536 = tpu.vector_load %arg15[%swap3A_1535] {strides = array<i32>} : memref<544xf32, #tpu.memory_space<vmem>>, vector<16xf32>,
    %swap3A_1537 = vector.shape_cast %swap3A_1536 : vector<16xf32> to vector<16xf32>
    %swap3A_1538 = vector.shape_cast %mul3A_1534 : vector<16xf32> to vector<16xf32>
    tpu.vector_store %arg15[%swap3A_1535], %swap3A_1538 {strides = array<i32>} : memref<544xf32, #tpu.memory_space<vmem>>, vector<16xf32>,
    %get3A_1539 = arith.constant 272 : index
    %get3A_1540 = tpu.vector_load %arg15[%get3A_1539] {strides = array<i32>} : memref<544xf32, #tpu.memory_space<vmem>>, vector<16xf32>,
    %get3A_1541 = vector.shape_cast %get3A_1540 : vector<16xf32> to vector<16xf32>
    %sub3A_1542 = arith.constant 5.000000e-01 : f32
    %sub3A_1543 = vector.broadcast %sub3A_1542 : f32 to vector<16xf32>
    %sub3A_1544 = arith.subf %get3A_1541, %sub3A_1543 : vector<16xf32>
    %mul3A_1545 = arith.constant 3.46409965 : f32
    %mul3A_1546 = vector.broadcast %mul3A_1545 : f32 to vector<16xf32>
    %mul3A_1547 = arith.mulf %sub3A_1544, %mul3A_1546 : vector<16xf32>
    %swap3A_1548 = arith.constant 272 : index
    %swap3A_1549 = tpu.vector_load %arg15[%swap3A_1548] {strides = array<i32>} : memref<544xf32, #tpu.memory_space<vmem>>, vector<16xf32>,
    %swap3A_1550 = vector.shape_cast %swap3A_1549 : vector<16xf32> to vector<16xf32>
    %swap3A_1551 = vector.shape_cast %mul3A_1547 : vector<16xf32> to vector<16xf32>
    tpu.vector_store %arg15[%swap3A_1548], %swap3A_1551 {strides = array<i32>} : memref<544xf32, #tpu.memory_space<vmem>>, vector<16xf32>,
    %get3A_1552 = arith.constant 288 : index
    %get3A_1553 = tpu.vector_load %arg15[%get3A_1552] {strides = array<i32>} : memref<544xf32, #tpu.memory_space<vmem>>, vector<16xf32>,
    %get3A_1554 = vector.shape_cast %get3A_1553 : vector<16xf32> to vector<16xf32>
    %sub3A_1555 = arith.constant 5.000000e-01 : f32
    %sub3A_1556 = vector.broadcast %sub3A_1555 : f32 to vector<16xf32>
    %sub3A_1557 = arith.subf %get3A_1554, %sub3A_1556 : vector<16xf32>
    %mul3A_1558 = arith.constant 3.46409965 : f32
    %mul3A_1559 = vector.broadcast %mul3A_1558 : f32 to vector<16xf32>
    %mul3A_1560 = arith.mulf %sub3A_1557, %mul3A_1559 : vector<16xf32>
    %swap3A_1561 = arith.constant 288 : index
    %swap3A_1562 = tpu.vector_load %arg15[%swap3A_1561] {strides = array<i32>} : memref<544xf32, #tpu.memory_space<vmem>>, vector<16xf32>,
    %swap3A_1563 = vector.shape_cast %swap3A_1562 : vector<16xf32> to vector<16xf32>
    %swap3A_1564 = vector.shape_cast %mul3A_1560 : vector<16xf32> to vector<16xf32>
    tpu.vector_store %arg15[%swap3A_1561], %swap3A_1564 {strides = array<i32>} : memref<544xf32, #tpu.memory_space<vmem>>, vector<16xf32>,
    %get3A_1565 = arith.constant 304 : index
    %get3A_1566 = tpu.vector_load %arg15[%get3A_1565] {strides = array<i32>} : memref<544xf32, #tpu.memory_space<vmem>>, vector<16xf32>,
    %get3A_1567 = vector.shape_cast %get3A_1566 : vector<16xf32> to vector<16xf32>
    %sub3A_1568 = arith.constant 5.000000e-01 : f32
    %sub3A_1569 = vector.broadcast %sub3A_1568 : f32 to vector<16xf32>
    %sub3A_1570 = arith.subf %get3A_1567, %sub3A_1569 : vector<16xf32>
    %mul3A_1571 = arith.constant 3.46409965 : f32
    %mul3A_1572 = vector.broadcast %mul3A_1571 : f32 to vector<16xf32>
    %mul3A_1573 = arith.mulf %sub3A_1570, %mul3A_1572 : vector<16xf32>
    %swap3A_1574 = arith.constant 304 : index
    %swap3A_1575 = tpu.vector_load %arg15[%swap3A_1574] {strides = array<i32>} : memref<544xf32, #tpu.memory_space<vmem>>, vector<16xf32>,
    %swap3A_1576 = vector.shape_cast %swap3A_1575 : vector<16xf32> to vector<16xf32>
    %swap3A_1577 = vector.shape_cast %mul3A_1573 : vector<16xf32> to vector<16xf32>
    tpu.vector_store %arg15[%swap3A_1574], %swap3A_1577 {strides = array<i32>} : memref<544xf32, #tpu.memory_space<vmem>>, vector<16xf32>,
    %get3A_1578 = arith.constant 320 : index
    %get3A_1579 = tpu.vector_load %arg15[%get3A_1578] {strides = array<i32>} : memref<544xf32, #tpu.memory_space<vmem>>, vector<16xf32>,
    %get3A_1580 = vector.shape_cast %get3A_1579 : vector<16xf32> to vector<16xf32>
    %sub3A_1581 = arith.constant 5.000000e-01 : f32
    %sub3A_1582 = vector.broadcast %sub3A_1581 : f32 to vector<16xf32>
    %sub3A_1583 = arith.subf %get3A_1580, %sub3A_1582 : vector<16xf32>
    %mul3A_1584 = arith.constant 3.46409965 : f32
    %mul3A_1585 = vector.broadcast %mul3A_1584 : f32 to vector<16xf32>
    %mul3A_1586 = arith.mulf %sub3A_1583, %mul3A_1585 : vector<16xf32>
    %swap3A_1587 = arith.constant 320 : index
    %swap3A_1588 = tpu.vector_load %arg15[%swap3A_1587] {strides = array<i32>} : memref<544xf32, #tpu.memory_space<vmem>>, vector<16xf32>,
    %swap3A_1589 = vector.shape_cast %swap3A_1588 : vector<16xf32> to vector<16xf32>
    %swap3A_1590 = vector.shape_cast %mul3A_1586 : vector<16xf32> to vector<16xf32>
    tpu.vector_store %arg15[%swap3A_1587], %swap3A_1590 {strides = array<i32>} : memref<544xf32, #tpu.memory_space<vmem>>, vector<16xf32>,
    %get3A_1591 = arith.constant 336 : index
    %get3A_1592 = tpu.vector_load %arg15[%get3A_1591] {strides = array<i32>} : memref<544xf32, #tpu.memory_space<vmem>>, vector<16xf32>,
    %get3A_1593 = vector.shape_cast %get3A_1592 : vector<16xf32> to vector<16xf32>
    %sub3A_1594 = arith.constant 5.000000e-01 : f32
    %sub3A_1595 = vector.broadcast %sub3A_1594 : f32 to vector<16xf32>
    %sub3A_1596 = arith.subf %get3A_1593, %sub3A_1595 : vector<16xf32>
    %mul3A_1597 = arith.constant 3.46409965 : f32
    %mul3A_1598 = vector.broadcast %mul3A_1597 : f32 to vector<16xf32>
    %mul3A_1599 = arith.mulf %sub3A_1596, %mul3A_1598 : vector<16xf32>
    %swap3A_1600 = arith.constant 336 : index
    %swap3A_1601 = tpu.vector_load %arg15[%swap3A_1600] {strides = array<i32>} : memref<544xf32, #tpu.memory_space<vmem>>, vector<16xf32>,
    %swap3A_1602 = vector.shape_cast %swap3A_1601 : vector<16xf32> to vector<16xf32>
    %swap3A_1603 = vector.shape_cast %mul3A_1599 : vector<16xf32> to vector<16xf32>
    tpu.vector_store %arg15[%swap3A_1600], %swap3A_1603 {strides = array<i32>} : memref<544xf32, #tpu.memory_space<vmem>>, vector<16xf32>,
    %get3A_1604 = arith.constant 352 : index
    %get3A_1605 = tpu.vector_load %arg15[%get3A_1604] {strides = array<i32>} : memref<544xf32, #tpu.memory_space<vmem>>, vector<16xf32>,
    %get3A_1606 = vector.shape_cast %get3A_1605 : vector<16xf32> to vector<16xf32>
    %sub3A_1607 = arith.constant 5.000000e-01 : f32
    %sub3A_1608 = vector.broadcast %sub3A_1607 : f32 to vector<16xf32>
    %sub3A_1609 = arith.subf %get3A_1606, %sub3A_1608 : vector<16xf32>
    %mul3A_1610 = arith.constant 3.46409965 : f32
    %mul3A_1611 = vector.broadcast %mul3A_1610 : f32 to vector<16xf32>
    %mul3A_1612 = arith.mulf %sub3A_1609, %mul3A_1611 : vector<16xf32>
    %swap3A_1613 = arith.constant 352 : index
    %swap3A_1614 = tpu.vector_load %arg15[%swap3A_1613] {strides = array<i32>} : memref<544xf32, #tpu.memory_space<vmem>>, vector<16xf32>,
    %swap3A_1615 = vector.shape_cast %swap3A_1614 : vector<16xf32> to vector<16xf32>
    %swap3A_1616 = vector.shape_cast %mul3A_1612 : vector<16xf32> to vector<16xf32>
    tpu.vector_store %arg15[%swap3A_1613], %swap3A_1616 {strides = array<i32>} : memref<544xf32, #tpu.memory_space<vmem>>, vector<16xf32>,
    %get3A_1617 = arith.constant 368 : index
    %get3A_1618 = tpu.vector_load %arg15[%get3A_1617] {strides = array<i32>} : memref<544xf32, #tpu.memory_space<vmem>>, vector<16xf32>,
    %get3A_1619 = vector.shape_cast %get3A_1618 : vector<16xf32> to vector<16xf32>
    %sub3A_1620 = arith.constant 5.000000e-01 : f32
    %sub3A_1621 = vector.broadcast %sub3A_1620 : f32 to vector<16xf32>
    %sub3A_1622 = arith.subf %get3A_1619, %sub3A_1621 : vector<16xf32>
    %mul3A_1623 = arith.constant 3.46409965 : f32
    %mul3A_1624 = vector.broadcast %mul3A_1623 : f32 to vector<16xf32>
    %mul3A_1625 = arith.mulf %sub3A_1622, %mul3A_1624 : vector<16xf32>
    %swap3A_1626 = arith.constant 368 : index
    %swap3A_1627 = tpu.vector_load %arg15[%swap3A_1626] {strides = array<i32>} : memref<544xf32, #tpu.memory_space<vmem>>, vector<16xf32>,
    %swap3A_1628 = vector.shape_cast %swap3A_1627 : vector<16xf32> to vector<16xf32>
    %swap3A_1629 = vector.shape_cast %mul3A_1625 : vector<16xf32> to vector<16xf32>
    tpu.vector_store %arg15[%swap3A_1626], %swap3A_1629 {strides = array<i32>} : memref<544xf32, #tpu.memory_space<vmem>>, vector<16xf32>,
    %get3A_1630 = arith.constant 384 : index
    %get3A_1631 = tpu.vector_load %arg15[%get3A_1630] {strides = array<i32>} : memref<544xf32, #tpu.memory_space<vmem>>, vector<16xf32>,
    %get3A_1632 = vector.shape_cast %get3A_1631 : vector<16xf32> to vector<16xf32>
    %sub3A_1633 = arith.constant 5.000000e-01 : f32
    %sub3A_1634 = vector.broadcast %sub3A_1633 : f32 to vector<16xf32>
    %sub3A_1635 = arith.subf %get3A_1632, %sub3A_1634 : vector<16xf32>
    %mul3A_1636 = arith.constant 3.46409965 : f32
    %mul3A_1637 = vector.broadcast %mul3A_1636 : f32 to vector<16xf32>
    %mul3A_1638 = arith.mulf %sub3A_1635, %mul3A_1637 : vector<16xf32>
    %swap3A_1639 = arith.constant 384 : index
    %swap3A_1640 = tpu.vector_load %arg15[%swap3A_1639] {strides = array<i32>} : memref<544xf32, #tpu.memory_space<vmem>>, vector<16xf32>,
    %swap3A_1641 = vector.shape_cast %swap3A_1640 : vector<16xf32> to vector<16xf32>
    %swap3A_1642 = vector.shape_cast %mul3A_1638 : vector<16xf32> to vector<16xf32>
    tpu.vector_store %arg15[%swap3A_1639], %swap3A_1642 {strides = array<i32>} : memref<544xf32, #tpu.memory_space<vmem>>, vector<16xf32>,
    %get3A_1643 = arith.constant 400 : index
    %get3A_1644 = tpu.vector_load %arg15[%get3A_1643] {strides = array<i32>} : memref<544xf32, #tpu.memory_space<vmem>>, vector<16xf32>,
    %get3A_1645 = vector.shape_cast %get3A_1644 : vector<16xf32> to vector<16xf32>
    %sub3A_1646 = arith.constant 5.000000e-01 : f32
    %sub3A_1647 = vector.broadcast %sub3A_1646 : f32 to vector<16xf32>
    %sub3A_1648 = arith.subf %get3A_1645, %sub3A_1647 : vector<16xf32>
    %mul3A_1649 = arith.constant 3.46409965 : f32
    %mul3A_1650 = vector.broadcast %mul3A_1649 : f32 to vector<16xf32>
    %mul3A_1651 = arith.mulf %sub3A_1648, %mul3A_1650 : vector<16xf32>
    %swap3A_1652 = arith.constant 400 : index
    %swap3A_1653 = tpu.vector_load %arg15[%swap3A_1652] {strides = array<i32>} : memref<544xf32, #tpu.memory_space<vmem>>, vector<16xf32>,
    %swap3A_1654 = vector.shape_cast %swap3A_1653 : vector<16xf32> to vector<16xf32>
    %swap3A_1655 = vector.shape_cast %mul3A_1651 : vector<16xf32> to vector<16xf32>
    tpu.vector_store %arg15[%swap3A_1652], %swap3A_1655 {strides = array<i32>} : memref<544xf32, #tpu.memory_space<vmem>>, vector<16xf32>,
    %get3A_1656 = arith.constant 416 : index
    %get3A_1657 = tpu.vector_load %arg15[%get3A_1656] {strides = array<i32>} : memref<544xf32, #tpu.memory_space<vmem>>, vector<16xf32>,
    %get3A_1658 = vector.shape_cast %get3A_1657 : vector<16xf32> to vector<16xf32>
    %sub3A_1659 = arith.constant 5.000000e-01 : f32
    %sub3A_1660 = vector.broadcast %sub3A_1659 : f32 to vector<16xf32>
    %sub3A_1661 = arith.subf %get3A_1658, %sub3A_1660 : vector<16xf32>
    %mul3A_1662 = arith.constant 3.46409965 : f32
    %mul3A_1663 = vector.broadcast %mul3A_1662 : f32 to vector<16xf32>
    %mul3A_1664 = arith.mulf %sub3A_1661, %mul3A_1663 : vector<16xf32>
    %swap3A_1665 = arith.constant 416 : index
    %swap3A_1666 = tpu.vector_load %arg15[%swap3A_1665] {strides = array<i32>} : memref<544xf32, #tpu.memory_space<vmem>>, vector<16xf32>,
    %swap3A_1667 = vector.shape_cast %swap3A_1666 : vector<16xf32> to vector<16xf32>
    %swap3A_1668 = vector.shape_cast %mul3A_1664 : vector<16xf32> to vector<16xf32>
    tpu.vector_store %arg15[%swap3A_1665], %swap3A_1668 {strides = array<i32>} : memref<544xf32, #tpu.memory_space<vmem>>, vector<16xf32>,
    %get3A_1669 = arith.constant 432 : index
    %get3A_1670 = tpu.vector_load %arg15[%get3A_1669] {strides = array<i32>} : memref<544xf32, #tpu.memory_space<vmem>>, vector<16xf32>,
    %get3A_1671 = vector.shape_cast %get3A_1670 : vector<16xf32> to vector<16xf32>
    %sub3A_1672 = arith.constant 5.000000e-01 : f32
    %sub3A_1673 = vector.broadcast %sub3A_1672 : f32 to vector<16xf32>
    %sub3A_1674 = arith.subf %get3A_1671, %sub3A_1673 : vector<16xf32>
    %mul3A_1675 = arith.constant 3.46409965 : f32
    %mul3A_1676 = vector.broadcast %mul3A_1675 : f32 to vector<16xf32>
    %mul3A_1677 = arith.mulf %sub3A_1674, %mul3A_1676 : vector<16xf32>
    %swap3A_1678 = arith.constant 432 : index
    %swap3A_1679 = tpu.vector_load %arg15[%swap3A_1678] {strides = array<i32>} : memref<544xf32, #tpu.memory_space<vmem>>, vector<16xf32>,
    %swap3A_1680 = vector.shape_cast %swap3A_1679 : vector<16xf32> to vector<16xf32>
    %swap3A_1681 = vector.shape_cast %mul3A_1677 : vector<16xf32> to vector<16xf32>
    tpu.vector_store %arg15[%swap3A_1678], %swap3A_1681 {strides = array<i32>} : memref<544xf32, #tpu.memory_space<vmem>>, vector<16xf32>,
    %get3A_1682 = arith.constant 448 : index
    %get3A_1683 = tpu.vector_load %arg15[%get3A_1682] {strides = array<i32>} : memref<544xf32, #tpu.memory_space<vmem>>, vector<16xf32>,
    %get3A_1684 = vector.shape_cast %get3A_1683 : vector<16xf32> to vector<16xf32>
    %sub3A_1685 = arith.constant 5.000000e-01 : f32
    %sub3A_1686 = vector.broadcast %sub3A_1685 : f32 to vector<16xf32>
    %sub3A_1687 = arith.subf %get3A_1684, %sub3A_1686 : vector<16xf32>
    %mul3A_1688 = arith.constant 3.46409965 : f32
    %mul3A_1689 = vector.broadcast %mul3A_1688 : f32 to vector<16xf32>
    %mul3A_1690 = arith.mulf %sub3A_1687, %mul3A_1689 : vector<16xf32>
    %swap3A_1691 = arith.constant 448 : index
    %swap3A_1692 = tpu.vector_load %arg15[%swap3A_1691] {strides = array<i32>} : memref<544xf32, #tpu.memory_space<vmem>>, vector<16xf32>,
    %swap3A_1693 = vector.shape_cast %swap3A_1692 : vector<16xf32> to vector<16xf32>
    %swap3A_1694 = vector.shape_cast %mul3A_1690 : vector<16xf32> to vector<16xf32>
    tpu.vector_store %arg15[%swap3A_1691], %swap3A_1694 {strides = array<i32>} : memref<544xf32, #tpu.memory_space<vmem>>, vector<16xf32>,
    %get3A_1695 = arith.constant 464 : index
    %get3A_1696 = tpu.vector_load %arg15[%get3A_1695] {strides = array<i32>} : memref<544xf32, #tpu.memory_space<vmem>>, vector<16xf32>,
    %get3A_1697 = vector.shape_cast %get3A_1696 : vector<16xf32> to vector<16xf32>
    %sub3A_1698 = arith.constant 5.000000e-01 : f32
    %sub3A_1699 = vector.broadcast %sub3A_1698 : f32 to vector<16xf32>
    %sub3A_1700 = arith.subf %get3A_1697, %sub3A_1699 : vector<16xf32>
    %mul3A_1701 = arith.constant 3.46409965 : f32
    %mul3A_1702 = vector.broadcast %mul3A_1701 : f32 to vector<16xf32>
    %mul3A_1703 = arith.mulf %sub3A_1700, %mul3A_1702 : vector<16xf32>
    %swap3A_1704 = arith.constant 464 : index
    %swap3A_1705 = tpu.vector_load %arg15[%swap3A_1704] {strides = array<i32>} : memref<544xf32, #tpu.memory_space<vmem>>, vector<16xf32>,
    %swap3A_1706 = vector.shape_cast %swap3A_1705 : vector<16xf32> to vector<16xf32>
    %swap3A_1707 = vector.shape_cast %mul3A_1703 : vector<16xf32> to vector<16xf32>
    tpu.vector_store %arg15[%swap3A_1704], %swap3A_1707 {strides = array<i32>} : memref<544xf32, #tpu.memory_space<vmem>>, vector<16xf32>,
    %get3A_1708 = arith.constant 480 : index
    %get3A_1709 = tpu.vector_load %arg15[%get3A_1708] {strides = array<i32>} : memref<544xf32, #tpu.memory_space<vmem>>, vector<16xf32>,
    %get3A_1710 = vector.shape_cast %get3A_1709 : vector<16xf32> to vector<16xf32>
    %sub3A_1711 = arith.constant 5.000000e-01 : f32
    %sub3A_1712 = vector.broadcast %sub3A_1711 : f32 to vector<16xf32>
    %sub3A_1713 = arith.subf %get3A_1710, %sub3A_1712 : vector<16xf32>
    %mul3A_1714 = arith.constant 3.46409965 : f32
    %mul3A_1715 = vector.broadcast %mul3A_1714 : f32 to vector<16xf32>
    %mul3A_1716 = arith.mulf %sub3A_1713, %mul3A_1715 : vector<16xf32>
    %swap3A_1717 = arith.constant 480 : index
    %swap3A_1718 = tpu.vector_load %arg15[%swap3A_1717] {strides = array<i32>} : memref<544xf32, #tpu.memory_space<vmem>>, vector<16xf32>,
    %swap3A_1719 = vector.shape_cast %swap3A_1718 : vector<16xf32> to vector<16xf32>
    %swap3A_1720 = vector.shape_cast %mul3A_1716 : vector<16xf32> to vector<16xf32>
    tpu.vector_store %arg15[%swap3A_1717], %swap3A_1720 {strides = array<i32>} : memref<544xf32, #tpu.memory_space<vmem>>, vector<16xf32>,
    %get3A_1721 = arith.constant 496 : index
    %get3A_1722 = tpu.vector_load %arg15[%get3A_1721] {strides = array<i32>} : memref<544xf32, #tpu.memory_space<vmem>>, vector<16xf32>,
    %get3A_1723 = vector.shape_cast %get3A_1722 : vector<16xf32> to vector<16xf32>
    %sub3A_1724 = arith.constant 5.000000e-01 : f32
    %sub3A_1725 = vector.broadcast %sub3A_1724 : f32 to vector<16xf32>
    %sub3A_1726 = arith.subf %get3A_1723, %sub3A_1725 : vector<16xf32>
    %mul3A_1727 = arith.constant 3.46409965 : f32
    %mul3A_1728 = vector.broadcast %mul3A_1727 : f32 to vector<16xf32>
    %mul3A_1729 = arith.mulf %sub3A_1726, %mul3A_1728 : vector<16xf32>
    %swap3A_1730 = arith.constant 496 : index
    %swap3A_1731 = tpu.vector_load %arg15[%swap3A_1730] {strides = array<i32>} : memref<544xf32, #tpu.memory_space<vmem>>, vector<16xf32>,
    %swap3A_1732 = vector.shape_cast %swap3A_1731 : vector<16xf32> to vector<16xf32>
    %swap3A_1733 = vector.shape_cast %mul3A_1729 : vector<16xf32> to vector<16xf32>
    tpu.vector_store %arg15[%swap3A_1730], %swap3A_1733 {strides = array<i32>} : memref<544xf32, #tpu.memory_space<vmem>>, vector<16xf32>,
    %get3A_1734 = arith.constant 512 : index
    %get3A_1735 = tpu.vector_load %arg15[%get3A_1734] {strides = array<i32>} : memref<544xf32, #tpu.memory_space<vmem>>, vector<16xf32>,
    %get3A_1736 = vector.shape_cast %get3A_1735 : vector<16xf32> to vector<16xf32>
    %sub3A_1737 = arith.constant 5.000000e-01 : f32
    %sub3A_1738 = vector.broadcast %sub3A_1737 : f32 to vector<16xf32>
    %sub3A_1739 = arith.subf %get3A_1736, %sub3A_1738 : vector<16xf32>
    %mul3A_1740 = arith.constant 3.46409965 : f32
    %mul3A_1741 = vector.broadcast %mul3A_1740 : f32 to vector<16xf32>
    %mul3A_1742 = arith.mulf %sub3A_1739, %mul3A_1741 : vector<16xf32>
    %swap3A_1743 = arith.constant 512 : index
    %swap3A_1744 = tpu.vector_load %arg15[%swap3A_1743] {strides = array<i32>} : memref<544xf32, #tpu.memory_space<vmem>>, vector<16xf32>,
    %swap3A_1745 = vector.shape_cast %swap3A_1744 : vector<16xf32> to vector<16xf32>
    %swap3A_1746 = vector.shape_cast %mul3A_1742 : vector<16xf32> to vector<16xf32>
    tpu.vector_store %arg15[%swap3A_1743], %swap3A_1746 {strides = array<i32>} : memref<544xf32, #tpu.memory_space<vmem>>, vector<16xf32>,
    %iota3A = tpu.iota {dimensions = array<i32: 0>} : vector<16xi32>
    %eq3A = arith.constant 0 : i32
    %eq3A_1747 = vector.broadcast %eq3A : i32 to vector<16xi32>
    %eq3A_1748 = arith.cmpi eq, %iota3A, %eq3A_1747 : vector<16xi32>
    %eq3A_1749 = arith.constant 1 : i32
    %eq3A_1750 = vector.broadcast %eq3A_1749 : i32 to vector<16xi32>
    %eq3A_1751 = arith.cmpi eq, %iota3A, %eq3A_1750 : vector<16xi32>
    %eq3A_1752 = arith.constant 2 : i32
    %eq3A_1753 = vector.broadcast %eq3A_1752 : i32 to vector<16xi32>
    %eq3A_1754 = arith.cmpi eq, %iota3A, %eq3A_1753 : vector<16xi32>
    %scan3A = arith.constant 0 : i32
    %scan3A_1755 = arith.constant 512 : i32
    %scan3A_1756 = arith.addi %scan3A, %scan3A_1755 : i32
    %scan3A_1757 = arith.constant 1 : i32
    scf.for %scan3A_1874 = %scan3A to %scan3A_1756 step %scan3A_1757  : i32 {
      %mul3A_1875 = arith.constant 1 : i32
      %mul3A_1876 = arith.muli %scan3A_1874, %mul3A_1875 : i32
      %add3A_1877 = arith.constant 0 : i32
      %add3A_1878 = arith.addi %add3A_1877, %mul3A_1876 : i32
      %add3A_1879 = arith.constant 16 : i32
      %add3A_1880 = arith.addi %add3A_1878, %add3A_1879 : i32
      %get3A_1881 = arith.index_cast %add3A_1880 : i32 to index
      %get3A_1882 = tpu.vector_load %arg12[%get3A_1881] {strides = array<i32>} : memref<544xf32, #tpu.memory_space<vmem>>, vector<16xf32>,
      %get3A_1883 = vector.shape_cast %get3A_1882 : vector<16xf32> to vector<16xf32>
      %add3A_1884 = arith.constant 16 : i32
      %add3A_1885 = arith.addi %add3A_1878, %add3A_1884 : i32
      %sub3A_1886 = arith.constant 1 : i32
      %sub3A_1887 = arith.subi %add3A_1885, %sub3A_1886 : i32
      %get3A_1888 = arith.index_cast %sub3A_1887 : i32 to index
      %get3A_1889 = tpu.vector_load %arg13[%get3A_1888] {strides = array<i32>} : memref<544xf32, #tpu.memory_space<vmem>>, vector<16xf32>,
      %get3A_1890 = vector.shape_cast %get3A_1889 : vector<16xf32> to vector<16xf32>
      %add3A_1891 = arith.constant 16 : i32
      %add3A_1892 = arith.addi %add3A_1878, %add3A_1891 : i32
      %sub3A_1893 = arith.constant 2 : i32
      %sub3A_1894 = arith.subi %add3A_1892, %sub3A_1893 : i32
      %get3A_1895 = arith.index_cast %sub3A_1894 : i32 to index
      %get3A_1896 = tpu.vector_load %arg14[%get3A_1895] {strides = array<i32>} : memref<544xf32, #tpu.memory_space<vmem>>, vector<16xf32>,
      %get3A_1897 = vector.shape_cast %get3A_1896 : vector<16xf32> to vector<16xf32>
      %add3A_1898 = arith.constant 16 : i32
      %add3A_1899 = arith.addi %add3A_1878, %add3A_1898 : i32
      %sub3A_1900 = arith.constant 3 : i32
      %sub3A_1901 = arith.subi %add3A_1899, %sub3A_1900 : i32
      %get3A_1902 = arith.index_cast %sub3A_1901 : i32 to index
      %get3A_1903 = tpu.vector_load %arg15[%get3A_1902] {strides = array<i32>} : memref<544xf32, #tpu.memory_space<vmem>>, vector<16xf32>,
      %get3A_1904 = vector.shape_cast %get3A_1903 : vector<16xf32> to vector<16xf32>
      %select_n3A = arith.select %eq3A_1754, %get3A_1897, %get3A_1904 : vector<16xi1>, vector<16xf32>
      %select_n3A_1905 = arith.select %eq3A_1751, %get3A_1890, %select_n3A : vector<16xi1>, vector<16xf32>
      %select_n3A_1906 = arith.select %eq3A_1748, %get3A_1883, %select_n3A_1905 : vector<16xi1>, vector<16xf32>
      %mul3A_1907 = arith.constant 128 : i32
      %mul3A_1908 = arith.muli %add3A_1878, %mul3A_1907 : i32
      %add3A_1909 = arith.constant 64 : i32
      %add3A_1910 = arith.addi %mul3A_1908, %add3A_1909 : i32
      %swap3A_1911 = arith.index_cast %add3A_1910 : i32 to index
      %swap3A_1912 = tpu.vector_load %arg11[%swap3A_1911] {strides = array<i32>} : memref<65536xf32, #tpu.memory_space<vmem>>, vector<16xf32>,
      %swap3A_1913 = vector.shape_cast %swap3A_1912 : vector<16xf32> to vector<16xf32>
      %swap3A_1914 = vector.shape_cast %select_n3A_1906 : vector<16xf32> to vector<16xf32>
      tpu.vector_store %arg11[%swap3A_1911], %swap3A_1914 {strides = array<i32>} : memref<65536xf32, #tpu.memory_space<vmem>>, vector<16xf32>,
    }
    %scan3A_1758 = arith.constant 512 : i32
    %dma_wait3A = arith.constant 0 : i32
    %dma_wait3A_1759 = arith.constant 0 : i32
    %dma_wait3A_1760 = tpu.memref_slice %arg10[%dma_wait3A, %dma_wait3A_1759] : memref<512x64xf32, #tpu.memory_space<vmem>> -> memref<128x64xf32, #tpu.memory_space<vmem>>
    %dma_wait3A_1761 = arith.constant 0 : i32
    %dma_wait3A_1762 = tpu.memref_slice %arg9[%dma_wait3A_1761] : memref<512xi32, #tpu.memory_space<vmem>> -> memref<128xi32, #tpu.memory_space<vmem>>
    %dma_wait3A_1763 = arith.constant 0 : i32
    %dma_wait3A_1764 = arith.constant 0 : i32
    %dma_wait3A_1765 = tpu.memref_slice %arg7[%dma_wait3A_1763, %dma_wait3A_1764] : memref<100001x64xf32, #tpu.memory_space<hbm>> -> memref<100001x64xf32, #tpu.memory_space<hbm>>
    tpu.wait_indirect_dma semaphore(%arg16 : memref<!tpu.dma_semaphore, #tpu.memory_space<semaphore_mem>>) src(%dma_wait3A_1765 : memref<100001x64xf32, #tpu.memory_space<hbm>>) dst(%dma_wait3A_1760 : memref<128x64xf32, #tpu.memory_space<vmem>>)
    %scan3A_1766 = arith.constant 0 : i32
    %scan3A_1767 = arith.constant 128 : i32
    %scan3A_1768 = arith.addi %scan3A_1766, %scan3A_1767 : i32
    %scan3A_1769 = arith.constant 1 : i32
    scf.for %scan3A_1874 = %scan3A_1766 to %scan3A_1768 step %scan3A_1769  : i32 {
      %mul3A_1875 = arith.constant 1 : i32
      %mul3A_1876 = arith.muli %scan3A_1874, %mul3A_1875 : i32
      %add3A_1877 = arith.constant 0 : i32
      %add3A_1878 = arith.addi %add3A_1877, %mul3A_1876 : i32
      %mul3A_1879 = arith.constant 128 : i32
      %mul3A_1880 = arith.muli %add3A_1878, %mul3A_1879 : i32
      %get3A_1881 = arith.index_cast %add3A_1878 : i32 to index
      %get3A_1882 = arith.constant 0 : index
      %get3A_1883 = tpu.vector_load %arg10[%get3A_1881, %get3A_1882] {strides = array<i32>} : memref<512x64xf32, #tpu.memory_space<vmem>>, vector<1x16xf32>,
      %get3A_1884 = vector.shape_cast %get3A_1883 : vector<1x16xf32> to vector<16xf32>
      %add3A_1885 = arith.constant 0 : i32
      %add3A_1886 = arith.addi %mul3A_1880, %add3A_1885 : i32
      %swap3A_1887 = arith.index_cast %add3A_1886 : i32 to index
      %swap3A_1888 = tpu.vector_load %arg11[%swap3A_1887] {strides = array<i32>} : memref<65536xf32, #tpu.memory_space<vmem>>, vector<16xf32>,
      %swap3A_1889 = vector.shape_cast %swap3A_1888 : vector<16xf32> to vector<16xf32>
      %swap3A_1890 = vector.shape_cast %get3A_1884 : vector<16xf32> to vector<16xf32>
      tpu.vector_store %arg11[%swap3A_1887], %swap3A_1890 {strides = array<i32>} : memref<65536xf32, #tpu.memory_space<vmem>>, vector<16xf32>,
      %get3A_1891 = arith.index_cast %add3A_1878 : i32 to index
      %get3A_1892 = arith.constant 16 : index
      %get3A_1893 = tpu.vector_load %arg10[%get3A_1891, %get3A_1892] {strides = array<i32>} : memref<512x64xf32, #tpu.memory_space<vmem>>, vector<1x16xf32>,
      %get3A_1894 = vector.shape_cast %get3A_1893 : vector<1x16xf32> to vector<16xf32>
      %add3A_1895 = arith.constant 16 : i32
      %add3A_1896 = arith.addi %mul3A_1880, %add3A_1895 : i32
      %swap3A_1897 = arith.index_cast %add3A_1896 : i32 to index
      %swap3A_1898 = tpu.vector_load %arg11[%swap3A_1897] {strides = array<i32>} : memref<65536xf32, #tpu.memory_space<vmem>>, vector<16xf32>,
      %swap3A_1899 = vector.shape_cast %swap3A_1898 : vector<16xf32> to vector<16xf32>
      %swap3A_1900 = vector.shape_cast %get3A_1894 : vector<16xf32> to vector<16xf32>
      tpu.vector_store %arg11[%swap3A_1897], %swap3A_1900 {strides = array<i32>} : memref<65536xf32, #tpu.memory_space<vmem>>, vector<16xf32>,
      %get3A_1901 = arith.index_cast %add3A_1878 : i32 to index
      %get3A_1902 = arith.constant 32 : index
      %get3A_1903 = tpu.vector_load %arg10[%get3A_1901, %get3A_1902] {strides = array<i32>} : memref<512x64xf32, #tpu.memory_space<vmem>>, vector<1x16xf32>,
      %get3A_1904 = vector.shape_cast %get3A_1903 : vector<1x16xf32> to vector<16xf32>
      %add3A_1905 = arith.constant 32 : i32
      %add3A_1906 = arith.addi %mul3A_1880, %add3A_1905 : i32
      %swap3A_1907 = arith.index_cast %add3A_1906 : i32 to index
      %swap3A_1908 = tpu.vector_load %arg11[%swap3A_1907] {strides = array<i32>} : memref<65536xf32, #tpu.memory_space<vmem>>, vector<16xf32>,
      %swap3A_1909 = vector.shape_cast %swap3A_1908 : vector<16xf32> to vector<16xf32>
      %swap3A_1910 = vector.shape_cast %get3A_1904 : vector<16xf32> to vector<16xf32>
      tpu.vector_store %arg11[%swap3A_1907], %swap3A_1910 {strides = array<i32>} : memref<65536xf32, #tpu.memory_space<vmem>>, vector<16xf32>,
      %get3A_1911 = arith.index_cast %add3A_1878 : i32 to index
      %get3A_1912 = arith.constant 48 : index
      %get3A_1913 = tpu.vector_load %arg10[%get3A_1911, %get3A_1912] {strides = array<i32>} : memref<512x64xf32, #tpu.memory_space<vmem>>, vector<1x16xf32>,
      %get3A_1914 = vector.shape_cast %get3A_1913 : vector<1x16xf32> to vector<16xf32>
      %add3A_1915 = arith.constant 48 : i32
      %add3A_1916 = arith.addi %mul3A_1880, %add3A_1915 : i32
      %swap3A_1917 = arith.index_cast %add3A_1916 : i32 to index
      %swap3A_1918 = tpu.vector_load %arg11[%swap3A_1917] {strides = array<i32>} : memref<65536xf32, #tpu.memory_space<vmem>>, vector<16xf32>,
      %swap3A_1919 = vector.shape_cast %swap3A_1918 : vector<16xf32> to vector<16xf32>
      %swap3A_1920 = vector.shape_cast %get3A_1914 : vector<16xf32> to vector<16xf32>
      tpu.vector_store %arg11[%swap3A_1917], %swap3A_1920 {strides = array<i32>} : memref<65536xf32, #tpu.memory_space<vmem>>, vector<16xf32>,
    }
    %scan3A_1770 = arith.constant 128 : i32
    %add3A_1771 = arith.constant 0 : i32
    %add3A_1772 = arith.addi %mul3A_2, %add3A_1771 : i32
    %mul3A_1773 = arith.constant 128 : i32
    %mul3A_1774 = arith.muli %add3A_1772, %mul3A_1773 : i32
    %dma_start3A_1775 = arith.constant 0 : i32
    %dma_start3A_1776 = tpu.memref_slice %arg11[%dma_start3A_1775] : memref<65536xf32, #tpu.memory_space<vmem>> -> memref<16384xf32, #tpu.memory_space<vmem>>
    %dma_start3A_1777 = tpu.memref_slice %arg8[%mul3A_1774] : memref<2097152xf32, #tpu.memory_space<hbm>> -> memref<16384xf32, #tpu.memory_space<hbm>>
    %dma_start3A_1778 = tpu.memref_slice %arg8[%mul3A_1774] : memref<2097152xf32, #tpu.memory_space<hbm>> -> memref<16384xf32, #tpu.memory_space<hbm>>
    %dma_start3A_1779 = arith.constant 0 : i32
    %dma_start3A_1780 = tpu.memref_slice %arg11[%dma_start3A_1779] : memref<65536xf32, #tpu.memory_space<vmem>> -> memref<16384xf32, #tpu.memory_space<vmem>>
    tpu.enqueue_dma source(%dma_start3A_1780 : memref<16384xf32, #tpu.memory_space<vmem>>) target(%dma_start3A_1778 : memref<16384xf32, #tpu.memory_space<hbm>>) target_semaphore(%arg20 : memref<!tpu.dma_semaphore, #tpu.memory_space<semaphore_mem>>)
    %dma_wait3A_1781 = arith.constant 128 : i32
    %dma_wait3A_1782 = arith.constant 0 : i32
    %dma_wait3A_1783 = tpu.memref_slice %arg10[%dma_wait3A_1781, %dma_wait3A_1782] : memref<512x64xf32, #tpu.memory_space<vmem>> -> memref<128x64xf32, #tpu.memory_space<vmem>>
    %dma_wait3A_1784 = arith.constant 128 : i32
    %dma_wait3A_1785 = tpu.memref_slice %arg9[%dma_wait3A_1784] : memref<512xi32, #tpu.memory_space<vmem>> -> memref<128xi32, #tpu.memory_space<vmem>>
    %dma_wait3A_1786 = arith.constant 0 : i32
    %dma_wait3A_1787 = arith.constant 0 : i32
    %dma_wait3A_1788 = tpu.memref_slice %arg7[%dma_wait3A_1786, %dma_wait3A_1787] : memref<100001x64xf32, #tpu.memory_space<hbm>> -> memref<100001x64xf32, #tpu.memory_space<hbm>>
    tpu.wait_indirect_dma semaphore(%arg17 : memref<!tpu.dma_semaphore, #tpu.memory_space<semaphore_mem>>) src(%dma_wait3A_1788 : memref<100001x64xf32, #tpu.memory_space<hbm>>) dst(%dma_wait3A_1783 : memref<128x64xf32, #tpu.memory_space<vmem>>)
    %scan3A_1789 = arith.constant 0 : i32
    %scan3A_1790 = arith.constant 128 : i32
    %scan3A_1791 = arith.addi %scan3A_1789, %scan3A_1790 : i32
    %scan3A_1792 = arith.constant 1 : i32
    scf.for %scan3A_1874 = %scan3A_1789 to %scan3A_1791 step %scan3A_1792  : i32 {
      %mul3A_1875 = arith.constant 1 : i32
      %mul3A_1876 = arith.muli %scan3A_1874, %mul3A_1875 : i32
      %add3A_1877 = arith.constant 128 : i32
      %add3A_1878 = arith.addi %add3A_1877, %mul3A_1876 : i32
      %mul3A_1879 = arith.constant 128 : i32
      %mul3A_1880 = arith.muli %add3A_1878, %mul3A_1879 : i32
      %get3A_1881 = arith.index_cast %add3A_1878 : i32 to index
      %get3A_1882 = arith.constant 0 : index
      %get3A_1883 = tpu.vector_load %arg10[%get3A_1881, %get3A_1882] {strides = array<i32>} : memref<512x64xf32, #tpu.memory_space<vmem>>, vector<1x16xf32>,
      %get3A_1884 = vector.shape_cast %get3A_1883 : vector<1x16xf32> to vector<16xf32>
      %add3A_1885 = arith.constant 0 : i32
      %add3A_1886 = arith.addi %mul3A_1880, %add3A_1885 : i32
      %swap3A_1887 = arith.index_cast %add3A_1886 : i32 to index
      %swap3A_1888 = tpu.vector_load %arg11[%swap3A_1887] {strides = array<i32>} : memref<65536xf32, #tpu.memory_space<vmem>>, vector<16xf32>,
      %swap3A_1889 = vector.shape_cast %swap3A_1888 : vector<16xf32> to vector<16xf32>
      %swap3A_1890 = vector.shape_cast %get3A_1884 : vector<16xf32> to vector<16xf32>
      tpu.vector_store %arg11[%swap3A_1887], %swap3A_1890 {strides = array<i32>} : memref<65536xf32, #tpu.memory_space<vmem>>, vector<16xf32>,
      %get3A_1891 = arith.index_cast %add3A_1878 : i32 to index
      %get3A_1892 = arith.constant 16 : index
      %get3A_1893 = tpu.vector_load %arg10[%get3A_1891, %get3A_1892] {strides = array<i32>} : memref<512x64xf32, #tpu.memory_space<vmem>>, vector<1x16xf32>,
      %get3A_1894 = vector.shape_cast %get3A_1893 : vector<1x16xf32> to vector<16xf32>
      %add3A_1895 = arith.constant 16 : i32
      %add3A_1896 = arith.addi %mul3A_1880, %add3A_1895 : i32
      %swap3A_1897 = arith.index_cast %add3A_1896 : i32 to index
      %swap3A_1898 = tpu.vector_load %arg11[%swap3A_1897] {strides = array<i32>} : memref<65536xf32, #tpu.memory_space<vmem>>, vector<16xf32>,
      %swap3A_1899 = vector.shape_cast %swap3A_1898 : vector<16xf32> to vector<16xf32>
      %swap3A_1900 = vector.shape_cast %get3A_1894 : vector<16xf32> to vector<16xf32>
      tpu.vector_store %arg11[%swap3A_1897], %swap3A_1900 {strides = array<i32>} : memref<65536xf32, #tpu.memory_space<vmem>>, vector<16xf32>,
      %get3A_1901 = arith.index_cast %add3A_1878 : i32 to index
      %get3A_1902 = arith.constant 32 : index
      %get3A_1903 = tpu.vector_load %arg10[%get3A_1901, %get3A_1902] {strides = array<i32>} : memref<512x64xf32, #tpu.memory_space<vmem>>, vector<1x16xf32>,
      %get3A_1904 = vector.shape_cast %get3A_1903 : vector<1x16xf32> to vector<16xf32>
      %add3A_1905 = arith.constant 32 : i32
      %add3A_1906 = arith.addi %mul3A_1880, %add3A_1905 : i32
      %swap3A_1907 = arith.index_cast %add3A_1906 : i32 to index
      %swap3A_1908 = tpu.vector_load %arg11[%swap3A_1907] {strides = array<i32>} : memref<65536xf32, #tpu.memory_space<vmem>>, vector<16xf32>,
      %swap3A_1909 = vector.shape_cast %swap3A_1908 : vector<16xf32> to vector<16xf32>
      %swap3A_1910 = vector.shape_cast %get3A_1904 : vector<16xf32> to vector<16xf32>
      tpu.vector_store %arg11[%swap3A_1907], %swap3A_1910 {strides = array<i32>} : memref<65536xf32, #tpu.memory_space<vmem>>, vector<16xf32>,
      %get3A_1911 = arith.index_cast %add3A_1878 : i32 to index
      %get3A_1912 = arith.constant 48 : index
      %get3A_1913 = tpu.vector_load %arg10[%get3A_1911, %get3A_1912] {strides = array<i32>} : memref<512x64xf32, #tpu.memory_space<vmem>>, vector<1x16xf32>,
      %get3A_1914 = vector.shape_cast %get3A_1913 : vector<1x16xf32> to vector<16xf32>
      %add3A_1915 = arith.constant 48 : i32
      %add3A_1916 = arith.addi %mul3A_1880, %add3A_1915 : i32
      %swap3A_1917 = arith.index_cast %add3A_1916 : i32 to index
      %swap3A_1918 = tpu.vector_load %arg11[%swap3A_1917] {strides = array<i32>} : memref<65536xf32, #tpu.memory_space<vmem>>, vector<16xf32>,
      %swap3A_1919 = vector.shape_cast %swap3A_1918 : vector<16xf32> to vector<16xf32>
      %swap3A_1920 = vector.shape_cast %get3A_1914 : vector<16xf32> to vector<16xf32>
      tpu.vector_store %arg11[%swap3A_1917], %swap3A_1920 {strides = array<i32>} : memref<65536xf32, #tpu.memory_space<vmem>>, vector<16xf32>,
    }
    %scan3A_1793 = arith.constant 128 : i32
    %add3A_1794 = arith.constant 128 : i32
    %add3A_1795 = arith.addi %mul3A_2, %add3A_1794 : i32
    %mul3A_1796 = arith.constant 128 : i32
    %mul3A_1797 = arith.muli %add3A_1795, %mul3A_1796 : i32
    %dma_start3A_1798 = arith.constant 16384 : i32
    %dma_start3A_1799 = tpu.memref_slice %arg11[%dma_start3A_1798] : memref<65536xf32, #tpu.memory_space<vmem>> -> memref<16384xf32, #tpu.memory_space<vmem>>
    %dma_start3A_1800 = tpu.memref_slice %arg8[%mul3A_1797] : memref<2097152xf32, #tpu.memory_space<hbm>> -> memref<16384xf32, #tpu.memory_space<hbm>>
    %dma_start3A_1801 = tpu.memref_slice %arg8[%mul3A_1797] : memref<2097152xf32, #tpu.memory_space<hbm>> -> memref<16384xf32, #tpu.memory_space<hbm>>
    %dma_start3A_1802 = arith.constant 16384 : i32
    %dma_start3A_1803 = tpu.memref_slice %arg11[%dma_start3A_1802] : memref<65536xf32, #tpu.memory_space<vmem>> -> memref<16384xf32, #tpu.memory_space<vmem>>
    tpu.enqueue_dma source(%dma_start3A_1803 : memref<16384xf32, #tpu.memory_space<vmem>>) target(%dma_start3A_1801 : memref<16384xf32, #tpu.memory_space<hbm>>) target_semaphore(%arg20 : memref<!tpu.dma_semaphore, #tpu.memory_space<semaphore_mem>>)
    %dma_wait3A_1804 = arith.constant 256 : i32
    %dma_wait3A_1805 = arith.constant 0 : i32
    %dma_wait3A_1806 = tpu.memref_slice %arg10[%dma_wait3A_1804, %dma_wait3A_1805] : memref<512x64xf32, #tpu.memory_space<vmem>> -> memref<128x64xf32, #tpu.memory_space<vmem>>
    %dma_wait3A_1807 = arith.constant 256 : i32
    %dma_wait3A_1808 = tpu.memref_slice %arg9[%dma_wait3A_1807] : memref<512xi32, #tpu.memory_space<vmem>> -> memref<128xi32, #tpu.memory_space<vmem>>
    %dma_wait3A_1809 = arith.constant 0 : i32
    %dma_wait3A_1810 = arith.constant 0 : i32
    %dma_wait3A_1811 = tpu.memref_slice %arg7[%dma_wait3A_1809, %dma_wait3A_1810] : memref<100001x64xf32, #tpu.memory_space<hbm>> -> memref<100001x64xf32, #tpu.memory_space<hbm>>
    tpu.wait_indirect_dma semaphore(%arg18 : memref<!tpu.dma_semaphore, #tpu.memory_space<semaphore_mem>>) src(%dma_wait3A_1811 : memref<100001x64xf32, #tpu.memory_space<hbm>>) dst(%dma_wait3A_1806 : memref<128x64xf32, #tpu.memory_space<vmem>>)
    %scan3A_1812 = arith.constant 0 : i32
    %scan3A_1813 = arith.constant 128 : i32
    %scan3A_1814 = arith.addi %scan3A_1812, %scan3A_1813 : i32
    %scan3A_1815 = arith.constant 1 : i32
    scf.for %scan3A_1874 = %scan3A_1812 to %scan3A_1814 step %scan3A_1815  : i32 {
      %mul3A_1875 = arith.constant 1 : i32
      %mul3A_1876 = arith.muli %scan3A_1874, %mul3A_1875 : i32
      %add3A_1877 = arith.constant 256 : i32
      %add3A_1878 = arith.addi %add3A_1877, %mul3A_1876 : i32
      %mul3A_1879 = arith.constant 128 : i32
      %mul3A_1880 = arith.muli %add3A_1878, %mul3A_1879 : i32
      %get3A_1881 = arith.index_cast %add3A_1878 : i32 to index
      %get3A_1882 = arith.constant 0 : index
      %get3A_1883 = tpu.vector_load %arg10[%get3A_1881, %get3A_1882] {strides = array<i32>} : memref<512x64xf32, #tpu.memory_space<vmem>>, vector<1x16xf32>,
      %get3A_1884 = vector.shape_cast %get3A_1883 : vector<1x16xf32> to vector<16xf32>
      %add3A_1885 = arith.constant 0 : i32
      %add3A_1886 = arith.addi %mul3A_1880, %add3A_1885 : i32
      %swap3A_1887 = arith.index_cast %add3A_1886 : i32 to index
      %swap3A_1888 = tpu.vector_load %arg11[%swap3A_1887] {strides = array<i32>} : memref<65536xf32, #tpu.memory_space<vmem>>, vector<16xf32>,
      %swap3A_1889 = vector.shape_cast %swap3A_1888 : vector<16xf32> to vector<16xf32>
      %swap3A_1890 = vector.shape_cast %get3A_1884 : vector<16xf32> to vector<16xf32>
      tpu.vector_store %arg11[%swap3A_1887], %swap3A_1890 {strides = array<i32>} : memref<65536xf32, #tpu.memory_space<vmem>>, vector<16xf32>,
      %get3A_1891 = arith.index_cast %add3A_1878 : i32 to index
      %get3A_1892 = arith.constant 16 : index
      %get3A_1893 = tpu.vector_load %arg10[%get3A_1891, %get3A_1892] {strides = array<i32>} : memref<512x64xf32, #tpu.memory_space<vmem>>, vector<1x16xf32>,
      %get3A_1894 = vector.shape_cast %get3A_1893 : vector<1x16xf32> to vector<16xf32>
      %add3A_1895 = arith.constant 16 : i32
      %add3A_1896 = arith.addi %mul3A_1880, %add3A_1895 : i32
      %swap3A_1897 = arith.index_cast %add3A_1896 : i32 to index
      %swap3A_1898 = tpu.vector_load %arg11[%swap3A_1897] {strides = array<i32>} : memref<65536xf32, #tpu.memory_space<vmem>>, vector<16xf32>,
      %swap3A_1899 = vector.shape_cast %swap3A_1898 : vector<16xf32> to vector<16xf32>
      %swap3A_1900 = vector.shape_cast %get3A_1894 : vector<16xf32> to vector<16xf32>
      tpu.vector_store %arg11[%swap3A_1897], %swap3A_1900 {strides = array<i32>} : memref<65536xf32, #tpu.memory_space<vmem>>, vector<16xf32>,
      %get3A_1901 = arith.index_cast %add3A_1878 : i32 to index
      %get3A_1902 = arith.constant 32 : index
      %get3A_1903 = tpu.vector_load %arg10[%get3A_1901, %get3A_1902] {strides = array<i32>} : memref<512x64xf32, #tpu.memory_space<vmem>>, vector<1x16xf32>,
      %get3A_1904 = vector.shape_cast %get3A_1903 : vector<1x16xf32> to vector<16xf32>
      %add3A_1905 = arith.constant 32 : i32
      %add3A_1906 = arith.addi %mul3A_1880, %add3A_1905 : i32
      %swap3A_1907 = arith.index_cast %add3A_1906 : i32 to index
      %swap3A_1908 = tpu.vector_load %arg11[%swap3A_1907] {strides = array<i32>} : memref<65536xf32, #tpu.memory_space<vmem>>, vector<16xf32>,
      %swap3A_1909 = vector.shape_cast %swap3A_1908 : vector<16xf32> to vector<16xf32>
      %swap3A_1910 = vector.shape_cast %get3A_1904 : vector<16xf32> to vector<16xf32>
      tpu.vector_store %arg11[%swap3A_1907], %swap3A_1910 {strides = array<i32>} : memref<65536xf32, #tpu.memory_space<vmem>>, vector<16xf32>,
      %get3A_1911 = arith.index_cast %add3A_1878 : i32 to index
      %get3A_1912 = arith.constant 48 : index
      %get3A_1913 = tpu.vector_load %arg10[%get3A_1911, %get3A_1912] {strides = array<i32>} : memref<512x64xf32, #tpu.memory_space<vmem>>, vector<1x16xf32>,
      %get3A_1914 = vector.shape_cast %get3A_1913 : vector<1x16xf32> to vector<16xf32>
      %add3A_1915 = arith.constant 48 : i32
      %add3A_1916 = arith.addi %mul3A_1880, %add3A_1915 : i32
      %swap3A_1917 = arith.index_cast %add3A_1916 : i32 to index
      %swap3A_1918 = tpu.vector_load %arg11[%swap3A_1917] {strides = array<i32>} : memref<65536xf32, #tpu.memory_space<vmem>>, vector<16xf32>,
      %swap3A_1919 = vector.shape_cast %swap3A_1918 : vector<16xf32> to vector<16xf32>
      %swap3A_1920 = vector.shape_cast %get3A_1914 : vector<16xf32> to vector<16xf32>
      tpu.vector_store %arg11[%swap3A_1917], %swap3A_1920 {strides = array<i32>} : memref<65536xf32, #tpu.memory_space<vmem>>, vector<16xf32>,
    }
    %scan3A_1816 = arith.constant 128 : i32
    %add3A_1817 = arith.constant 256 : i32
    %add3A_1818 = arith.addi %mul3A_2, %add3A_1817 : i32
    %mul3A_1819 = arith.constant 128 : i32
    %mul3A_1820 = arith.muli %add3A_1818, %mul3A_1819 : i32
    %dma_start3A_1821 = arith.constant 32768 : i32
    %dma_start3A_1822 = tpu.memref_slice %arg11[%dma_start3A_1821] : memref<65536xf32, #tpu.memory_space<vmem>> -> memref<16384xf32, #tpu.memory_space<vmem>>
    %dma_start3A_1823 = tpu.memref_slice %arg8[%mul3A_1820] : memref<2097152xf32, #tpu.memory_space<hbm>> -> memref<16384xf32, #tpu.memory_space<hbm>>
    %dma_start3A_1824 = tpu.memref_slice %arg8[%mul3A_1820] : memref<2097152xf32, #tpu.memory_space<hbm>> -> memref<16384xf32, #tpu.memory_space<hbm>>
    %dma_start3A_1825 = arith.constant 32768 : i32
    %dma_start3A_1826 = tpu.memref_slice %arg11[%dma_start3A_1825] : memref<65536xf32, #tpu.memory_space<vmem>> -> memref<16384xf32, #tpu.memory_space<vmem>>
    tpu.enqueue_dma source(%dma_start3A_1826 : memref<16384xf32, #tpu.memory_space<vmem>>) target(%dma_start3A_1824 : memref<16384xf32, #tpu.memory_space<hbm>>) target_semaphore(%arg20 : memref<!tpu.dma_semaphore, #tpu.memory_space<semaphore_mem>>)
    %dma_wait3A_1827 = arith.constant 384 : i32
    %dma_wait3A_1828 = arith.constant 0 : i32
    %dma_wait3A_1829 = tpu.memref_slice %arg10[%dma_wait3A_1827, %dma_wait3A_1828] : memref<512x64xf32, #tpu.memory_space<vmem>> -> memref<128x64xf32, #tpu.memory_space<vmem>>
    %dma_wait3A_1830 = arith.constant 384 : i32
    %dma_wait3A_1831 = tpu.memref_slice %arg9[%dma_wait3A_1830] : memref<512xi32, #tpu.memory_space<vmem>> -> memref<128xi32, #tpu.memory_space<vmem>>
    %dma_wait3A_1832 = arith.constant 0 : i32
    %dma_wait3A_1833 = arith.constant 0 : i32
    %dma_wait3A_1834 = tpu.memref_slice %arg7[%dma_wait3A_1832, %dma_wait3A_1833] : memref<100001x64xf32, #tpu.memory_space<hbm>> -> memref<100001x64xf32, #tpu.memory_space<hbm>>
    tpu.wait_indirect_dma semaphore(%arg19 : memref<!tpu.dma_semaphore, #tpu.memory_space<semaphore_mem>>) src(%dma_wait3A_1834 : memref<100001x64xf32, #tpu.memory_space<hbm>>) dst(%dma_wait3A_1829 : memref<128x64xf32, #tpu.memory_space<vmem>>)
    %scan3A_1835 = arith.constant 0 : i32
    %scan3A_1836 = arith.constant 128 : i32
    %scan3A_1837 = arith.addi %scan3A_1835, %scan3A_1836 : i32
    %scan3A_1838 = arith.constant 1 : i32
    scf.for %scan3A_1874 = %scan3A_1835 to %scan3A_1837 step %scan3A_1838  : i32 {
      %mul3A_1875 = arith.constant 1 : i32
      %mul3A_1876 = arith.muli %scan3A_1874, %mul3A_1875 : i32
      %add3A_1877 = arith.constant 384 : i32
      %add3A_1878 = arith.addi %add3A_1877, %mul3A_1876 : i32
      %mul3A_1879 = arith.constant 128 : i32
      %mul3A_1880 = arith.muli %add3A_1878, %mul3A_1879 : i32
      %get3A_1881 = arith.index_cast %add3A_1878 : i32 to index
      %get3A_1882 = arith.constant 0 : index
      %get3A_1883 = tpu.vector_load %arg10[%get3A_1881, %get3A_1882] {strides = array<i32>} : memref<512x64xf32, #tpu.memory_space<vmem>>, vector<1x16xf32>,
      %get3A_1884 = vector.shape_cast %get3A_1883 : vector<1x16xf32> to vector<16xf32>
      %add3A_1885 = arith.constant 0 : i32
      %add3A_1886 = arith.addi %mul3A_1880, %add3A_1885 : i32
      %swap3A_1887 = arith.index_cast %add3A_1886 : i32 to index
      %swap3A_1888 = tpu.vector_load %arg11[%swap3A_1887] {strides = array<i32>} : memref<65536xf32, #tpu.memory_space<vmem>>, vector<16xf32>,
      %swap3A_1889 = vector.shape_cast %swap3A_1888 : vector<16xf32> to vector<16xf32>
      %swap3A_1890 = vector.shape_cast %get3A_1884 : vector<16xf32> to vector<16xf32>
      tpu.vector_store %arg11[%swap3A_1887], %swap3A_1890 {strides = array<i32>} : memref<65536xf32, #tpu.memory_space<vmem>>, vector<16xf32>,
      %get3A_1891 = arith.index_cast %add3A_1878 : i32 to index
      %get3A_1892 = arith.constant 16 : index
      %get3A_1893 = tpu.vector_load %arg10[%get3A_1891, %get3A_1892] {strides = array<i32>} : memref<512x64xf32, #tpu.memory_space<vmem>>, vector<1x16xf32>,
      %get3A_1894 = vector.shape_cast %get3A_1893 : vector<1x16xf32> to vector<16xf32>
      %add3A_1895 = arith.constant 16 : i32
      %add3A_1896 = arith.addi %mul3A_1880, %add3A_1895 : i32
      %swap3A_1897 = arith.index_cast %add3A_1896 : i32 to index
      %swap3A_1898 = tpu.vector_load %arg11[%swap3A_1897] {strides = array<i32>} : memref<65536xf32, #tpu.memory_space<vmem>>, vector<16xf32>,
      %swap3A_1899 = vector.shape_cast %swap3A_1898 : vector<16xf32> to vector<16xf32>
      %swap3A_1900 = vector.shape_cast %get3A_1894 : vector<16xf32> to vector<16xf32>
      tpu.vector_store %arg11[%swap3A_1897], %swap3A_1900 {strides = array<i32>} : memref<65536xf32, #tpu.memory_space<vmem>>, vector<16xf32>,
      %get3A_1901 = arith.index_cast %add3A_1878 : i32 to index
      %get3A_1902 = arith.constant 32 : index
      %get3A_1903 = tpu.vector_load %arg10[%get3A_1901, %get3A_1902] {strides = array<i32>} : memref<512x64xf32, #tpu.memory_space<vmem>>, vector<1x16xf32>,
      %get3A_1904 = vector.shape_cast %get3A_1903 : vector<1x16xf32> to vector<16xf32>
      %add3A_1905 = arith.constant 32 : i32
      %add3A_1906 = arith.addi %mul3A_1880, %add3A_1905 : i32
      %swap3A_1907 = arith.index_cast %add3A_1906 : i32 to index
      %swap3A_1908 = tpu.vector_load %arg11[%swap3A_1907] {strides = array<i32>} : memref<65536xf32, #tpu.memory_space<vmem>>, vector<16xf32>,
      %swap3A_1909 = vector.shape_cast %swap3A_1908 : vector<16xf32> to vector<16xf32>
      %swap3A_1910 = vector.shape_cast %get3A_1904 : vector<16xf32> to vector<16xf32>
      tpu.vector_store %arg11[%swap3A_1907], %swap3A_1910 {strides = array<i32>} : memref<65536xf32, #tpu.memory_space<vmem>>, vector<16xf32>,
      %get3A_1911 = arith.index_cast %add3A_1878 : i32 to index
      %get3A_1912 = arith.constant 48 : index
      %get3A_1913 = tpu.vector_load %arg10[%get3A_1911, %get3A_1912] {strides = array<i32>} : memref<512x64xf32, #tpu.memory_space<vmem>>, vector<1x16xf32>,
      %get3A_1914 = vector.shape_cast %get3A_1913 : vector<1x16xf32> to vector<16xf32>
      %add3A_1915 = arith.constant 48 : i32
      %add3A_1916 = arith.addi %mul3A_1880, %add3A_1915 : i32
      %swap3A_1917 = arith.index_cast %add3A_1916 : i32 to index
      %swap3A_1918 = tpu.vector_load %arg11[%swap3A_1917] {strides = array<i32>} : memref<65536xf32, #tpu.memory_space<vmem>>, vector<16xf32>,
      %swap3A_1919 = vector.shape_cast %swap3A_1918 : vector<16xf32> to vector<16xf32>
      %swap3A_1920 = vector.shape_cast %get3A_1914 : vector<16xf32> to vector<16xf32>
      tpu.vector_store %arg11[%swap3A_1917], %swap3A_1920 {strides = array<i32>} : memref<65536xf32, #tpu.memory_space<vmem>>, vector<16xf32>,
    }
    %scan3A_1839 = arith.constant 128 : i32
    %add3A_1840 = arith.constant 384 : i32
    %add3A_1841 = arith.addi %mul3A_2, %add3A_1840 : i32
    %mul3A_1842 = arith.constant 128 : i32
    %mul3A_1843 = arith.muli %add3A_1841, %mul3A_1842 : i32
    %dma_start3A_1844 = arith.constant 49152 : i32
    %dma_start3A_1845 = tpu.memref_slice %arg11[%dma_start3A_1844] : memref<65536xf32, #tpu.memory_space<vmem>> -> memref<16384xf32, #tpu.memory_space<vmem>>
    %dma_start3A_1846 = tpu.memref_slice %arg8[%mul3A_1843] : memref<2097152xf32, #tpu.memory_space<hbm>> -> memref<16384xf32, #tpu.memory_space<hbm>>
    %dma_start3A_1847 = tpu.memref_slice %arg8[%mul3A_1843] : memref<2097152xf32, #tpu.memory_space<hbm>> -> memref<16384xf32, #tpu.memory_space<hbm>>
    %dma_start3A_1848 = arith.constant 49152 : i32
    %dma_start3A_1849 = tpu.memref_slice %arg11[%dma_start3A_1848] : memref<65536xf32, #tpu.memory_space<vmem>> -> memref<16384xf32, #tpu.memory_space<vmem>>
    tpu.enqueue_dma source(%dma_start3A_1849 : memref<16384xf32, #tpu.memory_space<vmem>>) target(%dma_start3A_1847 : memref<16384xf32, #tpu.memory_space<hbm>>) target_semaphore(%arg20 : memref<!tpu.dma_semaphore, #tpu.memory_space<semaphore_mem>>)
    %dma_wait3A_1850 = arith.constant 0 : i32
    %dma_wait3A_1851 = tpu.memref_slice %arg11[%dma_wait3A_1850] : memref<65536xf32, #tpu.memory_space<vmem>> -> memref<16384xf32, #tpu.memory_space<vmem>>
    %dma_wait3A_1852 = tpu.memref_slice %arg8[%mul3A_1774] : memref<2097152xf32, #tpu.memory_space<hbm>> -> memref<16384xf32, #tpu.memory_space<hbm>>
    %dma_wait3A_1853 = tpu.memref_slice %arg8[%mul3A_1774] : memref<2097152xf32, #tpu.memory_space<hbm>> -> memref<16384xf32, #tpu.memory_space<hbm>>
    %dma_wait3A_1854 = arith.constant 0 : i32
    %dma_wait3A_1855 = tpu.memref_slice %arg11[%dma_wait3A_1854] : memref<65536xf32, #tpu.memory_space<vmem>> -> memref<16384xf32, #tpu.memory_space<vmem>>
    tpu.wait_dma2 semaphore(%arg20 : memref<!tpu.dma_semaphore, #tpu.memory_space<semaphore_mem>>) src(%dma_wait3A_1855 : memref<16384xf32, #tpu.memory_space<vmem>>) dst(%dma_wait3A_1853 : memref<16384xf32, #tpu.memory_space<hbm>>)
    %dma_wait3A_1856 = arith.constant 16384 : i32
    %dma_wait3A_1857 = tpu.memref_slice %arg11[%dma_wait3A_1856] : memref<65536xf32, #tpu.memory_space<vmem>> -> memref<16384xf32, #tpu.memory_space<vmem>>
    %dma_wait3A_1858 = tpu.memref_slice %arg8[%mul3A_1797] : memref<2097152xf32, #tpu.memory_space<hbm>> -> memref<16384xf32, #tpu.memory_space<hbm>>
    %dma_wait3A_1859 = tpu.memref_slice %arg8[%mul3A_1797] : memref<2097152xf32, #tpu.memory_space<hbm>> -> memref<16384xf32, #tpu.memory_space<hbm>>
    %dma_wait3A_1860 = arith.constant 16384 : i32
    %dma_wait3A_1861 = tpu.memref_slice %arg11[%dma_wait3A_1860] : memref<65536xf32, #tpu.memory_space<vmem>> -> memref<16384xf32, #tpu.memory_space<vmem>>
    tpu.wait_dma2 semaphore(%arg20 : memref<!tpu.dma_semaphore, #tpu.memory_space<semaphore_mem>>) src(%dma_wait3A_1861 : memref<16384xf32, #tpu.memory_space<vmem>>) dst(%dma_wait3A_1859 : memref<16384xf32, #tpu.memory_space<hbm>>)
    %dma_wait3A_1862 = arith.constant 32768 : i32
    %dma_wait3A_1863 = tpu.memref_slice %arg11[%dma_wait3A_1862] : memref<65536xf32, #tpu.memory_space<vmem>> -> memref<16384xf32, #tpu.memory_space<vmem>>
    %dma_wait3A_1864 = tpu.memref_slice %arg8[%mul3A_1820] : memref<2097152xf32, #tpu.memory_space<hbm>> -> memref<16384xf32, #tpu.memory_space<hbm>>
    %dma_wait3A_1865 = tpu.memref_slice %arg8[%mul3A_1820] : memref<2097152xf32, #tpu.memory_space<hbm>> -> memref<16384xf32, #tpu.memory_space<hbm>>
    %dma_wait3A_1866 = arith.constant 32768 : i32
    %dma_wait3A_1867 = tpu.memref_slice %arg11[%dma_wait3A_1866] : memref<65536xf32, #tpu.memory_space<vmem>> -> memref<16384xf32, #tpu.memory_space<vmem>>
    tpu.wait_dma2 semaphore(%arg20 : memref<!tpu.dma_semaphore, #tpu.memory_space<semaphore_mem>>) src(%dma_wait3A_1867 : memref<16384xf32, #tpu.memory_space<vmem>>) dst(%dma_wait3A_1865 : memref<16384xf32, #tpu.memory_space<hbm>>)
    %dma_wait3A_1868 = arith.constant 49152 : i32
    %dma_wait3A_1869 = tpu.memref_slice %arg11[%dma_wait3A_1868] : memref<65536xf32, #tpu.memory_space<vmem>> -> memref<16384xf32, #tpu.memory_space<vmem>>
    %dma_wait3A_1870 = tpu.memref_slice %arg8[%mul3A_1843] : memref<2097152xf32, #tpu.memory_space<hbm>> -> memref<16384xf32, #tpu.memory_space<hbm>>
    %dma_wait3A_1871 = tpu.memref_slice %arg8[%mul3A_1843] : memref<2097152xf32, #tpu.memory_space<hbm>> -> memref<16384xf32, #tpu.memory_space<hbm>>
    %dma_wait3A_1872 = arith.constant 49152 : i32
    %dma_wait3A_1873 = tpu.memref_slice %arg11[%dma_wait3A_1872] : memref<65536xf32, #tpu.memory_space<vmem>> -> memref<16384xf32, #tpu.memory_space<vmem>>
    tpu.wait_dma2 semaphore(%arg20 : memref<!tpu.dma_semaphore, #tpu.memory_space<semaphore_mem>>) src(%dma_wait3A_1873 : memref<16384xf32, #tpu.memory_space<vmem>>) dst(%dma_wait3A_1871 : memref<16384xf32, #tpu.memory_space<hbm>>)
    return
  }
}

</mosaic_0001>

<sc_bundles>
// kernel: kernel.3.cloned.1.call-start
scs
__scs_entry_jumppad:
0x0: {  	(pc) =	sbr.rel $0x88, $3  }
0x1: {  	(tag) =	ssettag $0x0;
	lr =	simm.s32 $0x1  }
0x2: {  	[smem:$0x3F9B] =	sst lr;
	_ =	strace $0xD0000000  }
0x3: {  	_ = 	snop  }
0x4: {  	_ = 	snop  }
0x5: {  	_ = 	snop  }
0x6: {  	_ = 	snop  }
0x7: {  	_ = 	snop  }
__scs_overlays_trampoline_lowered:
0x8: {  	[smem:$0x3FAA] =	sst s0  }
0x9: {  	[smem:$0x3FAB] =	sst s1  }
0xa: {  	[smem:$0x3FAC] =	sst s2  }
0xb: {  	[smem:$0x3FAD] =	sst s3  }
0xc: {  	[smem:$0x3FAE] =	sst s4  }
0xd: {  	[smem:$0x3FAF] =	sst s5  }
0xe: {  	[smem:$0x3FB0] =	sst s6  }
0xf: {  	[smem:$0x3FB1] =	sst s7  }
0x10: {  	[smem:$0x3FB2] =	sst s8  }
0x11: {  	[smem:$0x3FB3] =	sst s9;
	s0 =	simm.s32 @!p0 $0x0  }
0x12: {  	s1 =	sld [smem:$0x3F99];
	s0 =	simm.s32 @p0 $0x1  }
0x13: {  	[smem:$0x3FB4] =	sst s0;
	s0 =	simm.s32 @!p1 $0x0  }
0x14: {  	s2 =	sld [smem:$0x3F98];
	s0 =	simm.s32 @p1 $0x1  }
0x15: {  	[smem:$0x3FB5] =	sst s0;
	s0 =	simm.s32 @!p2 $0x0  }
0x16: {  	s3 =	sld [smem:$0x3FDB];
	s0 =	simm.s32 @p2 $0x1  }
0x17: {  	s4 =	simm.s32 $0x1BF5;
	[smem:$0x3FB7] =	sst s0  }
0x18: {  	s0 =	sld [smem:$0x3F9A];
	_ =	swait.ge [sflag:s4], $0x0  }
0x19: {  	s7 =	sld [smem:$0x3F9B]  }
0x1a: {  	s8 =	sadd.s32 $0xFFFFE003, lr  }
0x1b: {  	s9 =	sadd.s32 $0xFFFFFEF7, lr;
	s5 =	simm.s32 $0xFFFFFFFF;
	p2 =	slt.u32 s8, $0xFFFFF086  }
0x1c: {  	p1 =	slt.u32 s9, $0xF7A;
	s5 =	simm.s32 @!p2 $0x0  }
0x1d: {  	s5 =	simm.s32 @p1 $0x1;
	p0 =	seq.s32 s7, s2  }
0x1e: {  	s7 =	smul.u32 @!p0 $0xF7A, s2;
	p2 =	seq.s32 @!p0 s5, $0x0  }
0x1f: {  	s9 =	smul.u32 $0xF7A, s1;
	s8 =	simm.s32 @!p0 $0x1BF5;
	p2 =	por !p2, p0  }
0x20: {  	[sflag:s8] =	ssyncset.s32 @!p0 $0xFFFFF086;
	s6 =	sadd.s32 @!p0 s3, s7;
	s7 =	simm.s32 @!p0 $0x108  }
0x21: {  	s3 =	sadd.s32 s3, s9;
	s6 =	sadd.s32 @!p0 $0x88, s6;
	s7 =	simm.s32 @p2 $0x1082  }
0x22: {  	[simem:s7], [sflag:s8] =	dma.local @!p0 [hbm:s6], $0xF7A  }
0x23: {  	s9 =	sor.u32 $0xD0000000, s2;
	s6 =	simm.s32 $0x108;
	_ =	swait.ge @!p0 [sflag:s8], $0x0  }
0x24: {  	s3 =	sadd.s32 $0x88, s3;
	s6 =	simm.s32 @!p1 $0x1082;
	[sflag:s4] =	ssyncset.s32 $0xFFFFF086  }
0x25: {  	[simem:s6], [sflag:s4] =	dma.local [hbm:s3], $0xF7A  }
0x26: {  	[smem:$0x3F9B] =	sst s1;
	(tag) =	ssettag s2;
	_ =	strace s9  }
0x27: {  	s1 =	sld [smem:$0x3FAB]  }
0x28: {  	s2 =	sld [smem:$0x3FAC]  }
0x29: {  	s4 =	sld [smem:$0x3FAE]  }
0x2a: {  	p0 =	seq.s32 s5, $0x0;
	s5 =	sld [smem:$0x3FAF]  }
0x2b: {  	s6 =	sld [smem:$0x3FB0]  }
0x2c: {  	s7 =	sld [smem:$0x3FB1]  }
0x2d: {  	s3 =	simm.s32 $0x108;
	s8 =	sld [smem:$0x3FB2]  }
0x2e: {  	s3 =	simm.s32 @!p0 $0x1082;
	s9 =	sld [smem:$0x3FB3]  }
0x2f: {  	lr =	sadd.s32 s0, s3;
	s0 =	sld [smem:$0x3FAA]  }
0x30: {  	s3 =	sld [smem:$0x3FAD]  }
0x31: {  	[smem:$0x3FB6] =	sst s10  }
0x32: {  	s10 =	sld [smem:$0x3FB4];
	_ =	sdelay $0x3  }
0x33: {  	p0 =	seq.s32 s10, $0x1;
	s10 =	sld [smem:$0x3FB6];
	_ =	sdelay $0x3  }
0x34: {  	[smem:$0x3FB6] =	sst s10  }
0x35: {  	s10 =	sld [smem:$0x3FB5];
	_ =	sdelay $0x3  }
0x36: {  	p1 =	seq.s32 s10, $0x1;
	s10 =	sld [smem:$0x3FB6];
	_ =	sdelay $0x3  }
0x37: {  	[smem:$0x3FB6] =	sst s10  }
0x38: {  	s10 =	sld [smem:$0x3FB7]  }
0x39: {  	_ = 	snop;
	(pc) =	sbr.ind lr, $3  }
0x3a: {  	_ = 	snop  }
0x3b: {  	_ = 	snop  }
0x3c: {  	p2 =	seq.s32 s10, $0x1;
	s10 =	sld [smem:$0x3FB6]  }
0x3d: {  	_ =	shalt  }
0x3e: {  	_ =	shalt  }
0x3f: {  	_ =	shalt  }
0x40: {  	_ =	shalt  }
0x41: {  	_ =	shalt  }
0x42: {  	_ =	shalt  }
0x43: {  	_ =	shalt  }
0x44: {  	_ =	shalt  }
0x45: {  	_ =	shalt  }
0x46: {  	_ =	shalt  }
0x47: {  	_ =	shalt  }
0x48: {  	_ =	shalt  }
0x49: {  	_ =	shalt  }
0x4a: {  	_ =	shalt  }
0x4b: {  	_ =	shalt  }
0x4c: {  	_ =	shalt  }
0x4d: {  	_ =	shalt  }
0x4e: {  	_ =	shalt  }
0x4f: {  	_ =	shalt  }
0x50: {  	_ =	shalt  }
0x51: {  	_ =	shalt  }
0x52: {  	_ =	shalt  }
0x53: {  	_ =	shalt  }
0x54: {  	_ =	shalt  }
0x55: {  	_ =	shalt  }
0x56: {  	_ =	shalt  }
0x57: {  	_ =	shalt  }
0x58: {  	_ =	shalt  }
0x59: {  	_ =	shalt  }
0x5a: {  	_ =	shalt  }
0x5b: {  	_ =	shalt  }
0x5c: {  	_ =	shalt  }
0x5d: {  	_ =	shalt  }
0x5e: {  	_ =	shalt  }
0x5f: {  	_ =	shalt  }
0x60: {  	_ =	shalt  }
0x61: {  	_ =	shalt  }
0x62: {  	_ =	shalt  }
0x63: {  	_ =	shalt  }
0x64: {  	_ =	shalt  }
0x65: {  	_ =	shalt  }
0x66: {  	_ =	shalt  }
0x67: {  	_ =	shalt  }
0x68: {  	_ =	shalt  }
0x69: {  	_ =	shalt  }
0x6a: {  	_ =	shalt  }
0x6b: {  	_ =	shalt  }
0x6c: {  	_ =	shalt  }
0x6d: {  	_ =	shalt  }
0x6e: {  	_ =	shalt  }
0x6f: {  	_ =	shalt  }
0x70: {  	_ =	shalt  }
0x71: {  	_ =	shalt  }
0x72: {  	_ =	shalt  }
0x73: {  	_ =	shalt  }
0x74: {  	_ =	shalt  }
0x75: {  	_ =	shalt  }
0x76: {  	_ =	shalt  }
0x77: {  	_ =	shalt  }
0x78: {  	_ =	shalt  }
0x79: {  	_ =	shalt  }
0x7a: {  	_ =	shalt  }
0x7b: {  	_ =	shalt  }
0x7c: {  	_ =	shalt  }
0x7d: {  	_ =	shalt  }
0x7e: {  	_ =	shalt  }
0x7f: {  	_ =	shalt  }
0x80: {  	_ =	shalt  }
0x81: {  	_ =	shalt  }
0x82: {  	_ =	shalt  }
0x83: {  	_ =	shalt  }
0x84: {  	_ =	shalt  }
0x85: {  	_ =	shalt  }
0x86: {  	_ =	shalt  }
0x87: {  	_ =	shalt  }
.Lfunc_end0:
.L_simem_size_0:
called_computation_lowered:
.L_overlay_start_0:
0x88: {  	s2 =	sld [smem:$0x3FD9]  }
0x89: {  	s3 =	sld [smem:$0x3FFE];
	_ =	sdelay $0x1  }
0x8a: {  	s1 =	srdreg.scid  }
0x8b: {  	s0 =	sand.u32 $0x1, s1  }
0x8c: {  	s17 =	sshll.u32 s0, $0xA;
	s2 =	sadd.s32 s3, s2  }
0x8d: {  	s2 =	sadd.s32 s2, s17  }
0x8e: {  	[smem:$0x3FC2] =	sst s2  }
0x8f: {  	_ = 	snop  }
0x90: {  	s2 =	sld [smem:$0x3FC9]  }
0x91: {  	s18 =	sld [smem:$0x3FC8]  }
0x92: {  	s4 =	sld [smem:$0x3FC7]  }
0x93: {  	s5 =	sld [smem:$0x3FC6]  }
0x94: {  	s6 =	sld [smem:$0x3FC5];
	(tm) =	ssettm $0x1  }
0x95: {  	s7 =	sld [smem:$0x3FFB];
	_ =	sdelay $0x3  }
0x96: {  	_ =	strace s7  }
0x97: {  	s7 =	sld [smem:$0x3FFC];
	_ =	sdelay $0x3  }
0x98: {  	_ =	strace s7  }
0x99: {  	s7 =	sld [smem:$0x3FFD];
	_ =	sdelay $0x3  }
0x9a: {  	_ =	strace s7  }
0x9b: {  	_ =	strace $0x8FFFFFFF  }
0x9c: {  	s19 =	sld [smem:$0x3FDB];
	_ =	sdelay $0x1  }
0x9d: {  	s8 =	simm.s32 $_scs_section_size  }
0x9e: {  	s9 =	simm.s32 $_size__tile_overlayer_lowered;
	s10 =	simm.s32 $_tile_overlayer_lowered  }
0x9f: {  	s22 =	simm.s32 $0x1BFF;
	s21 =	sshll.u32 s10, $0x1;
	s7 =	sadd.s32 s8, s19  }
0xa0: {  	s11 =	simm.s32 $0x0;
	s20 =	sshll.u32 s9, $0x1;
	s9 =	sadd.s32 s21, s7  }
0xa1: {  	[timem:s11], [sflag:s22] =	dma.local [hbm:s9], s20  }
0xa2: {  	_ =	swait.ge [sflag:s22], s20  }
0xa3: {  	s8 =	ssub.s32 $0x0, s20;
	[sflag:s22] =	ssyncset.done $0x0  }
0xa4: {  	[sflag:s22] =	ssyncadd.s32 s8;
	_ =	sdelay $0x1  }
0xa5: {  	s23 =	simm.s32 $0x1B8B  }
0xa6: {  	_ =	swait.ge [sflag:s23], $0x1  }
0xa7: {  	[sflag:s23] =	ssyncset.done $0x0  }
0xa8: {  	s25 =	simm.s32 $0x1B8E;
	s24 =	sld [smem:$0x3FFE];
	[sflag:s23] =	ssyncadd.s32 $0xFFFFFFFF  }
0xa9: {  	s26 =	simm.s32 $execute0_lowered;
	[smem:$0x3FD2] =	sst s25  }
0xaa: {  	s9 =	sshll.u32 s26, $0x1;
	_ =	strace $0x80000046;
	[dreg:$0x1] =	wrdreg $0xFFFFFFFF  }
0xab: {  	s28 =	simm.s32 $_size_execute0_lowered;
	s7 =	sadd.s32 s7, s9;
	[dreg:$0x0] =	wrdreg $0x0  }
0xac: {  	s9 =	sshll.u32 s28, $0x1;
	[dreg:$0x2] =	wrdreg s7  }
0xad: {  	[dreg:$0x3] =	wrdreg s9  }
0xae: {  	[dreg:$0x4] =	wrdreg $0xC0  }
0xaf: {  	_ =	task [dreg:s11], $0x5FFFF  }
0xb0: {  	[dreg:$0x1] =	wrdreg $0xFFFFFFFF  }
0xb1: {  	[dreg:$0x0] =	wrdreg $0x60  }
0xb2: {  	[dreg:$0x2] =	wrdreg s2  }
0xb3: {  	[dreg:$0x3] =	wrdreg s18  }
0xb4: {  	[dreg:$0x4] =	wrdreg s4  }
0xb5: {  	[dreg:$0x5] =	wrdreg s5  }
0xb6: {  	[dreg:$0x6] =	wrdreg s6  }
0xb7: {  	[dreg:$0x7] =	wrdreg s24  }
0xb8: {  	[dreg:$0x8] =	wrdreg $0x9  }
0xb9: {  	_ =	task.clear_ibuf [dreg:s11], $0x9FFFF;
	_ =	strace $0x90000046  }
0xba: {  	s29 =	simm.s32 $0x9;
	_ =	strace $0x80000048  }
0xbb: {  	_ =	swait.ge [sflag:s29], $0x1  }
0xbc: {  	[sflag:s29] =	ssyncadd.s32 $0xFFFFFFFF  }
0xbd: {  	_ =	strace $0x90000048  }
0xbe: {  	_ =	sfence  }
0xbf: {  	s30 =	sld [smem:$0x0];
	_ =	sdelay $0x2  }
0xc0: {  	s31 =	sshll.u32 s1, $0xD;
	s1 =	sshrl.u32 s1, $0x2  }
0xc1: {  	s3 =	sand.u32 $0x4000, s31;
	s1 =	sadd.s32 s1, s30  }
0xc2: {  	s0 =	sor.u32 s3, s0;
	s1 =	sshll.u32 s1, $0x11  }
0xc3: {  	s0 =	sor.u32 s1, s0  }
0xc4: {  	s0 =	sadd.s32 $0x8F2B, s0  }
0xc5: {  	[sflag:s0] =	ssyncadd.remote.s32 $0x1  }
0xc6: {  	_ =	sfence.sel $0xFFFF  }
0xc7: {  	[dreg:$0x0] =	wrdreg $0xFFFFFFFF;
	(pc) =	sbr.abs _section_cstart, $3  }
0xc8: {  	[dreg:$0x1] =	wrdreg $0xFFFFFFFF  }
0xc9: {  	_ =	task.clear_ibuf [dreg:s11], $0x2FFFF;
	_ =	strace $0x9FFFFFFF  }
0xca: {  	(tm) =	ssettm $0x7FFFFFFF  }
0xcb: {  	_ =	shalt  }
tec
execute0_lowered:
.L_overlay_start_1:
0x0: {  	(tag) =	ssettag $0x1  }
0x1: {  	s0 =	rddreg [dreg:$0x0]  }
0x2: {  	s1 =	rddreg [dreg:$0x1]  }
0x3: {  	s6 =	rddreg [dreg:$0x2]  }
0x4: {  	s7 =	rddreg [dreg:$0x3]  }
0x5: {  	s8 =	rddreg [dreg:$0x4]  }
0x6: {  	s4 =	rddreg [dreg:$0x5];
	s2 =	simm.s32 $0x0  }
0x7: {  	s3 =	srdreg.scid;
	s9 =	stileid.u32;
	s14 =	simm.s32 $0x6  }
0x8: {  	s15 =	simm.s32 $0x80;
	s28 =	simm.s32 $0x8200;
	s29 =	simm.s32 $0x2  }
0x9: {  	s30 =	simm.s32 $0xC200;
	s31 =	simm.s32 $0x3;
	s16 =	simm.s32 $0x14200  }
0xa: {  	s17 =	simm.s32 $0x5;
	s18 =	simm.s32 $0x0;
	[smem:$0x7FF] =	sst s2  }
0xb: {  	s5 =	sand.u32 $0x1, s3;
	s25 =	sshll.u32 s9, $0x1;
	s3 =	sadd.s32 $0x187000, s4  }
0xc: {  	_ =	strace $0x80000047;
	s9 =	sor.u32 s5, s25;
	s5 =	ssub.s32 $0x2, s5  }
0xd: {  	s10 =	sshll.u32 s9, $0xD;
	s26 =	sshrl.u32 s5, $0x1;
	s9 =	sshll.u32 s9, $0x6  }
0xe: {  	s12 =	sadd.s32 s10, s4;
	s13 =	ssub.s32 s5, s26;
	s4 =	sadd.s32 s0, s9  }
0xf: {  	s5 =	sadd.s32 s1, s9;
	s6 =	sadd.s32 s6, s9;
	s7 =	sadd.s32 s7, s9  }
0x10: {  	s8 =	sadd.s32 s8, s9;
	s26 =	simm.s32 $0x1;
	s0 =	simm.s32 $0x10200  }
0x11: {  	s1 =	simm.s32 $0x4;
	s9 =	sadd.s32 $0x400, s12;
	s10 =	sadd.s32 $0xC00, s12  }
0x12: {  	vm0 =	vcmask $0x3F0C;
	vm1 =	vcmask $0x3F08;
	vm2 =	vmmov $0x1;
	s11 =	sadd.s32 $0x1400, s12;
	s12 =	sadd.s32 $0x1C00, s12;
	s13 =	smax.u32 s13, $0x1  }
.LBB2_1:
0x13: {  	[tilespmem:s2], [sflag:$0x6] =	stream.linear.gather [hbm4b:s4+s2], $0x200, $0x38;
	[tilespmem:$0x18A80] =	vst v63  }
0x14: {  	_ =	swait.ge [sflag:s14], $0x200  }
0x15: {  	[sflag:s14] =	ssyncset.done $0x0  }
0x16: {  	s19 =	simm.s32 $0x200;
	[sflag:s14] =	ssyncadd.s32 $0xFFFFFE00  }
0x17: {  	[tilespmem:s19], [sflag:$0x1] =	stream.indirect.gather [hbm4b:s3+s15], $0x40, s2, s15, $0xb8;
	[tilespmem:$0x18A80] =	vst v63  }
0x18: {  	s20 =	simm.s32 $0x2200  }
0x19: {  	[tilespmem:s20], [sflag:$0x2] =	stream.indirect.gather [hbm4b:s3+s15], $0x40, s15, s15, $0xb8;
	[tilespmem:$0x18A80] =	vst v63  }
0x1a: {  	s21 =	simm.s32 $0x100;
	s20 =	simm.s32 $0x4200  }
0x1b: {  	[tilespmem:s20], [sflag:$0x3] =	stream.indirect.gather [hbm4b:s3+s15], $0x40, s21, s15, $0xb8;
	[tilespmem:$0x18A80] =	vst v63  }
0x1c: {  	s22 =	simm.s32 $0x180;
	s23 =	simm.s32 $0x6200  }
0x1d: {  	[tilespmem:s23], [sflag:$0x4] =	stream.indirect.gather [hbm4b:s3+s15], $0x40, s22, s15, $0xb8;
	[tilespmem:$0x18A80] =	vst v63  }
0x1e: {  	s24 =	simm.s32 $0x18210  }
0x1f: {  	[tilespmem:s24], [sflag:$0x6] =	stream.linear.gather [hbm4b:s5+s2], $0x200, $0x38;
	[tilespmem:$0x18A80] =	vst v63  }
0x20: {  	_ =	swait.ge [sflag:s14], $0x200  }
0x21: {  	[sflag:s14] =	ssyncset.done $0x0  }
0x22: {  	s25 =	simm.s32 $0x18430;
	[sflag:s14] =	ssyncadd.s32 $0xFFFFFE00  }
0x23: {  	[tilespmem:s25], [sflag:$0x6] =	stream.linear.gather [hbm4b:s6+s2], $0x200, $0x38;
	[tilespmem:$0x18A80] =	vst v63  }
0x24: {  	_ =	swait.ge [sflag:s14], $0x200  }
0x25: {  	[sflag:s14] =	ssyncset.done $0x0  }
0x26: {  	s20 =	simm.s32 $0x18650;
	[sflag:s14] =	ssyncadd.s32 $0xFFFFFE00  }
0x27: {  	[tilespmem:s20], [sflag:$0x6] =	stream.linear.gather [hbm4b:s7+s2], $0x200, $0x38;
	[tilespmem:$0x18A80] =	vst v63  }
0x28: {  	_ =	swait.ge [sflag:s14], $0x200  }
0x29: {  	[sflag:s14] =	ssyncset.done $0x0  }
0x2a: {  	s21 =	simm.s32 $0x18870;
	[sflag:s14] =	ssyncadd.s32 $0xFFFFFE00  }
0x2b: {  	[tilespmem:s21], [sflag:$0x6] =	stream.linear.gather [hbm4b:s8+s2], $0x200, $0x38;
	[tilespmem:$0x18A80] =	vst v63  }
0x2c: {  	_ =	swait.ge [sflag:s14], $0x200  }
0x2d: {  	[sflag:s14] =	ssyncset.done $0x0  }
0x2e: {  	[sflag:s14] =	ssyncadd.s32 $0xFFFFFE00  }
0x2f: {  	v0 =	vld [tilespmem:$0x18200]  }
0x30: {  	v1 =	vld [tilespmem:$0x18210]  }
0x31: {  	v2 =	vld [tilespmem:$0x18220]  }
0x32: {  	v3 =	vld [tilespmem:$0x18230]  }
0x33: {  	v4 =	vld [tilespmem:$0x18240]  }
0x34: {  	v5 =	vld [tilespmem:$0x18250];
	v0 =	vadd.f32 $-5.000000000e-01, v0  }
0x35: {  	v6 =	vld [tilespmem:$0x18260];
	v1 =	vadd.f32 $-5.000000000e-01, v1  }
0x36: {  	v7 =	vld [tilespmem:$0x18270];
	v2 =	vadd.f32 $-5.000000000e-01, v2;
	v0 =	vmul.f32 $3.464099650e+00, v0  }
0x37: {  	v8 =	vld [tilespmem:$0x18280];
	v3 =	vadd.f32 $-5.000000000e-01, v3;
	v1 =	vmul.f32 $3.464099650e+00, v1  }
0x38: {  	v45 =	vld [tilespmem:$0x18290];
	[tilespmem:$0x18200] =	vst v0;
	v0 =	vmul.f32 $3.464099650e+00, v2;
	v2 =	vadd.f32 $-5.000000000e-01, v4  }
0x39: {  	v46 =	vld [tilespmem:$0x182A0];
	[tilespmem:$0x18210] =	vst v1;
	v1 =	vmul.f32 $3.464099650e+00, v3;
	v3 =	vadd.f32 $-5.000000000e-01, v5  }
0x3a: {  	v47 =	vld [tilespmem:$0x182B0];
	[tilespmem:$0x18220] =	vst v0;
	v0 =	vmul.f32 $3.464099650e+00, v2;
	v2 =	vadd.f32 $-5.000000000e-01, v6  }
0x3b: {  	v48 =	vld [tilespmem:$0x182C0];
	[tilespmem:$0x18230] =	vst v1;
	v1 =	vmul.f32 $3.464099650e+00, v3;
	v3 =	vadd.f32 $-5.000000000e-01, v7  }
0x3c: {  	v49 =	vld [tilespmem:$0x182D0];
	[tilespmem:$0x18240] =	vst v0;
	v0 =	vmul.f32 $3.464099650e+00, v2;
	v2 =	vadd.f32 $-5.000000000e-01, v8  }
0x3d: {  	v50 =	vld [tilespmem:$0x182E0];
	[tilespmem:$0x18250] =	vst v1;
	v1 =	vmul.f32 $3.464099650e+00, v3;
	v3 =	vadd.f32 $-5.000000000e-01, v45  }
0x3e: {  	v51 =	vld [tilespmem:$0x182F0];
	[tilespmem:$0x18260] =	vst v0;
	v0 =	vmul.f32 $3.464099650e+00, v2;
	v2 =	vadd.f32 $-5.000000000e-01, v46  }
0x3f: {  	v52 =	vld [tilespmem:$0x18300];
	[tilespmem:$0x18270] =	vst v1;
	v1 =	vmul.f32 $3.464099650e+00, v3;
	v3 =	vadd.f32 $-5.000000000e-01, v47  }
0x40: {  	v53 =	vld [tilespmem:$0x18310];
	[tilespmem:$0x18280] =	vst v0;
	v0 =	vmul.f32 $3.464099650e+00, v2;
	v2 =	vadd.f32 $-5.000000000e-01, v48  }
0x41: {  	v54 =	vld [tilespmem:$0x18320];
	[tilespmem:$0x18290] =	vst v1;
	v1 =	vmul.f32 $3.464099650e+00, v3;
	v3 =	vadd.f32 $-5.000000000e-01, v49  }
0x42: {  	v55 =	vld [tilespmem:$0x18330];
	[tilespmem:$0x182A0] =	vst v0;
	v0 =	vmul.f32 $3.464099650e+00, v2;
	v2 =	vadd.f32 $-5.000000000e-01, v50  }
0x43: {  	v56 =	vld [tilespmem:$0x18340];
	[tilespmem:$0x182B0] =	vst v1;
	v1 =	vmul.f32 $3.464099650e+00, v3;
	v3 =	vadd.f32 $-5.000000000e-01, v51  }
0x44: {  	v57 =	vld [tilespmem:$0x18350];
	[tilespmem:$0x182C0] =	vst v0;
	v0 =	vmul.f32 $3.464099650e+00, v2;
	v2 =	vadd.f32 $-5.000000000e-01, v52  }
0x45: {  	v58 =	vld [tilespmem:$0x18360];
	[tilespmem:$0x182D0] =	vst v1;
	v1 =	vmul.f32 $3.464099650e+00, v3;
	v3 =	vadd.f32 $-5.000000000e-01, v53  }
0x46: {  	v59 =	vld [tilespmem:$0x18370];
	[tilespmem:$0x182E0] =	vst v0;
	v0 =	vmul.f32 $3.464099650e+00, v2;
	v2 =	vadd.f32 $-5.000000000e-01, v54  }
0x47: {  	v60 =	vld [tilespmem:$0x18380];
	[tilespmem:$0x182F0] =	vst v1;
	v1 =	vmul.f32 $3.464099650e+00, v3;
	v3 =	vadd.f32 $-5.000000000e-01, v55  }
0x48: {  	v61 =	vld [tilespmem:$0x18390];
	[tilespmem:$0x18300] =	vst v0;
	v0 =	vmul.f32 $3.464099650e+00, v2;
	v2 =	vadd.f32 $-5.000000000e-01, v56  }
0x49: {  	v62 =	vld [tilespmem:$0x183A0];
	[tilespmem:$0x18310] =	vst v1;
	v1 =	vmul.f32 $3.464099650e+00, v3;
	v3 =	vadd.f32 $-5.000000000e-01, v57  }
0x4a: {  	v63 =	vld [tilespmem:$0x183B0];
	[tilespmem:$0x18320] =	vst v0;
	v0 =	vmul.f32 $3.464099650e+00, v2;
	v2 =	vadd.f32 $-5.000000000e-01, v58  }
0x4b: {  	v12 =	vld [tilespmem:$0x183C0];
	[tilespmem:$0x18330] =	vst v1;
	v1 =	vmul.f32 $3.464099650e+00, v3;
	v3 =	vadd.f32 $-5.000000000e-01, v59  }
0x4c: {  	v13 =	vld [tilespmem:$0x183D0];
	[tilespmem:$0x18340] =	vst v0;
	v0 =	vmul.f32 $3.464099650e+00, v2;
	v2 =	vadd.f32 $-5.000000000e-01, v60  }
0x4d: {  	v14 =	vld [tilespmem:$0x183E0];
	[tilespmem:$0x18350] =	vst v1;
	v1 =	vmul.f32 $3.464099650e+00, v3;
	v3 =	vadd.f32 $-5.000000000e-01, v61  }
0x4e: {  	v15 =	vld [tilespmem:$0x183F0];
	[tilespmem:$0x18360] =	vst v0;
	v0 =	vmul.f32 $3.464099650e+00, v2;
	v2 =	vadd.f32 $-5.000000000e-01, v62  }
0x4f: {  	v16 =	vld [tilespmem:$0x18400];
	[tilespmem:$0x18370] =	vst v1;
	v1 =	vmul.f32 $3.464099650e+00, v3;
	v3 =	vadd.f32 $-5.000000000e-01, v63  }
0x50: {  	v17 =	vld [tilespmem:$0x18420];
	[tilespmem:$0x18380] =	vst v0;
	v0 =	vmul.f32 $3.464099650e+00, v2;
	v2 =	vadd.f32 $-5.000000000e-01, v12  }
0x51: {  	v18 =	vld [tilespmem:$0x18430];
	[tilespmem:$0x18390] =	vst v1;
	v1 =	vmul.f32 $3.464099650e+00, v3;
	v3 =	vadd.f32 $-5.000000000e-01, v13  }
0x52: {  	v19 =	vld [tilespmem:$0x18440];
	[tilespmem:$0x183A0] =	vst v0;
	v0 =	vmul.f32 $3.464099650e+00, v2;
	v2 =	vadd.f32 $-5.000000000e-01, v14  }
0x53: {  	v20 =	vld [tilespmem:$0x18450];
	[tilespmem:$0x183B0] =	vst v1;
	v1 =	vmul.f32 $3.464099650e+00, v3;
	v3 =	vadd.f32 $-5.000000000e-01, v15  }
0x54: {  	v21 =	vld [tilespmem:$0x18460];
	[tilespmem:$0x183C0] =	vst v0;
	v0 =	vmul.f32 $3.464099650e+00, v2;
	v2 =	vadd.f32 $-5.000000000e-01, v16  }
0x55: {  	v22 =	vld [tilespmem:$0x18470];
	[tilespmem:$0x183D0] =	vst v1;
	v1 =	vmul.f32 $3.464099650e+00, v3;
	v3 =	vadd.f32 $-5.000000000e-01, v17  }
0x56: {  	v23 =	vld [tilespmem:$0x18480];
	[tilespmem:$0x183E0] =	vst v0;
	v0 =	vmul.f32 $3.464099650e+00, v2;
	v2 =	vadd.f32 $-5.000000000e-01, v18  }
0x57: {  	v24 =	vld [tilespmem:$0x18490];
	[tilespmem:$0x183F0] =	vst v1;
	v1 =	vmul.f32 $3.464099650e+00, v3;
	v3 =	vadd.f32 $-5.000000000e-01, v19  }
0x58: {  	v25 =	vld [tilespmem:$0x184A0];
	[tilespmem:$0x18400] =	vst v0;
	v0 =	vmul.f32 $3.464099650e+00, v2;
	v2 =	vadd.f32 $-5.000000000e-01, v20  }
0x59: {  	v26 =	vld [tilespmem:$0x184B0];
	[tilespmem:$0x18420] =	vst v1;
	v1 =	vmul.f32 $3.464099650e+00, v3;
	v3 =	vadd.f32 $-5.000000000e-01, v21  }
0x5a: {  	v27 =	vld [tilespmem:$0x184C0];
	[tilespmem:$0x18430] =	vst v0;
	v0 =	vmul.f32 $3.464099650e+00, v2;
	v2 =	vadd.f32 $-5.000000000e-01, v22  }
0x5b: {  	v28 =	vld [tilespmem:$0x184D0];
	[tilespmem:$0x18440] =	vst v1;
	v1 =	vmul.f32 $3.464099650e+00, v3;
	v3 =	vadd.f32 $-5.000000000e-01, v23  }
0x5c: {  	v29 =	vld [tilespmem:$0x184E0];
	[tilespmem:$0x18450] =	vst v0;
	v0 =	vmul.f32 $3.464099650e+00, v2;
	v2 =	vadd.f32 $-5.000000000e-01, v24  }
0x5d: {  	v30 =	vld [tilespmem:$0x184F0];
	[tilespmem:$0x18460] =	vst v1;
	v1 =	vmul.f32 $3.464099650e+00, v3;
	v3 =	vadd.f32 $-5.000000000e-01, v25  }
0x5e: {  	v31 =	vld [tilespmem:$0x18500];
	[tilespmem:$0x18470] =	vst v0;
	v0 =	vmul.f32 $3.464099650e+00, v2;
	v2 =	vadd.f32 $-5.000000000e-01, v26  }
0x5f: {  	v32 =	vld [tilespmem:$0x18510];
	[tilespmem:$0x18480] =	vst v1;
	v1 =	vmul.f32 $3.464099650e+00, v3;
	v3 =	vadd.f32 $-5.000000000e-01, v27  }
0x60: {  	v33 =	vld [tilespmem:$0x18520];
	[tilespmem:$0x18490] =	vst v0;
	v0 =	vmul.f32 $3.464099650e+00, v2;
	v2 =	vadd.f32 $-5.000000000e-01, v28  }
0x61: {  	v34 =	vld [tilespmem:$0x18530];
	[tilespmem:$0x184A0] =	vst v1;
	v1 =	vmul.f32 $3.464099650e+00, v3;
	v3 =	vadd.f32 $-5.000000000e-01, v29  }
0x62: {  	v35 =	vld [tilespmem:$0x18540];
	[tilespmem:$0x184B0] =	vst v0;
	v0 =	vmul.f32 $3.464099650e+00, v2;
	v2 =	vadd.f32 $-5.000000000e-01, v30  }
0x63: {  	v36 =	vld [tilespmem:$0x18550];
	[tilespmem:$0x184C0] =	vst v1;
	v1 =	vmul.f32 $3.464099650e+00, v3;
	v3 =	vadd.f32 $-5.000000000e-01, v31  }
0x64: {  	v37 =	vld [tilespmem:$0x18560];
	[tilespmem:$0x184D0] =	vst v0;
	v0 =	vmul.f32 $3.464099650e+00, v2;
	v2 =	vadd.f32 $-5.000000000e-01, v32  }
0x65: {  	v38 =	vld [tilespmem:$0x18570];
	[tilespmem:$0x184E0] =	vst v1;
	v1 =	vmul.f32 $3.464099650e+00, v3;
	v3 =	vadd.f32 $-5.000000000e-01, v33  }
0x66: {  	v39 =	vld [tilespmem:$0x18580];
	[tilespmem:$0x184F0] =	vst v0;
	v0 =	vmul.f32 $3.464099650e+00, v2;
	v2 =	vadd.f32 $-5.000000000e-01, v34  }
0x67: {  	v40 =	vld [tilespmem:$0x18590];
	[tilespmem:$0x18500] =	vst v1;
	v1 =	vmul.f32 $3.464099650e+00, v3;
	v3 =	vadd.f32 $-5.000000000e-01, v35  }
0x68: {  	v41 =	vld [tilespmem:$0x185A0];
	[tilespmem:$0x18510] =	vst v0;
	v0 =	vmul.f32 $3.464099650e+00, v2;
	v2 =	vadd.f32 $-5.000000000e-01, v36  }
0x69: {  	v42 =	vld [tilespmem:$0x185B0];
	[tilespmem:$0x18520] =	vst v1;
	v1 =	vmul.f32 $3.464099650e+00, v3;
	v3 =	vadd.f32 $-5.000000000e-01, v37  }
0x6a: {  	v43 =	vld [tilespmem:$0x185C0];
	[tilespmem:$0x18530] =	vst v0;
	v0 =	vmul.f32 $3.464099650e+00, v2;
	v2 =	vadd.f32 $-5.000000000e-01, v38  }
0x6b: {  	v44 =	vld [tilespmem:$0x185D0];
	[tilespmem:$0x18540] =	vst v1;
	v1 =	vmul.f32 $3.464099650e+00, v3;
	v3 =	vadd.f32 $-5.000000000e-01, v39  }
0x6c: {  	v45 =	vld [tilespmem:$0x185E0];
	[tilespmem:$0x18550] =	vst v0;
	v0 =	vmul.f32 $3.464099650e+00, v2;
	v2 =	vadd.f32 $-5.000000000e-01, v40  }
0x6d: {  	v46 =	vld [tilespmem:$0x185F0];
	[tilespmem:$0x18560] =	vst v1;
	v1 =	vmul.f32 $3.464099650e+00, v3;
	v3 =	vadd.f32 $-5.000000000e-01, v41  }
0x6e: {  	v47 =	vld [tilespmem:$0x18600];
	[tilespmem:$0x18570] =	vst v0;
	v0 =	vmul.f32 $3.464099650e+00, v2;
	v2 =	vadd.f32 $-5.000000000e-01, v42  }
0x6f: {  	v48 =	vld [tilespmem:$0x18610];
	[tilespmem:$0x18580] =	vst v1;
	v1 =	vmul.f32 $3.464099650e+00, v3;
	v3 =	vadd.f32 $-5.000000000e-01, v43  }
0x70: {  	v49 =	vld [tilespmem:$0x18620];
	[tilespmem:$0x18590] =	vst v0;
	v0 =	vmul.f32 $3.464099650e+00, v2;
	v2 =	vadd.f32 $-5.000000000e-01, v44  }
0x71: {  	v50 =	vld [tilespmem:$0x18640];
	[tilespmem:$0x185A0] =	vst v1;
	v1 =	vmul.f32 $3.464099650e+00, v3;
	v3 =	vadd.f32 $-5.000000000e-01, v45  }
0x72: {  	v51 =	vld [tilespmem:$0x18650];
	[tilespmem:$0x185B0] =	vst v0;
	v0 =	vmul.f32 $3.464099650e+00, v2;
	v2 =	vadd.f32 $-5.000000000e-01, v46  }
0x73: {  	v52 =	vld [tilespmem:$0x18660];
	[tilespmem:$0x185C0] =	vst v1;
	v1 =	vmul.f32 $3.464099650e+00, v3;
	v3 =	vadd.f32 $-5.000000000e-01, v47  }
0x74: {  	v53 =	vld [tilespmem:$0x18670];
	[tilespmem:$0x185D0] =	vst v0;
	v0 =	vmul.f32 $3.464099650e+00, v2;
	v2 =	vadd.f32 $-5.000000000e-01, v48  }
0x75: {  	v54 =	vld [tilespmem:$0x18680];
	[tilespmem:$0x185E0] =	vst v1;
	v1 =	vmul.f32 $3.464099650e+00, v3;
	v3 =	vadd.f32 $-5.000000000e-01, v49  }
0x76: {  	v55 =	vld [tilespmem:$0x18690];
	[tilespmem:$0x185F0] =	vst v0;
	v0 =	vmul.f32 $3.464099650e+00, v2;
	v2 =	vadd.f32 $-5.000000000e-01, v50  }
0x77: {  	v56 =	vld [tilespmem:$0x186A0];
	[tilespmem:$0x18600] =	vst v1;
	v1 =	vmul.f32 $3.464099650e+00, v3;
	v3 =	vadd.f32 $-5.000000000e-01, v51  }
0x78: {  	v57 =	vld [tilespmem:$0x186B0];
	[tilespmem:$0x18610] =	vst v0;
	v0 =	vmul.f32 $3.464099650e+00, v2;
	v2 =	vadd.f32 $-5.000000000e-01, v52  }
0x79: {  	v58 =	vld [tilespmem:$0x186C0];
	[tilespmem:$0x18620] =	vst v1;
	v1 =	vmul.f32 $3.464099650e+00, v3;
	v3 =	vadd.f32 $-5.000000000e-01, v53  }
0x7a: {  	v59 =	vld [tilespmem:$0x186D0];
	[tilespmem:$0x18640] =	vst v0;
	v0 =	vmul.f32 $3.464099650e+00, v2;
	v2 =	vadd.f32 $-5.000000000e-01, v54  }
0x7b: {  	v60 =	vld [tilespmem:$0x186E0];
	[tilespmem:$0x18650] =	vst v1;
	v1 =	vmul.f32 $3.464099650e+00, v3;
	v3 =	vadd.f32 $-5.000000000e-01, v55  }
0x7c: {  	v61 =	vld [tilespmem:$0x186F0];
	[tilespmem:$0x18660] =	vst v0;
	v0 =	vmul.f32 $3.464099650e+00, v2;
	v2 =	vadd.f32 $-5.000000000e-01, v56  }
0x7d: {  	v62 =	vld [tilespmem:$0x18700];
	[tilespmem:$0x18670] =	vst v1;
	v1 =	vmul.f32 $3.464099650e+00, v3;
	v3 =	vadd.f32 $-5.000000000e-01, v57  }
0x7e: {  	v63 =	vld [tilespmem:$0x18710];
	[tilespmem:$0x18680] =	vst v0;
	v0 =	vmul.f32 $3.464099650e+00, v2;
	v2 =	vadd.f32 $-5.000000000e-01, v58  }
0x7f: {  	v12 =	vld [tilespmem:$0x18720];
	[tilespmem:$0x18690] =	vst v1;
	v1 =	vmul.f32 $3.464099650e+00, v3;
	v3 =	vadd.f32 $-5.000000000e-01, v59  }
0x80: {  	v13 =	vld [tilespmem:$0x18730];
	[tilespmem:$0x186A0] =	vst v0;
	v0 =	vmul.f32 $3.464099650e+00, v2;
	v2 =	vadd.f32 $-5.000000000e-01, v60  }
0x81: {  	v14 =	vld [tilespmem:$0x18740];
	[tilespmem:$0x186B0] =	vst v1;
	v1 =	vmul.f32 $3.464099650e+00, v3;
	v3 =	vadd.f32 $-5.000000000e-01, v61  }
0x82: {  	v15 =	vld [tilespmem:$0x18750];
	[tilespmem:$0x186C0] =	vst v0;
	v0 =	vmul.f32 $3.464099650e+00, v2;
	v2 =	vadd.f32 $-5.000000000e-01, v62  }
0x83: {  	v16 =	vld [tilespmem:$0x18760];
	[tilespmem:$0x186D0] =	vst v1;
	v1 =	vmul.f32 $3.464099650e+00, v3;
	v3 =	vadd.f32 $-5.000000000e-01, v63  }
0x84: {  	v17 =	vld [tilespmem:$0x18770];
	[tilespmem:$0x186E0] =	vst v0;
	v0 =	vmul.f32 $3.464099650e+00, v2;
	v2 =	vadd.f32 $-5.000000000e-01, v12  }
0x85: {  	v18 =	vld [tilespmem:$0x18780];
	[tilespmem:$0x186F0] =	vst v1;
	v1 =	vmul.f32 $3.464099650e+00, v3;
	v3 =	vadd.f32 $-5.000000000e-01, v13  }
0x86: {  	v19 =	vld [tilespmem:$0x18790];
	[tilespmem:$0x18700] =	vst v0;
	v0 =	vmul.f32 $3.464099650e+00, v2;
	v2 =	vadd.f32 $-5.000000000e-01, v14  }
0x87: {  	v20 =	vld [tilespmem:$0x187A0];
	[tilespmem:$0x18710] =	vst v1;
	v1 =	vmul.f32 $3.464099650e+00, v3;
	v3 =	vadd.f32 $-5.000000000e-01, v15  }
0x88: {  	v21 =	vld [tilespmem:$0x187B0];
	[tilespmem:$0x18720] =	vst v0;
	v0 =	vmul.f32 $3.464099650e+00, v2;
	v2 =	vadd.f32 $-5.000000000e-01, v16  }
0x89: {  	v22 =	vld [tilespmem:$0x187C0];
	[tilespmem:$0x18730] =	vst v1;
	v1 =	vmul.f32 $3.464099650e+00, v3;
	v3 =	vadd.f32 $-5.000000000e-01, v17  }
0x8a: {  	v23 =	vld [tilespmem:$0x187D0];
	[tilespmem:$0x18740] =	vst v0;
	v0 =	vmul.f32 $3.464099650e+00, v2;
	v2 =	vadd.f32 $-5.000000000e-01, v18  }
0x8b: {  	v24 =	vld [tilespmem:$0x187E0];
	[tilespmem:$0x18750] =	vst v1;
	v1 =	vmul.f32 $3.464099650e+00, v3;
	v3 =	vadd.f32 $-5.000000000e-01, v19  }
0x8c: {  	v25 =	vld [tilespmem:$0x187F0];
	[tilespmem:$0x18760] =	vst v0;
	v0 =	vmul.f32 $3.464099650e+00, v2;
	v2 =	vadd.f32 $-5.000000000e-01, v20  }
0x8d: {  	v26 =	vld [tilespmem:$0x18800];
	[tilespmem:$0x18770] =	vst v1;
	v1 =	vmul.f32 $3.464099650e+00, v3;
	v3 =	vadd.f32 $-5.000000000e-01, v21  }
0x8e: {  	v27 =	vld [tilespmem:$0x18810];
	[tilespmem:$0x18780] =	vst v0;
	v0 =	vmul.f32 $3.464099650e+00, v2;
	v2 =	vadd.f32 $-5.000000000e-01, v22  }
0x8f: {  	v28 =	vld [tilespmem:$0x18820];
	[tilespmem:$0x18790] =	vst v1;
	v1 =	vmul.f32 $3.464099650e+00, v3;
	v3 =	vadd.f32 $-5.000000000e-01, v23  }
0x90: {  	v29 =	vld [tilespmem:$0x18830];
	[tilespmem:$0x187A0] =	vst v0;
	v0 =	vmul.f32 $3.464099650e+00, v2;
	v2 =	vadd.f32 $-5.000000000e-01, v24  }
0x91: {  	v30 =	vld [tilespmem:$0x18840];
	[tilespmem:$0x187B0] =	vst v1;
	v1 =	vmul.f32 $3.464099650e+00, v3;
	v3 =	vadd.f32 $-5.000000000e-01, v25  }
0x92: {  	v31 =	vld [tilespmem:$0x18860];
	[tilespmem:$0x187C0] =	vst v0;
	v0 =	vmul.f32 $3.464099650e+00, v2;
	v2 =	vadd.f32 $-5.000000000e-01, v26  }
0x93: {  	v32 =	vld [tilespmem:$0x18870];
	[tilespmem:$0x187D0] =	vst v1;
	v1 =	vmul.f32 $3.464099650e+00, v3;
	v3 =	vadd.f32 $-5.000000000e-01, v27  }
0x94: {  	v33 =	vld [tilespmem:$0x18880];
	[tilespmem:$0x187E0] =	vst v0;
	v0 =	vmul.f32 $3.464099650e+00, v2;
	v2 =	vadd.f32 $-5.000000000e-01, v28  }
0x95: {  	v34 =	vld [tilespmem:$0x18890];
	[tilespmem:$0x187F0] =	vst v1;
	v1 =	vmul.f32 $3.464099650e+00, v3;
	v3 =	vadd.f32 $-5.000000000e-01, v29  }
0x96: {  	v35 =	vld [tilespmem:$0x188A0];
	[tilespmem:$0x18800] =	vst v0;
	v0 =	vmul.f32 $3.464099650e+00, v2;
	v2 =	vadd.f32 $-5.000000000e-01, v30  }
0x97: {  	v36 =	vld [tilespmem:$0x188B0];
	[tilespmem:$0x18810] =	vst v1;
	v1 =	vmul.f32 $3.464099650e+00, v3;
	v3 =	vadd.f32 $-5.000000000e-01, v31  }
0x98: {  	v37 =	vld [tilespmem:$0x188C0];
	[tilespmem:$0x18820] =	vst v0;
	v0 =	vmul.f32 $3.464099650e+00, v2;
	v2 =	vadd.f32 $-5.000000000e-01, v32  }
0x99: {  	v38 =	vld [tilespmem:$0x188D0];
	[tilespmem:$0x18830] =	vst v1;
	v1 =	vmul.f32 $3.464099650e+00, v3;
	v3 =	vadd.f32 $-5.000000000e-01, v33  }
0x9a: {  	v39 =	vld [tilespmem:$0x188E0];
	[tilespmem:$0x18840] =	vst v0;
	v0 =	vmul.f32 $3.464099650e+00, v2;
	v2 =	vadd.f32 $-5.000000000e-01, v34  }
0x9b: {  	v40 =	vld [tilespmem:$0x188F0];
	[tilespmem:$0x18860] =	vst v1;
	v1 =	vmul.f32 $3.464099650e+00, v3;
	v3 =	vadd.f32 $-5.000000000e-01, v35  }
0x9c: {  	v41 =	vld [tilespmem:$0x18900];
	[tilespmem:$0x18870] =	vst v0;
	v0 =	vmul.f32 $3.464099650e+00, v2;
	v2 =	vadd.f32 $-5.000000000e-01, v36  }
0x9d: {  	v42 =	vld [tilespmem:$0x18910];
	[tilespmem:$0x18880] =	vst v1;
	v1 =	vmul.f32 $3.464099650e+00, v3;
	v3 =	vadd.f32 $-5.000000000e-01, v37  }
0x9e: {  	v43 =	vld [tilespmem:$0x18920];
	[tilespmem:$0x18890] =	vst v0;
	v0 =	vmul.f32 $3.464099650e+00, v2;
	v2 =	vadd.f32 $-5.000000000e-01, v38  }
0x9f: {  	v44 =	vld [tilespmem:$0x18930];
	[tilespmem:$0x188A0] =	vst v1;
	v1 =	vmul.f32 $3.464099650e+00, v3;
	v3 =	vadd.f32 $-5.000000000e-01, v39  }
0xa0: {  	v45 =	vld [tilespmem:$0x18940];
	[tilespmem:$0x188B0] =	vst v0;
	v0 =	vmul.f32 $3.464099650e+00, v2;
	v2 =	vadd.f32 $-5.000000000e-01, v40  }
0xa1: {  	v46 =	vld [tilespmem:$0x18950];
	[tilespmem:$0x188C0] =	vst v1;
	v1 =	vmul.f32 $3.464099650e+00, v3;
	v3 =	vadd.f32 $-5.000000000e-01, v41  }
0xa2: {  	v47 =	vld [tilespmem:$0x18960];
	[tilespmem:$0x188D0] =	vst v0;
	v0 =	vmul.f32 $3.464099650e+00, v2;
	v2 =	vadd.f32 $-5.000000000e-01, v42  }
0xa3: {  	v48 =	vld [tilespmem:$0x18970];
	[tilespmem:$0x188E0] =	vst v1;
	v1 =	vmul.f32 $3.464099650e+00, v3;
	v3 =	vadd.f32 $-5.000000000e-01, v43  }
0xa4: {  	v49 =	vld [tilespmem:$0x18980];
	[tilespmem:$0x188F0] =	vst v0;
	v0 =	vmul.f32 $3.464099650e+00, v2;
	v2 =	vadd.f32 $-5.000000000e-01, v44  }
0xa5: {  	v50 =	vld [tilespmem:$0x18990];
	[tilespmem:$0x18900] =	vst v1;
	v1 =	vmul.f32 $3.464099650e+00, v3;
	v3 =	vadd.f32 $-5.000000000e-01, v45  }
0xa6: {  	v51 =	vld [tilespmem:$0x189A0];
	[tilespmem:$0x18910] =	vst v0;
	v0 =	vmul.f32 $3.464099650e+00, v2;
	v2 =	vadd.f32 $-5.000000000e-01, v46  }
0xa7: {  	v52 =	vld [tilespmem:$0x189B0];
	[tilespmem:$0x18920] =	vst v1;
	v1 =	vmul.f32 $3.464099650e+00, v3;
	v3 =	vadd.f32 $-5.000000000e-01, v47  }
0xa8: {  	v53 =	vld [tilespmem:$0x189C0];
	[tilespmem:$0x18930] =	vst v0;
	v0 =	vmul.f32 $3.464099650e+00, v2;
	v2 =	vadd.f32 $-5.000000000e-01, v48  }
0xa9: {  	v54 =	vld [tilespmem:$0x189D0];
	[tilespmem:$0x18940] =	vst v1;
	v1 =	vmul.f32 $3.464099650e+00, v3;
	v3 =	vadd.f32 $-5.000000000e-01, v49  }
0xaa: {  	v55 =	vld [tilespmem:$0x189E0];
	[tilespmem:$0x18950] =	vst v0;
	v0 =	vmul.f32 $3.464099650e+00, v2;
	v2 =	vadd.f32 $-5.000000000e-01, v50  }
0xab: {  	v56 =	vld [tilespmem:$0x189F0];
	[tilespmem:$0x18960] =	vst v1;
	v1 =	vmul.f32 $3.464099650e+00, v3;
	v3 =	vadd.f32 $-5.000000000e-01, v51  }
0xac: {  	v57 =	vld [tilespmem:$0x18A00];
	[tilespmem:$0x18970] =	vst v0;
	v0 =	vmul.f32 $3.464099650e+00, v2;
	v2 =	vadd.f32 $-5.000000000e-01, v52  }
0xad: {  	v58 =	vld [tilespmem:$0x18A10];
	[tilespmem:$0x18980] =	vst v1;
	v1 =	vmul.f32 $3.464099650e+00, v3;
	v3 =	vadd.f32 $-5.000000000e-01, v53  }
0xae: {  	v59 =	vld [tilespmem:$0x18A20];
	[tilespmem:$0x18990] =	vst v0;
	v0 =	vmul.f32 $3.464099650e+00, v2;
	v2 =	vadd.f32 $-5.000000000e-01, v54  }
0xaf: {  	v60 =	vld [tilespmem:$0x18A30];
	[tilespmem:$0x189A0] =	vst v1;
	v1 =	vmul.f32 $3.464099650e+00, v3;
	v3 =	vadd.f32 $-5.000000000e-01, v55  }
0xb0: {  	v61 =	vld [tilespmem:$0x18A40];
	[tilespmem:$0x189B0] =	vst v0;
	v0 =	vmul.f32 $3.464099650e+00, v2;
	v2 =	vadd.f32 $-5.000000000e-01, v56  }
0xb1: {  	v62 =	vld [tilespmem:$0x18A50];
	[tilespmem:$0x189C0] =	vst v1;
	v1 =	vmul.f32 $3.464099650e+00, v3;
	v3 =	vadd.f32 $-5.000000000e-01, v57  }
0xb2: {  	v63 =	vld [tilespmem:$0x18A60];
	[tilespmem:$0x189D0] =	vst v0;
	v0 =	vmul.f32 $3.464099650e+00, v2;
	v2 =	vadd.f32 $-5.000000000e-01, v58  }
0xb3: {  	[tilespmem:$0x189E0] =	vst v1;
	v1 =	vmul.f32 $3.464099650e+00, v3;
	v3 =	vadd.f32 $-5.000000000e-01, v59  }
0xb4: {  	[tilespmem:$0x189F0] =	vst v0;
	v0 =	vmul.f32 $3.464099650e+00, v2;
	v2 =	vadd.f32 $-5.000000000e-01, v60  }
0xb5: {  	[tilespmem:$0x18A00] =	vst v1;
	v1 =	vmul.f32 $3.464099650e+00, v3;
	v3 =	vadd.f32 $-5.000000000e-01, v61  }
0xb6: {  	[tilespmem:$0x18A10] =	vst v0;
	v0 =	vmul.f32 $3.464099650e+00, v2;
	v2 =	vadd.f32 $-5.000000000e-01, v62  }
0xb7: {  	[tilespmem:$0x18A20] =	vst v1;
	v1 =	vmul.f32 $3.464099650e+00, v3;
	v3 =	vadd.f32 $-5.000000000e-01, v63  }
0xb8: {  	[tilespmem:$0x18A30] =	vst v0;
	v0 =	vmul.f32 $3.464099650e+00, v2  }
0xb9: {  	[tilespmem:$0x18A40] =	vst v1;
	v1 =	vmul.f32 $3.464099650e+00, v3  }
0xba: {  	[tilespmem:$0x18A50] =	vst v0  }
0xbb: {  	s22 =	simm.s32 $0x1864E;
	[tilespmem:$0x18A60] =	vst v1  }
0xbc: {  	s23 =	simm.s32 $0x1886D;
	v0 =	vld [tilespmem:s22+$0x0]  }
0xbd: {  	s24 =	simm.s32 $0x1842F;
	v1 =	vld [tilespmem:s23+$0x0]  }
0xbe: {  	s25 =	sand.u32 $0x1FF, s2;
	v2 =	vld [tilespmem:s24+$0x0]  }
0xbf: {  	v3 =	vld [tilespmem:s25+$0x18210];
	_ =	sdelay $0x2  }
0xc0: {  	v0 =	vsel vm0, v1, v0  }
0xc1: {  	v0 =	vsel vm1, v0, v2  }
0xc2: {  	s19 =	simm.s32 $0x8240;
	v0 =	vsel vm2, v3, v0  }
0xc3: {  	s20 =	simm.s32 $0x1864F;
	[tilespmem:s19+$0x0] =	vst v0  }
0xc4: {  	s21 =	simm.s32 $0x1886E;
	v0 =	vld [tilespmem:s20+$0x0]  }
0xc5: {  	s22 =	simm.s32 $0x1;
	s24 =	simm.s32 $0x2;
	s23 =	simm.s32 $0x18430;
	v1 =	vld [tilespmem:s21+$0x0]  }
.LBB2_2:
0xc6: {  	p0 =	sne.s32 s24, $0x1FF;
	s25 =	sand.u32 $0x1FF, s22;
	v2 =	vld [tilespmem:s23+$0x0];
	s22 =	smov.u32 s24  }
0xc7: {  	v3 =	vld [tilespmem:s25+$0x18210];
	_ =	sdelay $0x2  }
0xc8: {  	v0 =	vsel vm0, v1, v0  }
.Ltmp0:
0xc9: {  	v0 =	vsel vm1, v0, v2;
	(pc) =	sbr.rel @p0 .LBB2_2-.Ltmp0, $4  }
0xca: {  	s19 =	sadd.s32 $0x80, s19;
	v0 =	vsel vm2, v3, v0  }
0xcb: {  	s20 =	sadd.s32 $0x1, s20;
	[tilespmem:s19+$0x0] =	vst v0  }
0xcc: {  	s21 =	sadd.s32 $0x1, s21;
	v0 =	vld [tilespmem:s20+$0x0]  }
0xcd: {  	s24 =	sadd.s32 $0x1, s24;
	s23 =	sadd.s32 $0x1, s23;
	v1 =	vld [tilespmem:s21+$0x0]  }
0xce: {  	s20 =	sand.u32 $0x1FF, s22;
	v2 =	vld [tilespmem:s23+$0x0]  }
0xcf: {  	v3 =	vld [tilespmem:s20+$0x18210];
	_ =	sdelay $0x2  }
0xd0: {  	v0 =	vsel vm0, v1, v0  }
0xd1: {  	v0 =	vsel vm1, v0, v2  }
0xd2: {  	s19 =	sadd.s32 $0x80, s19;
	v0 =	vsel vm2, v3, v0  }
0xd3: {  	[tilespmem:s19+$0x0] =	vst v0  }
0xd4: {  	_ =	swait.ge [sflag:s26], $0x2000  }
0xd5: {  	[sflag:s26] =	ssyncset.done $0x0  }
0xd6: {  	s25 =	simm.s32 $0x0;
	[sflag:s26] =	ssyncadd.s32 $0xFFFFE000  }
0xd7: {  	v63 =	vld [tilespmem:s25+$0x200];
	_ =	sdelay $0x3  }
0xd8: {  	s19 =	simm.s32 $0x8220  }
0xd9: {  	[tilespmem:s19+$0xFFFFFFE0] =	vst v63  }
0xda: {  	v0 =	vld [tilespmem:s25+$0x210];
	_ =	sdelay $0x4  }
0xdb: {  	[tilespmem:s19+$0xFFFFFFF0] =	vst v0  }
0xdc: {  	v0 =	vld [tilespmem:s25+$0x220];
	_ =	sdelay $0x4  }
0xdd: {  	[tilespmem:s19+$0x0] =	vst v0  }
0xde: {  	v0 =	vld [tilespmem:s25+$0x230];
	_ =	sdelay $0x4  }
0xdf: {  	s21 =	simm.s32 $0x200;
	s20 =	simm.s32 $0x40;
	[tilespmem:s19+$0x10] =	vst v0  }
.LBB2_4:
0xe0: {  	p0 =	sne.s32 s21, $0x7F00;
	v0 =	vld [tilespmem:s20+$0x200];
	_ =	sdelay $0x3  }
0xe1: {  	s19 =	sadd.s32 $0x80, s19  }
0xe2: {  	[tilespmem:s19+$0xFFFFFFE0] =	vst v0  }
0xe3: {  	v0 =	vld [tilespmem:s20+$0x210];
	_ =	sdelay $0x4  }
0xe4: {  	[tilespmem:s19+$0xFFFFFFF0] =	vst v0  }
0xe5: {  	v0 =	vld [tilespmem:s20+$0x220];
	_ =	sdelay $0x4  }
0xe6: {  	[tilespmem:s19+$0x0] =	vst v0  }
0xe7: {  	v0 =	vld [tilespmem:s20+$0x230]  }
.Ltmp1:
0xe8: {  	(pc) =	sbr.rel @p0 .LBB2_4-.Ltmp1, $2  }
0xe9: {  	_ =	sdelay $0x2  }
0xea: {  	s20 =	sshra.s32 s21, $0x2;
	s21 =	sadd.s32 $0x100, s21;
	[tilespmem:s19+$0x10] =	vst v0  }
0xeb: {  	v0 =	vld [tilespmem:s20+$0x200];
	_ =	sdelay $0x3  }
0xec: {  	s19 =	sadd.s32 $0x80, s19  }
0xed: {  	[tilespmem:s19+$0xFFFFFFE0] =	vst v0  }
0xee: {  	v0 =	vld [tilespmem:s20+$0x210];
	_ =	sdelay $0x4  }
0xef: {  	[tilespmem:s19+$0xFFFFFFF0] =	vst v0  }
0xf0: {  	v0 =	vld [tilespmem:s20+$0x220];
	_ =	sdelay $0x4  }
0xf1: {  	[tilespmem:s19+$0x0] =	vst v0  }
0xf2: {  	v0 =	vld [tilespmem:s20+$0x230];
	_ =	sdelay $0x4  }
0xf3: {  	[tilespmem:s19+$0x10] =	vst v0  }
0xf4: {  	[hbm4b:s9+s2] =	stream.linear.scatter [tilespmem:s28], [sflag:$0x5], $0x4000, $0x38;
	[tilespmem:$0x18A80] =	vst v63  }
0xf5: {  	_ =	swait.ge [sflag:s29], $0x2000  }
0xf6: {  	[sflag:s29] =	ssyncset.done $0x0  }
0xf7: {  	s19 =	simm.s32 $0x2230;
	[sflag:s29] =	ssyncadd.s32 $0xFFFFE000  }
0xf8: {  	s21 =	simm.s32 $0xFFFF0200;
	s20 =	simm.s32 $0xFFFF0000;
	v0 =	vld [tilespmem:s19+$0xFFFFFFD0]  }
.LBB2_6:
0xf9: {  	p0 =	sne.s32 s21, $0xFFFFFE00;
	_ =	sdelay $0x2  }
0xfa: {  	s22 =	sshra.s32 s20, $0x2;
	s20 =	smov.u32 s21  }
0xfb: {  	[tilespmem:s22+$0x10200] =	vst v0  }
0xfc: {  	v0 =	vld [tilespmem:s19+$0xFFFFFFE0];
	_ =	sdelay $0x4  }
0xfd: {  	[tilespmem:s22+$0x10210] =	vst v0  }
0xfe: {  	v0 =	vld [tilespmem:s19+$0xFFFFFFF0];
	_ =	sdelay $0x4  }
0xff: {  	[tilespmem:s22+$0x10220] =	vst v0  }
0x100: {  	v0 =	vld [tilespmem:s19+$0x0];
	_ =	sdelay $0x1  }
.Ltmp2:
0x101: {  	(pc) =	sbr.rel @p0 .LBB2_6-.Ltmp2, $3  }
0x102: {  	_ =	sdelay $0x1  }
0x103: {  	s19 =	sadd.s32 $0x40, s19;
	[tilespmem:s22+$0x10230] =	vst v0  }
0x104: {  	s21 =	sadd.s32 $0x200, s21;
	v0 =	vld [tilespmem:s19+$0xFFFFFFD0]  }
0x105: {  	_ =	sdelay $0x2  }
0x106: {  	s20 =	sshra.s32 s20, $0x2  }
0x107: {  	[tilespmem:s20+$0x10200] =	vst v0  }
0x108: {  	v0 =	vld [tilespmem:s19+$0xFFFFFFE0];
	_ =	sdelay $0x4  }
0x109: {  	[tilespmem:s20+$0x10210] =	vst v0  }
0x10a: {  	v0 =	vld [tilespmem:s19+$0xFFFFFFF0];
	_ =	sdelay $0x4  }
0x10b: {  	[tilespmem:s20+$0x10220] =	vst v0  }
0x10c: {  	v0 =	vld [tilespmem:s19+$0x0];
	_ =	sdelay $0x4  }
0x10d: {  	[tilespmem:s20+$0x10230] =	vst v0;
	s20 =	simm.s32 $0x0  }
0x10e: {  	[hbm4b:s10+s20] =	stream.linear.scatter [tilespmem:s30], [sflag:$0x5], $0x4000, $0x38;
	[tilespmem:$0x18A80] =	vst v63  }
0x10f: {  	_ =	swait.ge [sflag:s31], $0x2000  }
0x110: {  	[sflag:s31] =	ssyncset.done $0x0  }
0x111: {  	s19 =	simm.s32 $0x4200;
	[sflag:s31] =	ssyncadd.s32 $0xFFFFE000  }
0x112: {  	s21 =	simm.s32 $0x200;
	v0 =	vld [tilespmem:s19+$0x0]  }
.LBB2_8:
0x113: {  	p0 =	sne.s32 s21, $0xFE00;
	_ =	sdelay $0x2  }
0x114: {  	s22 =	sshra.s32 s20, $0x2;
	s20 =	smov.u32 s21  }
0x115: {  	[tilespmem:s22+$0x10200] =	vst v0  }
0x116: {  	v0 =	vld [tilespmem:s19+$0x10];
	_ =	sdelay $0x4  }
0x117: {  	[tilespmem:s22+$0x10210] =	vst v0  }
0x118: {  	v0 =	vld [tilespmem:s19+$0x20];
	_ =	sdelay $0x4  }
0x119: {  	[tilespmem:s22+$0x10220] =	vst v0  }
0x11a: {  	v0 =	vld [tilespmem:s19+$0x30];
	_ =	sdelay $0x1  }
.Ltmp3:
0x11b: {  	(pc) =	sbr.rel @p0 .LBB2_8-.Ltmp3, $3  }
0x11c: {  	_ =	sdelay $0x1  }
0x11d: {  	s19 =	sadd.s32 $0x40, s19;
	[tilespmem:s22+$0x10230] =	vst v0  }
0x11e: {  	s21 =	sadd.s32 $0x200, s21;
	v0 =	vld [tilespmem:s19+$0x0]  }
0x11f: {  	_ =	sdelay $0x2  }
0x120: {  	s20 =	sshra.s32 s20, $0x2  }
0x121: {  	[tilespmem:s20+$0x10200] =	vst v0  }
0x122: {  	v0 =	vld [tilespmem:s19+$0x10];
	_ =	sdelay $0x4  }
0x123: {  	[tilespmem:s20+$0x10210] =	vst v0  }
0x124: {  	v0 =	vld [tilespmem:s19+$0x20];
	_ =	sdelay $0x4  }
0x125: {  	[tilespmem:s20+$0x10220] =	vst v0  }
0x126: {  	v0 =	vld [tilespmem:s19+$0x30];
	_ =	sdelay $0x4  }
0x127: {  	[tilespmem:s20+$0x10230] =	vst v0;
	s20 =	simm.s32 $0x0  }
0x128: {  	[hbm4b:s11+s20] =	stream.linear.scatter [tilespmem:s0], [sflag:$0x5], $0x4000, $0x38;
	[tilespmem:$0x18A80] =	vst v63  }
0x129: {  	_ =	swait.ge [sflag:s1], $0x2000  }
0x12a: {  	[sflag:s1] =	ssyncset.done $0x0  }
0x12b: {  	s19 =	simm.s32 $0x6200;
	[sflag:s1] =	ssyncadd.s32 $0xFFFFE000  }
0x12c: {  	s21 =	simm.s32 $0x200;
	v0 =	vld [tilespmem:s19+$0x0]  }
.LBB2_10:
0x12d: {  	p0 =	sne.s32 s21, $0xFE00;
	_ =	sdelay $0x2  }
0x12e: {  	s22 =	sshra.s32 s20, $0x2;
	s20 =	smov.u32 s21  }
0x12f: {  	[tilespmem:s22+$0x14200] =	vst v0  }
0x130: {  	v0 =	vld [tilespmem:s19+$0x10];
	_ =	sdelay $0x4  }
0x131: {  	[tilespmem:s22+$0x14210] =	vst v0  }
0x132: {  	v0 =	vld [tilespmem:s19+$0x20];
	_ =	sdelay $0x4  }
0x133: {  	[tilespmem:s22+$0x14220] =	vst v0  }
0x134: {  	v0 =	vld [tilespmem:s19+$0x30];
	_ =	sdelay $0x1  }
.Ltmp4:
0x135: {  	(pc) =	sbr.rel @p0 .LBB2_10-.Ltmp4, $3  }
0x136: {  	_ =	sdelay $0x1  }
0x137: {  	s19 =	sadd.s32 $0x40, s19;
	[tilespmem:s22+$0x14230] =	vst v0  }
0x138: {  	s21 =	sadd.s32 $0x200, s21;
	v0 =	vld [tilespmem:s19+$0x0]  }
0x139: {  	_ =	sdelay $0x2  }
0x13a: {  	s20 =	sshra.s32 s20, $0x2  }
0x13b: {  	[tilespmem:s20+$0x14200] =	vst v0  }
0x13c: {  	v0 =	vld [tilespmem:s19+$0x10];
	_ =	sdelay $0x4  }
0x13d: {  	[tilespmem:s20+$0x14210] =	vst v0  }
0x13e: {  	v0 =	vld [tilespmem:s19+$0x20];
	_ =	sdelay $0x4  }
0x13f: {  	[tilespmem:s20+$0x14220] =	vst v0  }
0x140: {  	v0 =	vld [tilespmem:s19+$0x30];
	_ =	sdelay $0x4  }
0x141: {  	[tilespmem:s20+$0x14230] =	vst v0  }
0x142: {  	[hbm4b:s12+s2] =	stream.linear.scatter [tilespmem:s16], [sflag:$0x5], $0x4000, $0x38;
	[tilespmem:$0x18A80] =	vst v63  }
0x143: {  	_ =	swait.ge [sflag:s17], $0x4000  }
0x144: {  	[sflag:s17] =	ssyncset.done $0x0  }
0x145: {  	[sflag:s17] =	ssyncadd.s32 $0xFFFFC000  }
0x146: {  	_ =	swait.ge [sflag:s17], $0x4000  }
0x147: {  	[sflag:s17] =	ssyncset.done $0x0  }
0x148: {  	s18 =	sadd.s32 $0x1, s18;
	[sflag:s17] =	ssyncadd.s32 $0xFFFFC000  }
0x149: {  	p0 =	sne.s32 s18, s13;
	_ =	swait.ge [sflag:s17], $0x4000  }
.Ltmp5:
0x14a: {  	[sflag:s17] =	ssyncset.done $0x0;
	(pc) =	sbr.rel @p0 .LBB2_1-.Ltmp5, $4  }
0x14b: {  	[sflag:s17] =	ssyncadd.s32 $0xFFFFC000  }
0x14c: {  	_ =	swait.ge [sflag:s17], $0x4000  }
0x14d: {  	[sflag:s17] =	ssyncset.done $0x0  }
0x14e: {  	[sflag:s17] =	ssyncadd.s32 $0xFFFFC000  }
0x14f: {  	_ =	sfence.sel $0x180000  }
0x150: {  	[bflag:$0x0] =	sbarrier.arrive $0xFFFF  }
0x151: {  	_ =	strace $0x90000047  }
0x152: {  	s0 =	stileid.u32;
	[bflag:$0x2] =	sbarrier.arrive $0xFFFF  }
0x153: {  	p0 =	sne.s32 s0, $0x0;
	s0 =	rddreg [dreg:$0x6]  }
0x154: {  	s0 =	sadd.s32 @!p0 $0x100000, s0  }
0x155: {  	[sflag:s0] =	ssyncadd.tile.s32 @!p0 $0x1;
	_ =	shalt  }
.Lfunc_end2:
_tile_overlayer_lowered:
.L_overlay_start_2:
0x156: {  	(tag) =	ssettag $0x2  }
0x157: {  	s0 =	rddreg [dreg:$0x0];
	s2 =	stileid.u32  }
0x158: {  	s1 =	rddreg [dreg:$0x1];
	p0 =	sne.s32 s2, $0x0  }
0x159: {  	s3 =	rddreg [dreg:$0x2];
	[bflag:$0x3] =	sbarrier.arrive $0xFFFF;
	s2 =	simm.s32 @!p0 $0x1C06  }
0x15a: {  	[timem:s3], [sflag:s2] =	dma.local @!p0 [hbm:s0], s1  }
0x15b: {  	s0 =	simm.s32 @!p0 $0x6  }
0x15c: {  	_ =	swait.ge @!p0 [sflag:s0], s1  }
0x15d: {  	s1 =	ssub.s32 @!p0 $0x0, s1;
	[sflag:s0] =	ssyncset.done @!p0 $0x0  }
0x15e: {  	[sflag:s0] =	ssyncadd.s32 @!p0 s1  }
0x15f: {  	[bflag:$0x3] =	sbarrier.arrive $0xFFFF  }
0x160: {  	_ =	shalt  }

</sc_bundles>
